<compile_context>
chip_gen: v7x
topology: tpu7x:2x2x1
jax: 0.10.2.dev20260603
libtpu: 0.0.44.dev20260713+nightly
codegen_flags: <defaults>
</compile_context>

<pallas_src>
import functools

import jax
import jax.numpy as jnp
from jax import lax
from jax.experimental import pallas as pl
from jax.experimental.pallas import tpu as pltpu
from jax.experimental.pallas import tpu_sc as plsc

N = 10000
M = 5000
E = 320000
D = 128
MP = 5120
NP = 10240
C = 128
NCHUNK = E // C
NW = 32
BASE = NCHUNK // NW
EXTRA = NCHUNK - BASE * NW
NBUF = 4
NBLK = BASE // NBUF
TAIL = BASE - NBLK * NBUF
NPAIR = BASE // 2

_mesh = plsc.VectorSubcoreMesh(core_axis_name="c", subcore_axis_name="s")


@functools.partial(
    pl.kernel,
    mesh=_mesh,
    out_type=[
        jax.ShapeDtypeStruct((2, MP, D), jnp.float32),
        jax.ShapeDtypeStruct((2 * MP,), jnp.float32),
    ],
    scratch_types=[
        pltpu.VMEM((BASE + 1, 2, C), jnp.int32),
        pltpu.VMEM((NBUF, C, D), jnp.float32),
        pltpu.VMEM((C,), jnp.float32),
        pltpu.VMEM((MP // 16,), jnp.float32),
        pltpu.VMEM_SHARED((MP, D), jnp.float32),
        pltpu.VMEM_SHARED((MP,), jnp.float32),
    ] + [pltpu.SemaphoreType.DMA] * (3 * NBUF),
)
def _sc_phase1(vfeat, idx2, z2d, z1d, ones, sums_out, cnt_out,
               idx_a, rows_v, ones_v, cnt_b, acc_sp, cnt_sp, *sems):
    cid = lax.axis_index("c")
    sid = lax.axis_index("s")
    wid = sid * 2 + cid
    rpt = MP // 16
    r0 = sid * rpt
    sg = sems[:NBUF]
    ss = sems[NBUF:2 * NBUF]
    sc = sems[2 * NBUF:]

    base0 = wid * BASE
    pltpu.sync_copy(idx2.at[pl.ds(base0, BASE)], idx_a.at[pl.ds(0, BASE)])
    pltpu.sync_copy(z2d.at[pl.ds(0, rpt)], acc_sp.at[pl.ds(r0, rpt)])
    pltpu.sync_copy(z1d.at[pl.ds(r0, rpt)], cnt_b)
    pltpu.sync_copy(cnt_b, cnt_sp.at[pl.ds(r0, rpt)])
    pltpu.sync_copy(ones, ones_v)
    plsc.subcore_barrier()

    def start_gather(k, j):
        pltpu.async_copy(vfeat.at[idx_a.at[k, 0]], rows_v.at[j], sg[j])

    def wait_gather(j):
        pltpu.make_async_copy(vfeat.at[idx_a.at[0, 0]], rows_v.at[j], sg[j]).wait()

    def wait_scatters(j):
        pltpu.make_async_copy(rows_v.at[j], acc_sp.at[idx_a.at[0, 1]], ss[j]).wait()
        pltpu.make_async_copy(ones_v, cnt_sp.at[idx_a.at[0, 1]], sc[j]).wait()

    for k in range(NBUF - 1):
        start_gather(k, k)

    def body(b, carry):
        i0 = b * NBUF
        for j in range(NBUF):
            i = i0 + j
            wait_gather(j)
            pltpu.async_copy(rows_v.at[j], acc_sp.at[idx_a.at[i, 1]], ss[j], add=True)
            pltpu.async_copy(ones_v, cnt_sp.at[idx_a.at[i, 1]], sc[j], add=True)
            jn = (j + NBUF - 1) % NBUF
            if j == 0:
                @pl.when(b > 0)
                def _():
                    wait_scatters(jn)
            else:
                wait_scatters(jn)

            @pl.when(i + NBUF - 1 < BASE)
            def _():
                start_gather(i + NBUF - 1, jn)

        return carry

    lax.fori_loop(0, NBLK, body, 0)
    for t in range(TAIL):
        i = NBLK * NBUF + t
        wait_gather(t)
        pltpu.async_copy(rows_v.at[t], acc_sp.at[idx_a.at[i, 1]], ss[t], add=True)
        pltpu.async_copy(ones_v, cnt_sp.at[idx_a.at[i, 1]], sc[t], add=True)
        wait_scatters((t + NBUF - 1) % NBUF)
    wait_scatters((BASE - 1) % NBUF)

    @pl.when(wid < EXTRA)
    def _():
        pltpu.sync_copy(idx2.at[NW * BASE + wid], idx_a.at[BASE])
        pltpu.async_copy(vfeat.at[idx_a.at[BASE, 0]], rows_v.at[0], sg[0]).wait()
        pltpu.sync_copy(rows_v.at[0], acc_sp.at[idx_a.at[BASE, 1]], add=True)
        pltpu.sync_copy(ones_v, cnt_sp.at[idx_a.at[BASE, 1]], add=True)

    plsc.subcore_barrier()
    pltpu.sync_copy(acc_sp.at[pl.ds(r0, rpt)], sums_out.at[cid, pl.ds(r0, rpt)])
    pltpu.sync_copy(cnt_sp.at[pl.ds(r0, rpt)], cnt_b)
    pltpu.sync_copy(cnt_b, cnt_out.at[pl.ds(cid * MP + r0, rpt)])


@functools.partial(
    pl.kernel,
    mesh=_mesh,
    out_type=jax.ShapeDtypeStruct((2, NP, D), jnp.float32),
    scratch_types=[
        pltpu.VMEM((BASE + 1, 1, C), jnp.int32),
        pltpu.VMEM((2, 1, C), jnp.int32),
        pltpu.VMEM((2, C, D), jnp.float32),
        pltpu.VMEM_SHARED((NP, D), jnp.float32),
        pltpu.SemaphoreType.DMA, pltpu.SemaphoreType.DMA,
        pltpu.SemaphoreType.DMA, pltpu.SemaphoreType.DMA,
        pltpu.SemaphoreType.DMA, pltpu.SemaphoreType.DMA,
    ],
)
def _sc_phase2(etmp, idx_h, idx_n, z2d, vagg_out, hidx_a, sidx, rows_v, acc_sp,
               si0, si1, sg0, sg1, ss0, ss1):
    cid = lax.axis_index("c")
    sid = lax.axis_index("s")
    wid = sid * 2 + cid
    rpt = NP // 16
    r0 = sid * rpt
    si = (si0, si1)
    sg = (sg0, sg1)
    ss = (ss0, ss1)

    base0 = wid * BASE
    pltpu.sync_copy(idx_h.at[pl.ds(base0, BASE)], hidx_a.at[pl.ds(0, BASE)])
    pltpu.sync_copy(z2d.at[pl.ds(0, rpt)], acc_sp.at[pl.ds(r0, rpt)])
    plsc.subcore_barrier()

    def start_gather(k, j):
        pltpu.async_copy(etmp.at[hidx_a.at[k, 0]], rows_v.at[j], sg[j])

    def wait_gather(j):
        pltpu.make_async_copy(etmp.at[hidx_a.at[0, 0]], rows_v.at[j], sg[j]).wait()

    def wait_scatter(j):
        pltpu.make_async_copy(rows_v.at[j], acc_sp.at[sidx.at[j, 0]], ss[j]).wait()

    def wait_sidx(j):
        pltpu.make_async_copy(idx_n.at[0], sidx.at[j], si[j]).wait()

    pltpu.sync_copy(idx_n.at[base0], sidx.at[0])
    start_gather(0, 0)

    def body(b, carry):
        for j in range(2):
            i = 2 * b + j
            if j == 1:
                wait_sidx(1)
            else:
                @pl.when(b > 0)
                def _():
                    wait_sidx(0)
            wait_gather(j)
            pltpu.async_copy(rows_v.at[j], acc_sp.at[sidx.at[j, 0]], ss[j], add=True)
            if j == 0:
                @pl.when(b > 0)
                def _():
                    wait_scatter(1)

                pltpu.async_copy(idx_n.at[base0 + i + 1], sidx.at[1], si[1])
                start_gather(i + 1, 1)
            else:
                wait_scatter(0)

                @pl.when(b < NPAIR - 1)
                def _():
                    pltpu.async_copy(idx_n.at[base0 + i + 1], sidx.at[0], si[0])
                    start_gather(i + 1, 0)
        return carry

    lax.fori_loop(0, NPAIR, body, 0)
    wait_scatter((BASE - 1) % 2)

    @pl.when(wid < EXTRA)
    def _():
        c = NW * BASE + wid
        pltpu.sync_copy(idx_h.at[c], hidx_a.at[BASE])
        pltpu.sync_copy(idx_n.at[c], sidx.at[0])
        pltpu.async_copy(etmp.at[hidx_a.at[BASE, 0]], rows_v.at[0], sg[0]).wait()
        pltpu.sync_copy(rows_v.at[0], acc_sp.at[sidx.at[0, 0]], add=True)

    plsc.subcore_barrier()
    pltpu.sync_copy(acc_sp.at[pl.ds(r0, rpt)], vagg_out.at[cid, pl.ds(r0, rpt)])


def _tc1_body(sums_ref, cnt_ref, dege_ref, ef_ref, etmp_ref):
    s = sums_ref[0] + sums_ref[1]
    c = cnt_ref[0] + cnt_ref[1]
    ef = s / jnp.maximum(c, 1.0)
    ef_ref[...] = ef
    etmp_ref[...] = ef * dege_ref[...]


_tc1 = pl.pallas_call(
    _tc1_body,
    out_shape=[
        jax.ShapeDtypeStruct((MP, D), jnp.float32),
        jax.ShapeDtypeStruct((MP, D), jnp.float32),
    ],
)

RB = 1000


def _tc2_body(vagg_ref, degv_ref, vf0_ref, w_ref, ab_ref, out_ref):
    a = ab_ref[0:1, 0:1]
    b = ab_ref[0:1, 1:2]
    va = vagg_ref[0] + vagg_ref[1]
    vi = (1.0 - a) * degv_ref[...] * va + a * vf0_ref[...]
    vw = lax.dot_general(vi, w_ref[...], (((1,), (1,)), ((), ())),
                         preferred_element_type=jnp.float32,
                         precision=lax.Precision.HIGHEST)
    out_ref[...] = (1.0 - b) * vi + b * vw


_tc2 = pl.pallas_call(
    _tc2_body,
    grid=(N // RB,),
    in_specs=[
        pl.BlockSpec((2, RB, D), lambda i: (0, i, 0)),
        pl.BlockSpec((RB, 1), lambda i: (i, 0)),
        pl.BlockSpec((RB, D), lambda i: (i, 0)),
        pl.BlockSpec((D, D), lambda i: (0, 0)),
        pl.BlockSpec((1, 2), lambda i: (0, 0)),
    ],
    out_specs=pl.BlockSpec((RB, D), lambda i: (i, 0)),
    out_shape=jax.ShapeDtypeStruct((N, D), jnp.float32),
)


def kernel(vfeat, efeat, degE, degV, vfeat0, W, node_idx, hedge_idx, alpha, beta):
    del efeat
    idx2 = jnp.stack(
        [node_idx.reshape(NCHUNK, C), hedge_idx.reshape(NCHUNK, C)], axis=1)
    z2d = jnp.zeros((NP // 16, D), jnp.float32)
    z1d = jnp.zeros((MP,), jnp.float32)
    ones = jnp.ones((C,), jnp.float32)

    sums, cnt = _sc_phase1(vfeat, idx2, z2d, z1d, ones)

    dege_col = jnp.concatenate(
        [degE, jnp.zeros((MP - M,), jnp.float32)]).reshape(MP, 1)
    ef_pad, etmp_pad = _tc1(sums, cnt.reshape(2, MP, 1), dege_col)

    vagg = _sc_phase2(etmp_pad, hedge_idx.reshape(NCHUNK, 1, C),
                      node_idx.reshape(NCHUNK, 1, C), z2d)

    ab = jnp.stack([alpha, beta]).astype(jnp.float32).reshape(1, 2)
    v = _tc2(vagg, degV.reshape(N, 1), vfeat0, W, ab)
    return (v, ef_pad[:M])

# --- scband reference (transcript-rebuilt; emitter-appended) ---
"""Pipeline reference for scband-uni-gcniilayer-2576980378136 (READ-ONLY COPY).

The authoritative reference and input builder live on the scoring server;
editing this copy changes nothing except your own understanding.
"""

import jax, jax.numpy as jnp
import numpy as np

N = 10000   # nodes
M = 5000    # hyperedges
E = 320000  # incidences
D = 128

def setup_inputs(seed: int = 0) -> dict:
    key = jax.random.key(seed)
    ks = jax.random.split(key, 8)
    vfeat = jax.random.normal(ks[0], (N, D), dtype=jnp.float32)
    efeat = jax.random.normal(ks[1], (M, D), dtype=jnp.float32)
    degE = jax.random.uniform(ks[2], (M,), dtype=jnp.float32)
    degV = jax.random.uniform(ks[3], (N,), dtype=jnp.float32)
    vfeat0 = jax.random.normal(ks[4], (N, D), dtype=jnp.float32)
    W = jax.random.normal(ks[5], (D, D), dtype=jnp.float32) * 0.05
    node_idx = jax.random.randint(ks[6], (E,), 0, N, dtype=jnp.int32)
    hedge_idx = jax.random.randint(ks[7], (E,), 0, M, dtype=jnp.int32)
    return {"vfeat": vfeat, "efeat": efeat, "degE": degE, "degV": degV,
            "vfeat0": vfeat0, "W": W, "node_idx": node_idx, "hedge_idx": hedge_idx,
            "alpha": 0.1, "beta": 0.5}

def reference(vfeat, efeat, degE, degV, vfeat0, W, node_idx, hedge_idx, alpha, beta):
    # Phase 1 (g1, etype 'in'): hyperedge feat = mean of incident node feats
    msg1 = jnp.take(vfeat, node_idx, axis=0)
    sums = jax.ops.segment_sum(msg1, hedge_idx, num_segments=M)
    cnt = jax.ops.segment_sum(jnp.ones((node_idx.shape[0],), dtype=vfeat.dtype), hedge_idx, num_segments=M)
    efeat_new = sums / jnp.clip(cnt, 1.0)[:, None]
    # Phase 2 (g2, etype 'con'): weight = degE[src_hyperedge] * degV[dst_node]
    w = jnp.take(degE, hedge_idx) * jnp.take(degV, node_idx)
    msg2 = w[:, None] * jnp.take(efeat_new, hedge_idx, axis=0)
    vagg = jax.ops.segment_sum(msg2, node_idx, num_segments=N)
    vi = (1.0 - alpha) * vagg + alpha * vfeat0
    v = (1.0 - beta) * vi + beta * (vi @ W.T)
    return (v, efeat_new)

if __name__ == "__main__":
    import jax
    _d = setup_inputs()
    print(jax.jit(kernel)(*tuple(_d.values())))

</pallas_src>

<mosaic_0001>
#map = affine_map<(d0, d1) -> (0, 0)>
#map1 = affine_map<(d0, d1) -> (0, 0, 0)>
#map2 = affine_map<(d0, d1) -> (0)>
module attributes {stable_mosaic.version = 14 : i64} {
  func.func @_sc_phase1(%arg0: i32, %arg1: i32, %arg2: memref<10000x128xf32, #tpu.memory_space<hbm>>, %arg3: memref<2500x2x128xi32, #tpu.memory_space<hbm>>, %arg4: memref<640x128xf32, #tpu.memory_space<hbm>>, %arg5: memref<5120xf32, #tpu.memory_space<hbm>>, %arg6: memref<128xf32, #tpu.memory_space<hbm>>, %arg7: memref<2x5120x128xf32, #tpu.memory_space<hbm>>, %arg8: memref<10240xf32, #tpu.memory_space<hbm>>, %arg9: memref<79x2x128xi32, #tpu.memory_space<vmem>>, %arg10: memref<4x128x128xf32, #tpu.memory_space<vmem>>, %arg11: memref<128xf32, #tpu.memory_space<vmem>>, %arg12: memref<320xf32, #tpu.memory_space<vmem>>, %arg13: memref<5120x128xf32, #tpu.memory_space<vmem_shared>>, %arg14: memref<5120xf32, #tpu.memory_space<vmem_shared>>, %arg15: memref<!tpu.dma_semaphore, #tpu.memory_space<semaphore_mem>>, %arg16: memref<!tpu.dma_semaphore, #tpu.memory_space<semaphore_mem>>, %arg17: memref<!tpu.dma_semaphore, #tpu.memory_space<semaphore_mem>>, %arg18: memref<!tpu.dma_semaphore, #tpu.memory_space<semaphore_mem>>, %arg19: memref<!tpu.dma_semaphore, #tpu.memory_space<semaphore_mem>>, %arg20: memref<!tpu.dma_semaphore, #tpu.memory_space<semaphore_mem>>, %arg21: memref<!tpu.dma_semaphore, #tpu.memory_space<semaphore_mem>>, %arg22: memref<!tpu.dma_semaphore, #tpu.memory_space<semaphore_mem>>, %arg23: memref<!tpu.dma_semaphore, #tpu.memory_space<semaphore_mem>>, %arg24: memref<!tpu.dma_semaphore, #tpu.memory_space<semaphore_mem>>, %arg25: memref<!tpu.dma_semaphore, #tpu.memory_space<semaphore_mem>>, %arg26: memref<!tpu.dma_semaphore, #tpu.memory_space<semaphore_mem>>) attributes {dimension_semantics = [#tpu.dimension_semantics<core_parallel>, #tpu.dimension_semantics<subcore_parallel>], iteration_bounds = array<i64: 2, 16>, scalar_prefetch = 0 : i64, scratch_operands = 18 : i64, tpu.core_type = #tpu.core_type<sc_vector_subcore>, window_params = [{transform_indices = #map}, {transform_indices = #map1}, {transform_indices = #map}, {transform_indices = #map2}, {transform_indices = #map2}, {transform_indices = #map1}, {transform_indices = #map2}]} {
    %mul3A = arith.constant 2 : i32
    %mul3A_0 = arith.muli %arg1, %mul3A : i32
    %add3A = arith.addi %mul3A_0, %arg0 : i32
    %mul3A_1 = arith.constant 320 : i32
    %mul3A_2 = arith.muli %arg1, %mul3A_1 : i32
    %mul3A_3 = arith.constant 78 : i32
    %mul3A_4 = arith.muli %add3A, %mul3A_3 : i32
    "tpu.region"() ({
      %run_scoped3A = tpu.sem_alloc : memref<!tpu.dma_semaphore, #tpu.memory_space<semaphore_mem>>
      %dma_start3A_179 = arith.constant 0 : i32
      %dma_start3A_180 = arith.constant 0 : i32
      %dma_start3A_181 = arith.constant 0 : i32
      %dma_start3A_182 = tpu.memref_slice %arg9[%dma_start3A_179, %dma_start3A_180, %dma_start3A_181] : memref<79x2x128xi32, #tpu.memory_space<vmem>> -> memref<78x2x128xi32, #tpu.memory_space<vmem>>
      %dma_start3A_183 = arith.constant 0 : i32
      %dma_start3A_184 = arith.constant 0 : i32
      %dma_start3A_185 = tpu.memref_slice %arg3[%mul3A_4, %dma_start3A_183, %dma_start3A_184] : memref<2500x2x128xi32, #tpu.memory_space<hbm>> -> memref<78x2x128xi32, #tpu.memory_space<hbm>>
      %dma_start3A_186 = arith.constant 0 : i32
      %dma_start3A_187 = arith.constant 0 : i32
      %dma_start3A_188 = arith.constant 0 : i32
      %dma_start3A_189 = tpu.memref_slice %arg9[%dma_start3A_186, %dma_start3A_187, %dma_start3A_188] : memref<79x2x128xi32, #tpu.memory_space<vmem>> -> memref<78x2x128xi32, #tpu.memory_space<vmem>>
      %dma_start3A_190 = arith.constant 0 : i32
      %dma_start3A_191 = arith.constant 0 : i32
      %dma_start3A_192 = tpu.memref_slice %arg3[%mul3A_4, %dma_start3A_190, %dma_start3A_191] : memref<2500x2x128xi32, #tpu.memory_space<hbm>> -> memref<78x2x128xi32, #tpu.memory_space<hbm>>
      tpu.enqueue_dma source(%dma_start3A_192 : memref<78x2x128xi32, #tpu.memory_space<hbm>>) target(%dma_start3A_189 : memref<78x2x128xi32, #tpu.memory_space<vmem>>) target_semaphore(%run_scoped3A : memref<!tpu.dma_semaphore, #tpu.memory_space<semaphore_mem>>)
      %dma_wait3A_193 = arith.constant 0 : i32
      %dma_wait3A_194 = arith.constant 0 : i32
      %dma_wait3A_195 = arith.constant 0 : i32
      %dma_wait3A_196 = tpu.memref_slice %arg9[%dma_wait3A_193, %dma_wait3A_194, %dma_wait3A_195] : memref<79x2x128xi32, #tpu.memory_space<vmem>> -> memref<78x2x128xi32, #tpu.memory_space<vmem>>
      %dma_wait3A_197 = arith.constant 0 : i32
      %dma_wait3A_198 = arith.constant 0 : i32
      %dma_wait3A_199 = tpu.memref_slice %arg3[%mul3A_4, %dma_wait3A_197, %dma_wait3A_198] : memref<2500x2x128xi32, #tpu.memory_space<hbm>> -> memref<78x2x128xi32, #tpu.memory_space<hbm>>
      %dma_wait3A_200 = arith.constant 0 : i32
      %dma_wait3A_201 = arith.constant 0 : i32
      %dma_wait3A_202 = arith.constant 0 : i32
      %dma_wait3A_203 = tpu.memref_slice %arg9[%dma_wait3A_200, %dma_wait3A_201, %dma_wait3A_202] : memref<79x2x128xi32, #tpu.memory_space<vmem>> -> memref<78x2x128xi32, #tpu.memory_space<vmem>>
      %dma_wait3A_204 = arith.constant 0 : i32
      %dma_wait3A_205 = arith.constant 0 : i32
      %dma_wait3A_206 = tpu.memref_slice %arg3[%mul3A_4, %dma_wait3A_204, %dma_wait3A_205] : memref<2500x2x128xi32, #tpu.memory_space<hbm>> -> memref<78x2x128xi32, #tpu.memory_space<hbm>>
      tpu.wait_dma2 semaphore(%run_scoped3A : memref<!tpu.dma_semaphore, #tpu.memory_space<semaphore_mem>>) src(%dma_wait3A_206 : memref<78x2x128xi32, #tpu.memory_space<hbm>>) dst(%dma_wait3A_203 : memref<78x2x128xi32, #tpu.memory_space<vmem>>)
      tpu.yield
    }) : () -> ()
    "tpu.region"() ({
      %run_scoped3A = tpu.sem_alloc : memref<!tpu.dma_semaphore, #tpu.memory_space<semaphore_mem>>
      %dma_start3A_179 = arith.constant 0 : i32
      %dma_start3A_180 = tpu.memref_slice %arg13[%mul3A_2, %dma_start3A_179] : memref<5120x128xf32, #tpu.memory_space<vmem_shared>> -> memref<320x128xf32, #tpu.memory_space<vmem_shared>>
      %dma_start3A_181 = arith.constant 0 : i32
      %dma_start3A_182 = arith.constant 0 : i32
      %dma_start3A_183 = tpu.memref_slice %arg4[%dma_start3A_181, %dma_start3A_182] : memref<640x128xf32, #tpu.memory_space<hbm>> -> memref<320x128xf32, #tpu.memory_space<hbm>>
      tpu.enqueue_dma source(%dma_start3A_183 : memref<320x128xf32, #tpu.memory_space<hbm>>) target(%dma_start3A_180 : memref<320x128xf32, #tpu.memory_space<vmem_shared>>) target_semaphore(%run_scoped3A : memref<!tpu.dma_semaphore, #tpu.memory_space<semaphore_mem>>)
      %dma_wait3A_184 = arith.constant 0 : i32
      %dma_wait3A_185 = tpu.memref_slice %arg13[%mul3A_2, %dma_wait3A_184] : memref<5120x128xf32, #tpu.memory_space<vmem_shared>> -> memref<320x128xf32, #tpu.memory_space<vmem_shared>>
      %dma_wait3A_186 = arith.constant 0 : i32
      %dma_wait3A_187 = arith.constant 0 : i32
      %dma_wait3A_188 = tpu.memref_slice %arg4[%dma_wait3A_186, %dma_wait3A_187] : memref<640x128xf32, #tpu.memory_space<hbm>> -> memref<320x128xf32, #tpu.memory_space<hbm>>
      tpu.wait_dma2 semaphore(%run_scoped3A : memref<!tpu.dma_semaphore, #tpu.memory_space<semaphore_mem>>) src(%dma_wait3A_188 : memref<320x128xf32, #tpu.memory_space<hbm>>) dst(%dma_wait3A_185 : memref<320x128xf32, #tpu.memory_space<vmem_shared>>)
      tpu.yield
    }) : () -> ()
    "tpu.region"() ({
      %run_scoped3A = tpu.sem_alloc : memref<!tpu.dma_semaphore, #tpu.memory_space<semaphore_mem>>
      %dma_start3A_179 = tpu.memref_slice %arg5[%mul3A_2] : memref<5120xf32, #tpu.memory_space<hbm>> -> memref<320xf32, #tpu.memory_space<hbm>>
      %dma_start3A_180 = tpu.memref_slice %arg5[%mul3A_2] : memref<5120xf32, #tpu.memory_space<hbm>> -> memref<320xf32, #tpu.memory_space<hbm>>
      tpu.enqueue_dma source(%dma_start3A_180 : memref<320xf32, #tpu.memory_space<hbm>>) target(%arg12 : memref<320xf32, #tpu.memory_space<vmem>>) target_semaphore(%run_scoped3A : memref<!tpu.dma_semaphore, #tpu.memory_space<semaphore_mem>>)
      %dma_wait3A_181 = tpu.memref_slice %arg5[%mul3A_2] : memref<5120xf32, #tpu.memory_space<hbm>> -> memref<320xf32, #tpu.memory_space<hbm>>
      %dma_wait3A_182 = tpu.memref_slice %arg5[%mul3A_2] : memref<5120xf32, #tpu.memory_space<hbm>> -> memref<320xf32, #tpu.memory_space<hbm>>
      tpu.wait_dma2 semaphore(%run_scoped3A : memref<!tpu.dma_semaphore, #tpu.memory_space<semaphore_mem>>) src(%dma_wait3A_182 : memref<320xf32, #tpu.memory_space<hbm>>) dst(%arg12 : memref<320xf32, #tpu.memory_space<vmem>>)
      tpu.yield
    }) : () -> ()
    "tpu.region"() ({
      %run_scoped3A = tpu.sem_alloc : memref<!tpu.dma_semaphore, #tpu.memory_space<semaphore_mem>>
      %dma_start3A_179 = tpu.memref_slice %arg14[%mul3A_2] : memref<5120xf32, #tpu.memory_space<vmem_shared>> -> memref<320xf32, #tpu.memory_space<vmem_shared>>
      %dma_start3A_180 = tpu.memref_slice %arg14[%mul3A_2] : memref<5120xf32, #tpu.memory_space<vmem_shared>> -> memref<320xf32, #tpu.memory_space<vmem_shared>>
      tpu.enqueue_dma source(%arg12 : memref<320xf32, #tpu.memory_space<vmem>>) target(%dma_start3A_180 : memref<320xf32, #tpu.memory_space<vmem_shared>>) target_semaphore(%run_scoped3A : memref<!tpu.dma_semaphore, #tpu.memory_space<semaphore_mem>>)
      %dma_wait3A_181 = tpu.memref_slice %arg14[%mul3A_2] : memref<5120xf32, #tpu.memory_space<vmem_shared>> -> memref<320xf32, #tpu.memory_space<vmem_shared>>
      %dma_wait3A_182 = tpu.memref_slice %arg14[%mul3A_2] : memref<5120xf32, #tpu.memory_space<vmem_shared>> -> memref<320xf32, #tpu.memory_space<vmem_shared>>
      tpu.wait_dma2 semaphore(%run_scoped3A : memref<!tpu.dma_semaphore, #tpu.memory_space<semaphore_mem>>) src(%arg12 : memref<320xf32, #tpu.memory_space<vmem>>) dst(%dma_wait3A_182 : memref<320xf32, #tpu.memory_space<vmem_shared>>)
      tpu.yield
    }) : () -> ()
    "tpu.region"() ({
      %run_scoped3A = tpu.sem_alloc : memref<!tpu.dma_semaphore, #tpu.memory_space<semaphore_mem>>
      tpu.enqueue_dma source(%arg6 : memref<128xf32, #tpu.memory_space<hbm>>) target(%arg11 : memref<128xf32, #tpu.memory_space<vmem>>) target_semaphore(%run_scoped3A : memref<!tpu.dma_semaphore, #tpu.memory_space<semaphore_mem>>)
      tpu.wait_dma2 semaphore(%run_scoped3A : memref<!tpu.dma_semaphore, #tpu.memory_space<semaphore_mem>>) src(%arg6 : memref<128xf32, #tpu.memory_space<hbm>>) dst(%arg11 : memref<128xf32, #tpu.memory_space<vmem>>)
      tpu.yield
    }) : () -> ()
    %barrier3A = arith.constant 0 : index
    tpu.barrier barrier_id(%barrier3A)
    %dma_start3A = arith.constant 0 : i32
    %dma_start3A_5 = arith.constant 0 : i32
    %dma_start3A_6 = arith.constant 0 : i32
    %dma_start3A_7 = arith.constant 0 : i32
    %dma_start3A_8 = arith.constant 0 : i32
    %dma_start3A_9 = tpu.memref_slice %arg10[%dma_start3A_6, %dma_start3A_7, %dma_start3A_8] : memref<4x128x128xf32, #tpu.memory_space<vmem>> -> memref<1x128x128xf32, #tpu.memory_space<vmem>>
    %dma_start3A_10 = tpu.memref_squeeze %dma_start3A_9 : memref<1x128x128xf32, #tpu.memory_space<vmem>> -> memref<128x128xf32, #tpu.memory_space<vmem>>
    %dma_start3A_11 = arith.constant 0 : i32
    %dma_start3A_12 = tpu.memref_slice %arg9[%dma_start3A, %dma_start3A_5, %dma_start3A_11] : memref<79x2x128xi32, #tpu.memory_space<vmem>> -> memref<1x1x128xi32, #tpu.memory_space<vmem>>
    %dma_start3A_13 = tpu.memref_squeeze %dma_start3A_12 : memref<1x1x128xi32, #tpu.memory_space<vmem>> -> memref<128xi32, #tpu.memory_space<vmem>>
    %dma_start3A_14 = arith.constant 0 : i32
    %dma_start3A_15 = arith.constant 0 : i32
    %dma_start3A_16 = tpu.memref_slice %arg2[%dma_start3A_14, %dma_start3A_15] : memref<10000x128xf32, #tpu.memory_space<hbm>> -> memref<10000x128xf32, #tpu.memory_space<hbm>>
    tpu.enqueue_indirect_dma source(%dma_start3A_16 : memref<10000x128xf32, #tpu.memory_space<hbm>>) target(%dma_start3A_10 : memref<128x128xf32, #tpu.memory_space<vmem>>) offsets(%dma_start3A_13 : memref<128xi32, #tpu.memory_space<vmem>>) semaphore(%arg15 : memref<!tpu.dma_semaphore, #tpu.memory_space<semaphore_mem>>)
    %dma_start3A_17 = arith.constant 1 : i32
    %dma_start3A_18 = arith.constant 0 : i32
    %dma_start3A_19 = arith.constant 1 : i32
    %dma_start3A_20 = arith.constant 0 : i32
    %dma_start3A_21 = arith.constant 0 : i32
    %dma_start3A_22 = tpu.memref_slice %arg10[%dma_start3A_19, %dma_start3A_20, %dma_start3A_21] : memref<4x128x128xf32, #tpu.memory_space<vmem>> -> memref<1x128x128xf32, #tpu.memory_space<vmem>>
    %dma_start3A_23 = tpu.memref_squeeze %dma_start3A_22 : memref<1x128x128xf32, #tpu.memory_space<vmem>> -> memref<128x128xf32, #tpu.memory_space<vmem>>
    %dma_start3A_24 = arith.constant 0 : i32
    %dma_start3A_25 = tpu.memref_slice %arg9[%dma_start3A_17, %dma_start3A_18, %dma_start3A_24] : memref<79x2x128xi32, #tpu.memory_space<vmem>> -> memref<1x1x128xi32, #tpu.memory_space<vmem>>
    %dma_start3A_26 = tpu.memref_squeeze %dma_start3A_25 : memref<1x1x128xi32, #tpu.memory_space<vmem>> -> memref<128xi32, #tpu.memory_space<vmem>>
    %dma_start3A_27 = arith.constant 0 : i32
    %dma_start3A_28 = arith.constant 0 : i32
    %dma_start3A_29 = tpu.memref_slice %arg2[%dma_start3A_27, %dma_start3A_28] : memref<10000x128xf32, #tpu.memory_space<hbm>> -> memref<10000x128xf32, #tpu.memory_space<hbm>>
    tpu.enqueue_indirect_dma source(%dma_start3A_29 : memref<10000x128xf32, #tpu.memory_space<hbm>>) target(%dma_start3A_23 : memref<128x128xf32, #tpu.memory_space<vmem>>) offsets(%dma_start3A_26 : memref<128xi32, #tpu.memory_space<vmem>>) semaphore(%arg16 : memref<!tpu.dma_semaphore, #tpu.memory_space<semaphore_mem>>)
    %dma_start3A_30 = arith.constant 2 : i32
    %dma_start3A_31 = arith.constant 0 : i32
    %dma_start3A_32 = arith.constant 2 : i32
    %dma_start3A_33 = arith.constant 0 : i32
    %dma_start3A_34 = arith.constant 0 : i32
    %dma_start3A_35 = tpu.memref_slice %arg10[%dma_start3A_32, %dma_start3A_33, %dma_start3A_34] : memref<4x128x128xf32, #tpu.memory_space<vmem>> -> memref<1x128x128xf32, #tpu.memory_space<vmem>>
    %dma_start3A_36 = tpu.memref_squeeze %dma_start3A_35 : memref<1x128x128xf32, #tpu.memory_space<vmem>> -> memref<128x128xf32, #tpu.memory_space<vmem>>
    %dma_start3A_37 = arith.constant 0 : i32
    %dma_start3A_38 = tpu.memref_slice %arg9[%dma_start3A_30, %dma_start3A_31, %dma_start3A_37] : memref<79x2x128xi32, #tpu.memory_space<vmem>> -> memref<1x1x128xi32, #tpu.memory_space<vmem>>
    %dma_start3A_39 = tpu.memref_squeeze %dma_start3A_38 : memref<1x1x128xi32, #tpu.memory_space<vmem>> -> memref<128xi32, #tpu.memory_space<vmem>>
    %dma_start3A_40 = arith.constant 0 : i32
    %dma_start3A_41 = arith.constant 0 : i32
    %dma_start3A_42 = tpu.memref_slice %arg2[%dma_start3A_40, %dma_start3A_41] : memref<10000x128xf32, #tpu.memory_space<hbm>> -> memref<10000x128xf32, #tpu.memory_space<hbm>>
    tpu.enqueue_indirect_dma source(%dma_start3A_42 : memref<10000x128xf32, #tpu.memory_space<hbm>>) target(%dma_start3A_36 : memref<128x128xf32, #tpu.memory_space<vmem>>) offsets(%dma_start3A_39 : memref<128xi32, #tpu.memory_space<vmem>>) semaphore(%arg17 : memref<!tpu.dma_semaphore, #tpu.memory_space<semaphore_mem>>)
    %scan3A = arith.constant 0 : i32
    %scan3A_43 = arith.constant 0 : i32
    %scan3A_44 = arith.constant 19 : i32
    %scan3A_45 = arith.addi %scan3A_43, %scan3A_44 : i32
    %scan3A_46 = arith.constant 1 : i32
    scf.for %scan3A_179 = %scan3A_43 to %scan3A_45 step %scan3A_46  : i32 {
      %mul3A_180 = arith.constant 4 : i32
      %mul3A_181 = arith.muli %scan3A_179, %mul3A_180 : i32
      %add3A_182 = arith.constant 0 : i32
      %add3A_183 = arith.addi %mul3A_181, %add3A_182 : i32
      %dma_wait3A_184 = arith.constant 0 : i32
      %dma_wait3A_185 = arith.constant 0 : i32
      %dma_wait3A_186 = arith.constant 0 : i32
      %dma_wait3A_187 = arith.constant 0 : i32
      %dma_wait3A_188 = arith.constant 0 : i32
      %dma_wait3A_189 = tpu.memref_slice %arg10[%dma_wait3A_186, %dma_wait3A_187, %dma_wait3A_188] : memref<4x128x128xf32, #tpu.memory_space<vmem>> -> memref<1x128x128xf32, #tpu.memory_space<vmem>>
      %dma_wait3A_190 = tpu.memref_squeeze %dma_wait3A_189 : memref<1x128x128xf32, #tpu.memory_space<vmem>> -> memref<128x128xf32, #tpu.memory_space<vmem>>
      %dma_wait3A_191 = arith.constant 0 : i32
      %dma_wait3A_192 = tpu.memref_slice %arg9[%dma_wait3A_184, %dma_wait3A_185, %dma_wait3A_191] : memref<79x2x128xi32, #tpu.memory_space<vmem>> -> memref<1x1x128xi32, #tpu.memory_space<vmem>>
      %dma_wait3A_193 = tpu.memref_squeeze %dma_wait3A_192 : memref<1x1x128xi32, #tpu.memory_space<vmem>> -> memref<128xi32, #tpu.memory_space<vmem>>
      %dma_wait3A_194 = arith.constant 0 : i32
      %dma_wait3A_195 = arith.constant 0 : i32
      %dma_wait3A_196 = tpu.memref_slice %arg2[%dma_wait3A_194, %dma_wait3A_195] : memref<10000x128xf32, #tpu.memory_space<hbm>> -> memref<10000x128xf32, #tpu.memory_space<hbm>>
      tpu.wait_indirect_dma semaphore(%arg15 : memref<!tpu.dma_semaphore, #tpu.memory_space<semaphore_mem>>) src(%dma_wait3A_196 : memref<10000x128xf32, #tpu.memory_space<hbm>>) dst(%dma_wait3A_190 : memref<128x128xf32, #tpu.memory_space<vmem>>)
      %dma_start3A_197 = arith.constant 0 : i32
      %dma_start3A_198 = arith.constant 1 : i32
      %dma_start3A_199 = arith.constant 0 : i32
      %dma_start3A_200 = arith.constant 0 : i32
      %dma_start3A_201 = tpu.memref_slice %arg10[%dma_start3A_197, %dma_start3A_199, %dma_start3A_200] : memref<4x128x128xf32, #tpu.memory_space<vmem>> -> memref<1x128x128xf32, #tpu.memory_space<vmem>>
      %dma_start3A_202 = tpu.memref_squeeze %dma_start3A_201 : memref<1x128x128xf32, #tpu.memory_space<vmem>> -> memref<128x128xf32, #tpu.memory_space<vmem>>
      %dma_start3A_203 = arith.constant 0 : i32
      %dma_start3A_204 = tpu.memref_slice %arg9[%add3A_183, %dma_start3A_198, %dma_start3A_203] : memref<79x2x128xi32, #tpu.memory_space<vmem>> -> memref<1x1x128xi32, #tpu.memory_space<vmem>>
      %dma_start3A_205 = tpu.memref_squeeze %dma_start3A_204 : memref<1x1x128xi32, #tpu.memory_space<vmem>> -> memref<128xi32, #tpu.memory_space<vmem>>
      %dma_start3A_206 = arith.constant 0 : i32
      %dma_start3A_207 = arith.constant 0 : i32
      %dma_start3A_208 = tpu.memref_slice %arg13[%dma_start3A_206, %dma_start3A_207] : memref<5120x128xf32, #tpu.memory_space<vmem_shared>> -> memref<5120x128xf32, #tpu.memory_space<vmem_shared>>
      tpu.enqueue_indirect_dma source(%dma_start3A_202 : memref<128x128xf32, #tpu.memory_space<vmem>>) target(%dma_start3A_208 : memref<5120x128xf32, #tpu.memory_space<vmem_shared>>) offsets(%dma_start3A_205 : memref<128xi32, #tpu.memory_space<vmem>>) semaphore(%arg19 : memref<!tpu.dma_semaphore, #tpu.memory_space<semaphore_mem>>) {add = true}
      %dma_start3A_209 = arith.constant 1 : i32
      %dma_start3A_210 = arith.constant 0 : i32
      %dma_start3A_211 = tpu.memref_slice %arg9[%add3A_183, %dma_start3A_209, %dma_start3A_210] : memref<79x2x128xi32, #tpu.memory_space<vmem>> -> memref<1x1x128xi32, #tpu.memory_space<vmem>>
      %dma_start3A_212 = tpu.memref_squeeze %dma_start3A_211 : memref<1x1x128xi32, #tpu.memory_space<vmem>> -> memref<128xi32, #tpu.memory_space<vmem>>
      %dma_start3A_213 = arith.constant 0 : i32
      %dma_start3A_214 = tpu.memref_slice %arg14[%dma_start3A_213] : memref<5120xf32, #tpu.memory_space<vmem_shared>> -> memref<5120xf32, #tpu.memory_space<vmem_shared>>
      tpu.enqueue_indirect_dma source(%arg11 : memref<128xf32, #tpu.memory_space<vmem>>) target(%dma_start3A_214 : memref<5120xf32, #tpu.memory_space<vmem_shared>>) offsets(%dma_start3A_212 : memref<128xi32, #tpu.memory_space<vmem>>) semaphore(%arg23 : memref<!tpu.dma_semaphore, #tpu.memory_space<semaphore_mem>>) {add = true}
      %gt3A = arith.constant 0 : i32
      %gt3A_215 = arith.cmpi sgt, %scan3A_179, %gt3A : i32
      %convert_element_type3A_216 = arith.extui %gt3A_215 : i1 to i32
      %cond3A_217 = arith.constant 0 : i32
      %cond3A_218 = arith.cmpi ne, %convert_element_type3A_216, %cond3A_217 : i32
      scf.if %cond3A_218 {
        %dma_wait3A_413 = arith.constant 3 : i32
        %dma_wait3A_414 = arith.constant 0 : i32
        %dma_wait3A_415 = arith.constant 1 : i32
        %dma_wait3A_416 = arith.constant 0 : i32
        %dma_wait3A_417 = arith.constant 0 : i32
        %dma_wait3A_418 = tpu.memref_slice %arg10[%dma_wait3A_413, %dma_wait3A_416, %dma_wait3A_417] : memref<4x128x128xf32, #tpu.memory_space<vmem>> -> memref<1x128x128xf32, #tpu.memory_space<vmem>>
        %dma_wait3A_419 = tpu.memref_squeeze %dma_wait3A_418 : memref<1x128x128xf32, #tpu.memory_space<vmem>> -> memref<128x128xf32, #tpu.memory_space<vmem>>
        %dma_wait3A_420 = arith.constant 0 : i32
        %dma_wait3A_421 = tpu.memref_slice %arg9[%dma_wait3A_414, %dma_wait3A_415, %dma_wait3A_420] : memref<79x2x128xi32, #tpu.memory_space<vmem>> -> memref<1x1x128xi32, #tpu.memory_space<vmem>>
        %dma_wait3A_422 = tpu.memref_squeeze %dma_wait3A_421 : memref<1x1x128xi32, #tpu.memory_space<vmem>> -> memref<128xi32, #tpu.memory_space<vmem>>
        %dma_wait3A_423 = arith.constant 0 : i32
        %dma_wait3A_424 = arith.constant 0 : i32
        %dma_wait3A_425 = tpu.memref_slice %arg13[%dma_wait3A_423, %dma_wait3A_424] : memref<5120x128xf32, #tpu.memory_space<vmem_shared>> -> memref<5120x128xf32, #tpu.memory_space<vmem_shared>>
        tpu.wait_indirect_dma semaphore(%arg22 : memref<!tpu.dma_semaphore, #tpu.memory_space<semaphore_mem>>) src(%dma_wait3A_419 : memref<128x128xf32, #tpu.memory_space<vmem>>) dst(%dma_wait3A_425 : memref<5120x128xf32, #tpu.memory_space<vmem_shared>>)
        %dma_wait3A_426 = arith.constant 0 : i32
        %dma_wait3A_427 = arith.constant 1 : i32
        %dma_wait3A_428 = arith.constant 0 : i32
        %dma_wait3A_429 = tpu.memref_slice %arg9[%dma_wait3A_426, %dma_wait3A_427, %dma_wait3A_428] : memref<79x2x128xi32, #tpu.memory_space<vmem>> -> memref<1x1x128xi32, #tpu.memory_space<vmem>>
        %dma_wait3A_430 = tpu.memref_squeeze %dma_wait3A_429 : memref<1x1x128xi32, #tpu.memory_space<vmem>> -> memref<128xi32, #tpu.memory_space<vmem>>
        %dma_wait3A_431 = arith.constant 0 : i32
        %dma_wait3A_432 = tpu.memref_slice %arg14[%dma_wait3A_431] : memref<5120xf32, #tpu.memory_space<vmem_shared>> -> memref<5120xf32, #tpu.memory_space<vmem_shared>>
        tpu.wait_indirect_dma semaphore(%arg26 : memref<!tpu.dma_semaphore, #tpu.memory_space<semaphore_mem>>) src(%arg11 : memref<128xf32, #tpu.memory_space<vmem>>) dst(%dma_wait3A_432 : memref<5120xf32, #tpu.memory_space<vmem_shared>>)
      } else {
      }
      %add3A_219 = arith.constant 4 : i32
      %add3A_220 = arith.addi %add3A_183, %add3A_219 : i32
      %sub3A = arith.constant 1 : i32
      %sub3A_221 = arith.subi %add3A_220, %sub3A : i32
      %lt3A_222 = arith.constant 78 : i32
      %lt3A_223 = arith.cmpi slt, %sub3A_221, %lt3A_222 : i32
      %convert_element_type3A_224 = arith.extui %lt3A_223 : i1 to i32
      %cond3A_225 = arith.constant 0 : i32
      %cond3A_226 = arith.cmpi ne, %convert_element_type3A_224, %cond3A_225 : i32
      scf.if %cond3A_226 {
        %add3A_413 = arith.constant 4 : i32
        %add3A_414 = arith.addi %add3A_183, %add3A_413 : i32
        %sub3A_415 = arith.constant 1 : i32
        %sub3A_416 = arith.subi %add3A_414, %sub3A_415 : i32
        %dma_start3A_417 = arith.constant 0 : i32
        %dma_start3A_418 = arith.constant 3 : i32
        %dma_start3A_419 = arith.constant 0 : i32
        %dma_start3A_420 = arith.constant 0 : i32
        %dma_start3A_421 = tpu.memref_slice %arg10[%dma_start3A_418, %dma_start3A_419, %dma_start3A_420] : memref<4x128x128xf32, #tpu.memory_space<vmem>> -> memref<1x128x128xf32, #tpu.memory_space<vmem>>
        %dma_start3A_422 = tpu.memref_squeeze %dma_start3A_421 : memref<1x128x128xf32, #tpu.memory_space<vmem>> -> memref<128x128xf32, #tpu.memory_space<vmem>>
        %dma_start3A_423 = arith.constant 0 : i32
        %dma_start3A_424 = tpu.memref_slice %arg9[%sub3A_416, %dma_start3A_417, %dma_start3A_423] : memref<79x2x128xi32, #tpu.memory_space<vmem>> -> memref<1x1x128xi32, #tpu.memory_space<vmem>>
        %dma_start3A_425 = tpu.memref_squeeze %dma_start3A_424 : memref<1x1x128xi32, #tpu.memory_space<vmem>> -> memref<128xi32, #tpu.memory_space<vmem>>
        %dma_start3A_426 = arith.constant 0 : i32
        %dma_start3A_427 = arith.constant 0 : i32
        %dma_start3A_428 = tpu.memref_slice %arg2[%dma_start3A_426, %dma_start3A_427] : memref<10000x128xf32, #tpu.memory_space<hbm>> -> memref<10000x128xf32, #tpu.memory_space<hbm>>
        tpu.enqueue_indirect_dma source(%dma_start3A_428 : memref<10000x128xf32, #tpu.memory_space<hbm>>) target(%dma_start3A_422 : memref<128x128xf32, #tpu.memory_space<vmem>>) offsets(%dma_start3A_425 : memref<128xi32, #tpu.memory_space<vmem>>) semaphore(%arg18 : memref<!tpu.dma_semaphore, #tpu.memory_space<semaphore_mem>>)
      } else {
      }
      %add3A_227 = arith.constant 1 : i32
      %add3A_228 = arith.addi %mul3A_181, %add3A_227 : i32
      %dma_wait3A_229 = arith.constant 0 : i32
      %dma_wait3A_230 = arith.constant 0 : i32
      %dma_wait3A_231 = arith.constant 1 : i32
      %dma_wait3A_232 = arith.constant 0 : i32
      %dma_wait3A_233 = arith.constant 0 : i32
      %dma_wait3A_234 = tpu.memref_slice %arg10[%dma_wait3A_231, %dma_wait3A_232, %dma_wait3A_233] : memref<4x128x128xf32, #tpu.memory_space<vmem>> -> memref<1x128x128xf32, #tpu.memory_space<vmem>>
      %dma_wait3A_235 = tpu.memref_squeeze %dma_wait3A_234 : memref<1x128x128xf32, #tpu.memory_space<vmem>> -> memref<128x128xf32, #tpu.memory_space<vmem>>
      %dma_wait3A_236 = arith.constant 0 : i32
      %dma_wait3A_237 = tpu.memref_slice %arg9[%dma_wait3A_229, %dma_wait3A_230, %dma_wait3A_236] : memref<79x2x128xi32, #tpu.memory_space<vmem>> -> memref<1x1x128xi32, #tpu.memory_space<vmem>>
      %dma_wait3A_238 = tpu.memref_squeeze %dma_wait3A_237 : memref<1x1x128xi32, #tpu.memory_space<vmem>> -> memref<128xi32, #tpu.memory_space<vmem>>
      %dma_wait3A_239 = arith.constant 0 : i32
      %dma_wait3A_240 = arith.constant 0 : i32
      %dma_wait3A_241 = tpu.memref_slice %arg2[%dma_wait3A_239, %dma_wait3A_240] : memref<10000x128xf32, #tpu.memory_space<hbm>> -> memref<10000x128xf32, #tpu.memory_space<hbm>>
      tpu.wait_indirect_dma semaphore(%arg16 : memref<!tpu.dma_semaphore, #tpu.memory_space<semaphore_mem>>) src(%dma_wait3A_241 : memref<10000x128xf32, #tpu.memory_space<hbm>>) dst(%dma_wait3A_235 : memref<128x128xf32, #tpu.memory_space<vmem>>)
      %dma_start3A_242 = arith.constant 1 : i32
      %dma_start3A_243 = arith.constant 1 : i32
      %dma_start3A_244 = arith.constant 0 : i32
      %dma_start3A_245 = arith.constant 0 : i32
      %dma_start3A_246 = tpu.memref_slice %arg10[%dma_start3A_242, %dma_start3A_244, %dma_start3A_245] : memref<4x128x128xf32, #tpu.memory_space<vmem>> -> memref<1x128x128xf32, #tpu.memory_space<vmem>>
      %dma_start3A_247 = tpu.memref_squeeze %dma_start3A_246 : memref<1x128x128xf32, #tpu.memory_space<vmem>> -> memref<128x128xf32, #tpu.memory_space<vmem>>
      %dma_start3A_248 = arith.constant 0 : i32
      %dma_start3A_249 = tpu.memref_slice %arg9[%add3A_228, %dma_start3A_243, %dma_start3A_248] : memref<79x2x128xi32, #tpu.memory_space<vmem>> -> memref<1x1x128xi32, #tpu.memory_space<vmem>>
      %dma_start3A_250 = tpu.memref_squeeze %dma_start3A_249 : memref<1x1x128xi32, #tpu.memory_space<vmem>> -> memref<128xi32, #tpu.memory_space<vmem>>
      %dma_start3A_251 = arith.constant 0 : i32
      %dma_start3A_252 = arith.constant 0 : i32
      %dma_start3A_253 = tpu.memref_slice %arg13[%dma_start3A_251, %dma_start3A_252] : memref<5120x128xf32, #tpu.memory_space<vmem_shared>> -> memref<5120x128xf32, #tpu.memory_space<vmem_shared>>
      tpu.enqueue_indirect_dma source(%dma_start3A_247 : memref<128x128xf32, #tpu.memory_space<vmem>>) target(%dma_start3A_253 : memref<5120x128xf32, #tpu.memory_space<vmem_shared>>) offsets(%dma_start3A_250 : memref<128xi32, #tpu.memory_space<vmem>>) semaphore(%arg20 : memref<!tpu.dma_semaphore, #tpu.memory_space<semaphore_mem>>) {add = true}
      %dma_start3A_254 = arith.constant 1 : i32
      %dma_start3A_255 = arith.constant 0 : i32
      %dma_start3A_256 = tpu.memref_slice %arg9[%add3A_228, %dma_start3A_254, %dma_start3A_255] : memref<79x2x128xi32, #tpu.memory_space<vmem>> -> memref<1x1x128xi32, #tpu.memory_space<vmem>>
      %dma_start3A_257 = tpu.memref_squeeze %dma_start3A_256 : memref<1x1x128xi32, #tpu.memory_space<vmem>> -> memref<128xi32, #tpu.memory_space<vmem>>
      %dma_start3A_258 = arith.constant 0 : i32
      %dma_start3A_259 = tpu.memref_slice %arg14[%dma_start3A_258] : memref<5120xf32, #tpu.memory_space<vmem_shared>> -> memref<5120xf32, #tpu.memory_space<vmem_shared>>
      tpu.enqueue_indirect_dma source(%arg11 : memref<128xf32, #tpu.memory_space<vmem>>) target(%dma_start3A_259 : memref<5120xf32, #tpu.memory_space<vmem_shared>>) offsets(%dma_start3A_257 : memref<128xi32, #tpu.memory_space<vmem>>) semaphore(%arg24 : memref<!tpu.dma_semaphore, #tpu.memory_space<semaphore_mem>>) {add = true}
      %dma_wait3A_260 = arith.constant 0 : i32
      %dma_wait3A_261 = arith.constant 0 : i32
      %dma_wait3A_262 = arith.constant 1 : i32
      %dma_wait3A_263 = arith.constant 0 : i32
      %dma_wait3A_264 = arith.constant 0 : i32
      %dma_wait3A_265 = tpu.memref_slice %arg10[%dma_wait3A_260, %dma_wait3A_263, %dma_wait3A_264] : memref<4x128x128xf32, #tpu.memory_space<vmem>> -> memref<1x128x128xf32, #tpu.memory_space<vmem>>
      %dma_wait3A_266 = tpu.memref_squeeze %dma_wait3A_265 : memref<1x128x128xf32, #tpu.memory_space<vmem>> -> memref<128x128xf32, #tpu.memory_space<vmem>>
      %dma_wait3A_267 = arith.constant 0 : i32
      %dma_wait3A_268 = tpu.memref_slice %arg9[%dma_wait3A_261, %dma_wait3A_262, %dma_wait3A_267] : memref<79x2x128xi32, #tpu.memory_space<vmem>> -> memref<1x1x128xi32, #tpu.memory_space<vmem>>
      %dma_wait3A_269 = tpu.memref_squeeze %dma_wait3A_268 : memref<1x1x128xi32, #tpu.memory_space<vmem>> -> memref<128xi32, #tpu.memory_space<vmem>>
      %dma_wait3A_270 = arith.constant 0 : i32
      %dma_wait3A_271 = arith.constant 0 : i32
      %dma_wait3A_272 = tpu.memref_slice %arg13[%dma_wait3A_270, %dma_wait3A_271] : memref<5120x128xf32, #tpu.memory_space<vmem_shared>> -> memref<5120x128xf32, #tpu.memory_space<vmem_shared>>
      tpu.wait_indirect_dma semaphore(%arg19 : memref<!tpu.dma_semaphore, #tpu.memory_space<semaphore_mem>>) src(%dma_wait3A_266 : memref<128x128xf32, #tpu.memory_space<vmem>>) dst(%dma_wait3A_272 : memref<5120x128xf32, #tpu.memory_space<vmem_shared>>)
      %dma_wait3A_273 = arith.constant 0 : i32
      %dma_wait3A_274 = arith.constant 1 : i32
      %dma_wait3A_275 = arith.constant 0 : i32
      %dma_wait3A_276 = tpu.memref_slice %arg9[%dma_wait3A_273, %dma_wait3A_274, %dma_wait3A_275] : memref<79x2x128xi32, #tpu.memory_space<vmem>> -> memref<1x1x128xi32, #tpu.memory_space<vmem>>
      %dma_wait3A_277 = tpu.memref_squeeze %dma_wait3A_276 : memref<1x1x128xi32, #tpu.memory_space<vmem>> -> memref<128xi32, #tpu.memory_space<vmem>>
      %dma_wait3A_278 = arith.constant 0 : i32
      %dma_wait3A_279 = tpu.memref_slice %arg14[%dma_wait3A_278] : memref<5120xf32, #tpu.memory_space<vmem_shared>> -> memref<5120xf32, #tpu.memory_space<vmem_shared>>
      tpu.wait_indirect_dma semaphore(%arg23 : memref<!tpu.dma_semaphore, #tpu.memory_space<semaphore_mem>>) src(%arg11 : memref<128xf32, #tpu.memory_space<vmem>>) dst(%dma_wait3A_279 : memref<5120xf32, #tpu.memory_space<vmem_shared>>)
      %add3A_280 = arith.constant 4 : i32
      %add3A_281 = arith.addi %add3A_228, %add3A_280 : i32
      %sub3A_282 = arith.constant 1 : i32
      %sub3A_283 = arith.subi %add3A_281, %sub3A_282 : i32
      %lt3A_284 = arith.constant 78 : i32
      %lt3A_285 = arith.cmpi slt, %sub3A_283, %lt3A_284 : i32
      %convert_element_type3A_286 = arith.extui %lt3A_285 : i1 to i32
      %cond3A_287 = arith.constant 0 : i32
      %cond3A_288 = arith.cmpi ne, %convert_element_type3A_286, %cond3A_287 : i32
      scf.if %cond3A_288 {
        %add3A_413 = arith.constant 4 : i32
        %add3A_414 = arith.addi %add3A_228, %add3A_413 : i32
        %sub3A_415 = arith.constant 1 : i32
        %sub3A_416 = arith.subi %add3A_414, %sub3A_415 : i32
        %dma_start3A_417 = arith.constant 0 : i32
        %dma_start3A_418 = arith.constant 0 : i32
        %dma_start3A_419 = arith.constant 0 : i32
        %dma_start3A_420 = arith.constant 0 : i32
        %dma_start3A_421 = tpu.memref_slice %arg10[%dma_start3A_418, %dma_start3A_419, %dma_start3A_420] : memref<4x128x128xf32, #tpu.memory_space<vmem>> -> memref<1x128x128xf32, #tpu.memory_space<vmem>>
        %dma_start3A_422 = tpu.memref_squeeze %dma_start3A_421 : memref<1x128x128xf32, #tpu.memory_space<vmem>> -> memref<128x128xf32, #tpu.memory_space<vmem>>
        %dma_start3A_423 = arith.constant 0 : i32
        %dma_start3A_424 = tpu.memref_slice %arg9[%sub3A_416, %dma_start3A_417, %dma_start3A_423] : memref<79x2x128xi32, #tpu.memory_space<vmem>> -> memref<1x1x128xi32, #tpu.memory_space<vmem>>
        %dma_start3A_425 = tpu.memref_squeeze %dma_start3A_424 : memref<1x1x128xi32, #tpu.memory_space<vmem>> -> memref<128xi32, #tpu.memory_space<vmem>>
        %dma_start3A_426 = arith.constant 0 : i32
        %dma_start3A_427 = arith.constant 0 : i32
        %dma_start3A_428 = tpu.memref_slice %arg2[%dma_start3A_426, %dma_start3A_427] : memref<10000x128xf32, #tpu.memory_space<hbm>> -> memref<10000x128xf32, #tpu.memory_space<hbm>>
        tpu.enqueue_indirect_dma source(%dma_start3A_428 : memref<10000x128xf32, #tpu.memory_space<hbm>>) target(%dma_start3A_422 : memref<128x128xf32, #tpu.memory_space<vmem>>) offsets(%dma_start3A_425 : memref<128xi32, #tpu.memory_space<vmem>>) semaphore(%arg15 : memref<!tpu.dma_semaphore, #tpu.memory_space<semaphore_mem>>)
      } else {
      }
      %add3A_289 = arith.constant 2 : i32
      %add3A_290 = arith.addi %mul3A_181, %add3A_289 : i32
      %dma_wait3A_291 = arith.constant 0 : i32
      %dma_wait3A_292 = arith.constant 0 : i32
      %dma_wait3A_293 = arith.constant 2 : i32
      %dma_wait3A_294 = arith.constant 0 : i32
      %dma_wait3A_295 = arith.constant 0 : i32
      %dma_wait3A_296 = tpu.memref_slice %arg10[%dma_wait3A_293, %dma_wait3A_294, %dma_wait3A_295] : memref<4x128x128xf32, #tpu.memory_space<vmem>> -> memref<1x128x128xf32, #tpu.memory_space<vmem>>
      %dma_wait3A_297 = tpu.memref_squeeze %dma_wait3A_296 : memref<1x128x128xf32, #tpu.memory_space<vmem>> -> memref<128x128xf32, #tpu.memory_space<vmem>>
      %dma_wait3A_298 = arith.constant 0 : i32
      %dma_wait3A_299 = tpu.memref_slice %arg9[%dma_wait3A_291, %dma_wait3A_292, %dma_wait3A_298] : memref<79x2x128xi32, #tpu.memory_space<vmem>> -> memref<1x1x128xi32, #tpu.memory_space<vmem>>
      %dma_wait3A_300 = tpu.memref_squeeze %dma_wait3A_299 : memref<1x1x128xi32, #tpu.memory_space<vmem>> -> memref<128xi32, #tpu.memory_space<vmem>>
      %dma_wait3A_301 = arith.constant 0 : i32
      %dma_wait3A_302 = arith.constant 0 : i32
      %dma_wait3A_303 = tpu.memref_slice %arg2[%dma_wait3A_301, %dma_wait3A_302] : memref<10000x128xf32, #tpu.memory_space<hbm>> -> memref<10000x128xf32, #tpu.memory_space<hbm>>
      tpu.wait_indirect_dma semaphore(%arg17 : memref<!tpu.dma_semaphore, #tpu.memory_space<semaphore_mem>>) src(%dma_wait3A_303 : memref<10000x128xf32, #tpu.memory_space<hbm>>) dst(%dma_wait3A_297 : memref<128x128xf32, #tpu.memory_space<vmem>>)
      %dma_start3A_304 = arith.constant 2 : i32
      %dma_start3A_305 = arith.constant 1 : i32
      %dma_start3A_306 = arith.constant 0 : i32
      %dma_start3A_307 = arith.constant 0 : i32
      %dma_start3A_308 = tpu.memref_slice %arg10[%dma_start3A_304, %dma_start3A_306, %dma_start3A_307] : memref<4x128x128xf32, #tpu.memory_space<vmem>> -> memref<1x128x128xf32, #tpu.memory_space<vmem>>
      %dma_start3A_309 = tpu.memref_squeeze %dma_start3A_308 : memref<1x128x128xf32, #tpu.memory_space<vmem>> -> memref<128x128xf32, #tpu.memory_space<vmem>>
      %dma_start3A_310 = arith.constant 0 : i32
      %dma_start3A_311 = tpu.memref_slice %arg9[%add3A_290, %dma_start3A_305, %dma_start3A_310] : memref<79x2x128xi32, #tpu.memory_space<vmem>> -> memref<1x1x128xi32, #tpu.memory_space<vmem>>
      %dma_start3A_312 = tpu.memref_squeeze %dma_start3A_311 : memref<1x1x128xi32, #tpu.memory_space<vmem>> -> memref<128xi32, #tpu.memory_space<vmem>>
      %dma_start3A_313 = arith.constant 0 : i32
      %dma_start3A_314 = arith.constant 0 : i32
      %dma_start3A_315 = tpu.memref_slice %arg13[%dma_start3A_313, %dma_start3A_314] : memref<5120x128xf32, #tpu.memory_space<vmem_shared>> -> memref<5120x128xf32, #tpu.memory_space<vmem_shared>>
      tpu.enqueue_indirect_dma source(%dma_start3A_309 : memref<128x128xf32, #tpu.memory_space<vmem>>) target(%dma_start3A_315 : memref<5120x128xf32, #tpu.memory_space<vmem_shared>>) offsets(%dma_start3A_312 : memref<128xi32, #tpu.memory_space<vmem>>) semaphore(%arg21 : memref<!tpu.dma_semaphore, #tpu.memory_space<semaphore_mem>>) {add = true}
      %dma_start3A_316 = arith.constant 1 : i32
      %dma_start3A_317 = arith.constant 0 : i32
      %dma_start3A_318 = tpu.memref_slice %arg9[%add3A_290, %dma_start3A_316, %dma_start3A_317] : memref<79x2x128xi32, #tpu.memory_space<vmem>> -> memref<1x1x128xi32, #tpu.memory_space<vmem>>
      %dma_start3A_319 = tpu.memref_squeeze %dma_start3A_318 : memref<1x1x128xi32, #tpu.memory_space<vmem>> -> memref<128xi32, #tpu.memory_space<vmem>>
      %dma_start3A_320 = arith.constant 0 : i32
      %dma_start3A_321 = tpu.memref_slice %arg14[%dma_start3A_320] : memref<5120xf32, #tpu.memory_space<vmem_shared>> -> memref<5120xf32, #tpu.memory_space<vmem_shared>>
      tpu.enqueue_indirect_dma source(%arg11 : memref<128xf32, #tpu.memory_space<vmem>>) target(%dma_start3A_321 : memref<5120xf32, #tpu.memory_space<vmem_shared>>) offsets(%dma_start3A_319 : memref<128xi32, #tpu.memory_space<vmem>>) semaphore(%arg25 : memref<!tpu.dma_semaphore, #tpu.memory_space<semaphore_mem>>) {add = true}
      %dma_wait3A_322 = arith.constant 1 : i32
      %dma_wait3A_323 = arith.constant 0 : i32
      %dma_wait3A_324 = arith.constant 1 : i32
      %dma_wait3A_325 = arith.constant 0 : i32
      %dma_wait3A_326 = arith.constant 0 : i32
      %dma_wait3A_327 = tpu.memref_slice %arg10[%dma_wait3A_322, %dma_wait3A_325, %dma_wait3A_326] : memref<4x128x128xf32, #tpu.memory_space<vmem>> -> memref<1x128x128xf32, #tpu.memory_space<vmem>>
      %dma_wait3A_328 = tpu.memref_squeeze %dma_wait3A_327 : memref<1x128x128xf32, #tpu.memory_space<vmem>> -> memref<128x128xf32, #tpu.memory_space<vmem>>
      %dma_wait3A_329 = arith.constant 0 : i32
      %dma_wait3A_330 = tpu.memref_slice %arg9[%dma_wait3A_323, %dma_wait3A_324, %dma_wait3A_329] : memref<79x2x128xi32, #tpu.memory_space<vmem>> -> memref<1x1x128xi32, #tpu.memory_space<vmem>>
      %dma_wait3A_331 = tpu.memref_squeeze %dma_wait3A_330 : memref<1x1x128xi32, #tpu.memory_space<vmem>> -> memref<128xi32, #tpu.memory_space<vmem>>
      %dma_wait3A_332 = arith.constant 0 : i32
      %dma_wait3A_333 = arith.constant 0 : i32
      %dma_wait3A_334 = tpu.memref_slice %arg13[%dma_wait3A_332, %dma_wait3A_333] : memref<5120x128xf32, #tpu.memory_space<vmem_shared>> -> memref<5120x128xf32, #tpu.memory_space<vmem_shared>>
      tpu.wait_indirect_dma semaphore(%arg20 : memref<!tpu.dma_semaphore, #tpu.memory_space<semaphore_mem>>) src(%dma_wait3A_328 : memref<128x128xf32, #tpu.memory_space<vmem>>) dst(%dma_wait3A_334 : memref<5120x128xf32, #tpu.memory_space<vmem_shared>>)
      %dma_wait3A_335 = arith.constant 0 : i32
      %dma_wait3A_336 = arith.constant 1 : i32
      %dma_wait3A_337 = arith.constant 0 : i32
      %dma_wait3A_338 = tpu.memref_slice %arg9[%dma_wait3A_335, %dma_wait3A_336, %dma_wait3A_337] : memref<79x2x128xi32, #tpu.memory_space<vmem>> -> memref<1x1x128xi32, #tpu.memory_space<vmem>>
      %dma_wait3A_339 = tpu.memref_squeeze %dma_wait3A_338 : memref<1x1x128xi32, #tpu.memory_space<vmem>> -> memref<128xi32, #tpu.memory_space<vmem>>
      %dma_wait3A_340 = arith.constant 0 : i32
      %dma_wait3A_341 = tpu.memref_slice %arg14[%dma_wait3A_340] : memref<5120xf32, #tpu.memory_space<vmem_shared>> -> memref<5120xf32, #tpu.memory_space<vmem_shared>>
      tpu.wait_indirect_dma semaphore(%arg24 : memref<!tpu.dma_semaphore, #tpu.memory_space<semaphore_mem>>) src(%arg11 : memref<128xf32, #tpu.memory_space<vmem>>) dst(%dma_wait3A_341 : memref<5120xf32, #tpu.memory_space<vmem_shared>>)
      %add3A_342 = arith.constant 4 : i32
      %add3A_343 = arith.addi %add3A_290, %add3A_342 : i32
      %sub3A_344 = arith.constant 1 : i32
      %sub3A_345 = arith.subi %add3A_343, %sub3A_344 : i32
      %lt3A_346 = arith.constant 78 : i32
      %lt3A_347 = arith.cmpi slt, %sub3A_345, %lt3A_346 : i32
      %convert_element_type3A_348 = arith.extui %lt3A_347 : i1 to i32
      %cond3A_349 = arith.constant 0 : i32
      %cond3A_350 = arith.cmpi ne, %convert_element_type3A_348, %cond3A_349 : i32
      scf.if %cond3A_350 {
        %add3A_413 = arith.constant 4 : i32
        %add3A_414 = arith.addi %add3A_290, %add3A_413 : i32
        %sub3A_415 = arith.constant 1 : i32
        %sub3A_416 = arith.subi %add3A_414, %sub3A_415 : i32
        %dma_start3A_417 = arith.constant 0 : i32
        %dma_start3A_418 = arith.constant 1 : i32
        %dma_start3A_419 = arith.constant 0 : i32
        %dma_start3A_420 = arith.constant 0 : i32
        %dma_start3A_421 = tpu.memref_slice %arg10[%dma_start3A_418, %dma_start3A_419, %dma_start3A_420] : memref<4x128x128xf32, #tpu.memory_space<vmem>> -> memref<1x128x128xf32, #tpu.memory_space<vmem>>
        %dma_start3A_422 = tpu.memref_squeeze %dma_start3A_421 : memref<1x128x128xf32, #tpu.memory_space<vmem>> -> memref<128x128xf32, #tpu.memory_space<vmem>>
        %dma_start3A_423 = arith.constant 0 : i32
        %dma_start3A_424 = tpu.memref_slice %arg9[%sub3A_416, %dma_start3A_417, %dma_start3A_423] : memref<79x2x128xi32, #tpu.memory_space<vmem>> -> memref<1x1x128xi32, #tpu.memory_space<vmem>>
        %dma_start3A_425 = tpu.memref_squeeze %dma_start3A_424 : memref<1x1x128xi32, #tpu.memory_space<vmem>> -> memref<128xi32, #tpu.memory_space<vmem>>
        %dma_start3A_426 = arith.constant 0 : i32
        %dma_start3A_427 = arith.constant 0 : i32
        %dma_start3A_428 = tpu.memref_slice %arg2[%dma_start3A_426, %dma_start3A_427] : memref<10000x128xf32, #tpu.memory_space<hbm>> -> memref<10000x128xf32, #tpu.memory_space<hbm>>
        tpu.enqueue_indirect_dma source(%dma_start3A_428 : memref<10000x128xf32, #tpu.memory_space<hbm>>) target(%dma_start3A_422 : memref<128x128xf32, #tpu.memory_space<vmem>>) offsets(%dma_start3A_425 : memref<128xi32, #tpu.memory_space<vmem>>) semaphore(%arg16 : memref<!tpu.dma_semaphore, #tpu.memory_space<semaphore_mem>>)
      } else {
      }
      %add3A_351 = arith.constant 3 : i32
      %add3A_352 = arith.addi %mul3A_181, %add3A_351 : i32
      %dma_wait3A_353 = arith.constant 0 : i32
      %dma_wait3A_354 = arith.constant 0 : i32
      %dma_wait3A_355 = arith.constant 3 : i32
      %dma_wait3A_356 = arith.constant 0 : i32
      %dma_wait3A_357 = arith.constant 0 : i32
      %dma_wait3A_358 = tpu.memref_slice %arg10[%dma_wait3A_355, %dma_wait3A_356, %dma_wait3A_357] : memref<4x128x128xf32, #tpu.memory_space<vmem>> -> memref<1x128x128xf32, #tpu.memory_space<vmem>>
      %dma_wait3A_359 = tpu.memref_squeeze %dma_wait3A_358 : memref<1x128x128xf32, #tpu.memory_space<vmem>> -> memref<128x128xf32, #tpu.memory_space<vmem>>
      %dma_wait3A_360 = arith.constant 0 : i32
      %dma_wait3A_361 = tpu.memref_slice %arg9[%dma_wait3A_353, %dma_wait3A_354, %dma_wait3A_360] : memref<79x2x128xi32, #tpu.memory_space<vmem>> -> memref<1x1x128xi32, #tpu.memory_space<vmem>>
      %dma_wait3A_362 = tpu.memref_squeeze %dma_wait3A_361 : memref<1x1x128xi32, #tpu.memory_space<vmem>> -> memref<128xi32, #tpu.memory_space<vmem>>
      %dma_wait3A_363 = arith.constant 0 : i32
      %dma_wait3A_364 = arith.constant 0 : i32
      %dma_wait3A_365 = tpu.memref_slice %arg2[%dma_wait3A_363, %dma_wait3A_364] : memref<10000x128xf32, #tpu.memory_space<hbm>> -> memref<10000x128xf32, #tpu.memory_space<hbm>>
      tpu.wait_indirect_dma semaphore(%arg18 : memref<!tpu.dma_semaphore, #tpu.memory_space<semaphore_mem>>) src(%dma_wait3A_365 : memref<10000x128xf32, #tpu.memory_space<hbm>>) dst(%dma_wait3A_359 : memref<128x128xf32, #tpu.memory_space<vmem>>)
      %dma_start3A_366 = arith.constant 3 : i32
      %dma_start3A_367 = arith.constant 1 : i32
      %dma_start3A_368 = arith.constant 0 : i32
      %dma_start3A_369 = arith.constant 0 : i32
      %dma_start3A_370 = tpu.memref_slice %arg10[%dma_start3A_366, %dma_start3A_368, %dma_start3A_369] : memref<4x128x128xf32, #tpu.memory_space<vmem>> -> memref<1x128x128xf32, #tpu.memory_space<vmem>>
      %dma_start3A_371 = tpu.memref_squeeze %dma_start3A_370 : memref<1x128x128xf32, #tpu.memory_space<vmem>> -> memref<128x128xf32, #tpu.memory_space<vmem>>
      %dma_start3A_372 = arith.constant 0 : i32
      %dma_start3A_373 = tpu.memref_slice %arg9[%add3A_352, %dma_start3A_367, %dma_start3A_372] : memref<79x2x128xi32, #tpu.memory_space<vmem>> -> memref<1x1x128xi32, #tpu.memory_space<vmem>>
      %dma_start3A_374 = tpu.memref_squeeze %dma_start3A_373 : memref<1x1x128xi32, #tpu.memory_space<vmem>> -> memref<128xi32, #tpu.memory_space<vmem>>
      %dma_start3A_375 = arith.constant 0 : i32
      %dma_start3A_376 = arith.constant 0 : i32
      %dma_start3A_377 = tpu.memref_slice %arg13[%dma_start3A_375, %dma_start3A_376] : memref<5120x128xf32, #tpu.memory_space<vmem_shared>> -> memref<5120x128xf32, #tpu.memory_space<vmem_shared>>
      tpu.enqueue_indirect_dma source(%dma_start3A_371 : memref<128x128xf32, #tpu.memory_space<vmem>>) target(%dma_start3A_377 : memref<5120x128xf32, #tpu.memory_space<vmem_shared>>) offsets(%dma_start3A_374 : memref<128xi32, #tpu.memory_space<vmem>>) semaphore(%arg22 : memref<!tpu.dma_semaphore, #tpu.memory_space<semaphore_mem>>) {add = true}
      %dma_start3A_378 = arith.constant 1 : i32
      %dma_start3A_379 = arith.constant 0 : i32
      %dma_start3A_380 = tpu.memref_slice %arg9[%add3A_352, %dma_start3A_378, %dma_start3A_379] : memref<79x2x128xi32, #tpu.memory_space<vmem>> -> memref<1x1x128xi32, #tpu.memory_space<vmem>>
      %dma_start3A_381 = tpu.memref_squeeze %dma_start3A_380 : memref<1x1x128xi32, #tpu.memory_space<vmem>> -> memref<128xi32, #tpu.memory_space<vmem>>
      %dma_start3A_382 = arith.constant 0 : i32
      %dma_start3A_383 = tpu.memref_slice %arg14[%dma_start3A_382] : memref<5120xf32, #tpu.memory_space<vmem_shared>> -> memref<5120xf32, #tpu.memory_space<vmem_shared>>
      tpu.enqueue_indirect_dma source(%arg11 : memref<128xf32, #tpu.memory_space<vmem>>) target(%dma_start3A_383 : memref<5120xf32, #tpu.memory_space<vmem_shared>>) offsets(%dma_start3A_381 : memref<128xi32, #tpu.memory_space<vmem>>) semaphore(%arg26 : memref<!tpu.dma_semaphore, #tpu.memory_space<semaphore_mem>>) {add = true}
      %dma_wait3A_384 = arith.constant 2 : i32
      %dma_wait3A_385 = arith.constant 0 : i32
      %dma_wait3A_386 = arith.constant 1 : i32
      %dma_wait3A_387 = arith.constant 0 : i32
      %dma_wait3A_388 = arith.constant 0 : i32
      %dma_wait3A_389 = tpu.memref_slice %arg10[%dma_wait3A_384, %dma_wait3A_387, %dma_wait3A_388] : memref<4x128x128xf32, #tpu.memory_space<vmem>> -> memref<1x128x128xf32, #tpu.memory_space<vmem>>
      %dma_wait3A_390 = tpu.memref_squeeze %dma_wait3A_389 : memref<1x128x128xf32, #tpu.memory_space<vmem>> -> memref<128x128xf32, #tpu.memory_space<vmem>>
      %dma_wait3A_391 = arith.constant 0 : i32
      %dma_wait3A_392 = tpu.memref_slice %arg9[%dma_wait3A_385, %dma_wait3A_386, %dma_wait3A_391] : memref<79x2x128xi32, #tpu.memory_space<vmem>> -> memref<1x1x128xi32, #tpu.memory_space<vmem>>
      %dma_wait3A_393 = tpu.memref_squeeze %dma_wait3A_392 : memref<1x1x128xi32, #tpu.memory_space<vmem>> -> memref<128xi32, #tpu.memory_space<vmem>>
      %dma_wait3A_394 = arith.constant 0 : i32
      %dma_wait3A_395 = arith.constant 0 : i32
      %dma_wait3A_396 = tpu.memref_slice %arg13[%dma_wait3A_394, %dma_wait3A_395] : memref<5120x128xf32, #tpu.memory_space<vmem_shared>> -> memref<5120x128xf32, #tpu.memory_space<vmem_shared>>
      tpu.wait_indirect_dma semaphore(%arg21 : memref<!tpu.dma_semaphore, #tpu.memory_space<semaphore_mem>>) src(%dma_wait3A_390 : memref<128x128xf32, #tpu.memory_space<vmem>>) dst(%dma_wait3A_396 : memref<5120x128xf32, #tpu.memory_space<vmem_shared>>)
      %dma_wait3A_397 = arith.constant 0 : i32
      %dma_wait3A_398 = arith.constant 1 : i32
      %dma_wait3A_399 = arith.constant 0 : i32
      %dma_wait3A_400 = tpu.memref_slice %arg9[%dma_wait3A_397, %dma_wait3A_398, %dma_wait3A_399] : memref<79x2x128xi32, #tpu.memory_space<vmem>> -> memref<1x1x128xi32, #tpu.memory_space<vmem>>
      %dma_wait3A_401 = tpu.memref_squeeze %dma_wait3A_400 : memref<1x1x128xi32, #tpu.memory_space<vmem>> -> memref<128xi32, #tpu.memory_space<vmem>>
      %dma_wait3A_402 = arith.constant 0 : i32
      %dma_wait3A_403 = tpu.memref_slice %arg14[%dma_wait3A_402] : memref<5120xf32, #tpu.memory_space<vmem_shared>> -> memref<5120xf32, #tpu.memory_space<vmem_shared>>
      tpu.wait_indirect_dma semaphore(%arg25 : memref<!tpu.dma_semaphore, #tpu.memory_space<semaphore_mem>>) src(%arg11 : memref<128xf32, #tpu.memory_space<vmem>>) dst(%dma_wait3A_403 : memref<5120xf32, #tpu.memory_space<vmem_shared>>)
      %add3A_404 = arith.constant 4 : i32
      %add3A_405 = arith.addi %add3A_352, %add3A_404 : i32
      %sub3A_406 = arith.constant 1 : i32
      %sub3A_407 = arith.subi %add3A_405, %sub3A_406 : i32
      %lt3A_408 = arith.constant 78 : i32
      %lt3A_409 = arith.cmpi slt, %sub3A_407, %lt3A_408 : i32
      %convert_element_type3A_410 = arith.extui %lt3A_409 : i1 to i32
      %cond3A_411 = arith.constant 0 : i32
      %cond3A_412 = arith.cmpi ne, %convert_element_type3A_410, %cond3A_411 : i32
      scf.if %cond3A_412 {
        %add3A_413 = arith.constant 4 : i32
        %add3A_414 = arith.addi %add3A_352, %add3A_413 : i32
        %sub3A_415 = arith.constant 1 : i32
        %sub3A_416 = arith.subi %add3A_414, %sub3A_415 : i32
        %dma_start3A_417 = arith.constant 0 : i32
        %dma_start3A_418 = arith.constant 2 : i32
        %dma_start3A_419 = arith.constant 0 : i32
        %dma_start3A_420 = arith.constant 0 : i32
        %dma_start3A_421 = tpu.memref_slice %arg10[%dma_start3A_418, %dma_start3A_419, %dma_start3A_420] : memref<4x128x128xf32, #tpu.memory_space<vmem>> -> memref<1x128x128xf32, #tpu.memory_space<vmem>>
        %dma_start3A_422 = tpu.memref_squeeze %dma_start3A_421 : memref<1x128x128xf32, #tpu.memory_space<vmem>> -> memref<128x128xf32, #tpu.memory_space<vmem>>
        %dma_start3A_423 = arith.constant 0 : i32
        %dma_start3A_424 = tpu.memref_slice %arg9[%sub3A_416, %dma_start3A_417, %dma_start3A_423] : memref<79x2x128xi32, #tpu.memory_space<vmem>> -> memref<1x1x128xi32, #tpu.memory_space<vmem>>
        %dma_start3A_425 = tpu.memref_squeeze %dma_start3A_424 : memref<1x1x128xi32, #tpu.memory_space<vmem>> -> memref<128xi32, #tpu.memory_space<vmem>>
        %dma_start3A_426 = arith.constant 0 : i32
        %dma_start3A_427 = arith.constant 0 : i32
        %dma_start3A_428 = tpu.memref_slice %arg2[%dma_start3A_426, %dma_start3A_427] : memref<10000x128xf32, #tpu.memory_space<hbm>> -> memref<10000x128xf32, #tpu.memory_space<hbm>>
        tpu.enqueue_indirect_dma source(%dma_start3A_428 : memref<10000x128xf32, #tpu.memory_space<hbm>>) target(%dma_start3A_422 : memref<128x128xf32, #tpu.memory_space<vmem>>) offsets(%dma_start3A_425 : memref<128xi32, #tpu.memory_space<vmem>>) semaphore(%arg17 : memref<!tpu.dma_semaphore, #tpu.memory_space<semaphore_mem>>)
      } else {
      }
    }
    %scan3A_47 = arith.constant 19 : i32
    %dma_wait3A = arith.constant 0 : i32
    %dma_wait3A_48 = arith.constant 0 : i32
    %dma_wait3A_49 = arith.constant 0 : i32
    %dma_wait3A_50 = arith.constant 0 : i32
    %dma_wait3A_51 = arith.constant 0 : i32
    %dma_wait3A_52 = tpu.memref_slice %arg10[%dma_wait3A_49, %dma_wait3A_50, %dma_wait3A_51] : memref<4x128x128xf32, #tpu.memory_space<vmem>> -> memref<1x128x128xf32, #tpu.memory_space<vmem>>
    %dma_wait3A_53 = tpu.memref_squeeze %dma_wait3A_52 : memref<1x128x128xf32, #tpu.memory_space<vmem>> -> memref<128x128xf32, #tpu.memory_space<vmem>>
    %dma_wait3A_54 = arith.constant 0 : i32
    %dma_wait3A_55 = tpu.memref_slice %arg9[%dma_wait3A, %dma_wait3A_48, %dma_wait3A_54] : memref<79x2x128xi32, #tpu.memory_space<vmem>> -> memref<1x1x128xi32, #tpu.memory_space<vmem>>
    %dma_wait3A_56 = tpu.memref_squeeze %dma_wait3A_55 : memref<1x1x128xi32, #tpu.memory_space<vmem>> -> memref<128xi32, #tpu.memory_space<vmem>>
    %dma_wait3A_57 = arith.constant 0 : i32
    %dma_wait3A_58 = arith.constant 0 : i32
    %dma_wait3A_59 = tpu.memref_slice %arg2[%dma_wait3A_57, %dma_wait3A_58] : memref<10000x128xf32, #tpu.memory_space<hbm>> -> memref<10000x128xf32, #tpu.memory_space<hbm>>
    tpu.wait_indirect_dma semaphore(%arg15 : memref<!tpu.dma_semaphore, #tpu.memory_space<semaphore_mem>>) src(%dma_wait3A_59 : memref<10000x128xf32, #tpu.memory_space<hbm>>) dst(%dma_wait3A_53 : memref<128x128xf32, #tpu.memory_space<vmem>>)
    %dma_start3A_60 = arith.constant 0 : i32
    %dma_start3A_61 = arith.constant 76 : i32
    %dma_start3A_62 = arith.constant 1 : i32
    %dma_start3A_63 = arith.constant 0 : i32
    %dma_start3A_64 = arith.constant 0 : i32
    %dma_start3A_65 = tpu.memref_slice %arg10[%dma_start3A_60, %dma_start3A_63, %dma_start3A_64] : memref<4x128x128xf32, #tpu.memory_space<vmem>> -> memref<1x128x128xf32, #tpu.memory_space<vmem>>
    %dma_start3A_66 = tpu.memref_squeeze %dma_start3A_65 : memref<1x128x128xf32, #tpu.memory_space<vmem>> -> memref<128x128xf32, #tpu.memory_space<vmem>>
    %dma_start3A_67 = arith.constant 0 : i32
    %dma_start3A_68 = tpu.memref_slice %arg9[%dma_start3A_61, %dma_start3A_62, %dma_start3A_67] : memref<79x2x128xi32, #tpu.memory_space<vmem>> -> memref<1x1x128xi32, #tpu.memory_space<vmem>>
    %dma_start3A_69 = tpu.memref_squeeze %dma_start3A_68 : memref<1x1x128xi32, #tpu.memory_space<vmem>> -> memref<128xi32, #tpu.memory_space<vmem>>
    %dma_start3A_70 = arith.constant 0 : i32
    %dma_start3A_71 = arith.constant 0 : i32
    %dma_start3A_72 = tpu.memref_slice %arg13[%dma_start3A_70, %dma_start3A_71] : memref<5120x128xf32, #tpu.memory_space<vmem_shared>> -> memref<5120x128xf32, #tpu.memory_space<vmem_shared>>
    tpu.enqueue_indirect_dma source(%dma_start3A_66 : memref<128x128xf32, #tpu.memory_space<vmem>>) target(%dma_start3A_72 : memref<5120x128xf32, #tpu.memory_space<vmem_shared>>) offsets(%dma_start3A_69 : memref<128xi32, #tpu.memory_space<vmem>>) semaphore(%arg19 : memref<!tpu.dma_semaphore, #tpu.memory_space<semaphore_mem>>) {add = true}
    %dma_start3A_73 = arith.constant 76 : i32
    %dma_start3A_74 = arith.constant 1 : i32
    %dma_start3A_75 = arith.constant 0 : i32
    %dma_start3A_76 = tpu.memref_slice %arg9[%dma_start3A_73, %dma_start3A_74, %dma_start3A_75] : memref<79x2x128xi32, #tpu.memory_space<vmem>> -> memref<1x1x128xi32, #tpu.memory_space<vmem>>
    %dma_start3A_77 = tpu.memref_squeeze %dma_start3A_76 : memref<1x1x128xi32, #tpu.memory_space<vmem>> -> memref<128xi32, #tpu.memory_space<vmem>>
    %dma_start3A_78 = arith.constant 0 : i32
    %dma_start3A_79 = tpu.memref_slice %arg14[%dma_start3A_78] : memref<5120xf32, #tpu.memory_space<vmem_shared>> -> memref<5120xf32, #tpu.memory_space<vmem_shared>>
    tpu.enqueue_indirect_dma source(%arg11 : memref<128xf32, #tpu.memory_space<vmem>>) target(%dma_start3A_79 : memref<5120xf32, #tpu.memory_space<vmem_shared>>) offsets(%dma_start3A_77 : memref<128xi32, #tpu.memory_space<vmem>>) semaphore(%arg23 : memref<!tpu.dma_semaphore, #tpu.memory_space<semaphore_mem>>) {add = true}
    %dma_wait3A_80 = arith.constant 3 : i32
    %dma_wait3A_81 = arith.constant 0 : i32
    %dma_wait3A_82 = arith.constant 1 : i32
    %dma_wait3A_83 = arith.constant 0 : i32
    %dma_wait3A_84 = arith.constant 0 : i32
    %dma_wait3A_85 = tpu.memref_slice %arg10[%dma_wait3A_80, %dma_wait3A_83, %dma_wait3A_84] : memref<4x128x128xf32, #tpu.memory_space<vmem>> -> memref<1x128x128xf32, #tpu.memory_space<vmem>>
    %dma_wait3A_86 = tpu.memref_squeeze %dma_wait3A_85 : memref<1x128x128xf32, #tpu.memory_space<vmem>> -> memref<128x128xf32, #tpu.memory_space<vmem>>
    %dma_wait3A_87 = arith.constant 0 : i32
    %dma_wait3A_88 = tpu.memref_slice %arg9[%dma_wait3A_81, %dma_wait3A_82, %dma_wait3A_87] : memref<79x2x128xi32, #tpu.memory_space<vmem>> -> memref<1x1x128xi32, #tpu.memory_space<vmem>>
    %dma_wait3A_89 = tpu.memref_squeeze %dma_wait3A_88 : memref<1x1x128xi32, #tpu.memory_space<vmem>> -> memref<128xi32, #tpu.memory_space<vmem>>
    %dma_wait3A_90 = arith.constant 0 : i32
    %dma_wait3A_91 = arith.constant 0 : i32
    %dma_wait3A_92 = tpu.memref_slice %arg13[%dma_wait3A_90, %dma_wait3A_91] : memref<5120x128xf32, #tpu.memory_space<vmem_shared>> -> memref<5120x128xf32, #tpu.memory_space<vmem_shared>>
    tpu.wait_indirect_dma semaphore(%arg22 : memref<!tpu.dma_semaphore, #tpu.memory_space<semaphore_mem>>) src(%dma_wait3A_86 : memref<128x128xf32, #tpu.memory_space<vmem>>) dst(%dma_wait3A_92 : memref<5120x128xf32, #tpu.memory_space<vmem_shared>>)
    %dma_wait3A_93 = arith.constant 0 : i32
    %dma_wait3A_94 = arith.constant 1 : i32
    %dma_wait3A_95 = arith.constant 0 : i32
    %dma_wait3A_96 = tpu.memref_slice %arg9[%dma_wait3A_93, %dma_wait3A_94, %dma_wait3A_95] : memref<79x2x128xi32, #tpu.memory_space<vmem>> -> memref<1x1x128xi32, #tpu.memory_space<vmem>>
    %dma_wait3A_97 = tpu.memref_squeeze %dma_wait3A_96 : memref<1x1x128xi32, #tpu.memory_space<vmem>> -> memref<128xi32, #tpu.memory_space<vmem>>
    %dma_wait3A_98 = arith.constant 0 : i32
    %dma_wait3A_99 = tpu.memref_slice %arg14[%dma_wait3A_98] : memref<5120xf32, #tpu.memory_space<vmem_shared>> -> memref<5120xf32, #tpu.memory_space<vmem_shared>>
    tpu.wait_indirect_dma semaphore(%arg26 : memref<!tpu.dma_semaphore, #tpu.memory_space<semaphore_mem>>) src(%arg11 : memref<128xf32, #tpu.memory_space<vmem>>) dst(%dma_wait3A_99 : memref<5120xf32, #tpu.memory_space<vmem_shared>>)
    %dma_wait3A_100 = arith.constant 0 : i32
    %dma_wait3A_101 = arith.constant 0 : i32
    %dma_wait3A_102 = arith.constant 1 : i32
    %dma_wait3A_103 = arith.constant 0 : i32
    %dma_wait3A_104 = arith.constant 0 : i32
    %dma_wait3A_105 = tpu.memref_slice %arg10[%dma_wait3A_102, %dma_wait3A_103, %dma_wait3A_104] : memref<4x128x128xf32, #tpu.memory_space<vmem>> -> memref<1x128x128xf32, #tpu.memory_space<vmem>>
    %dma_wait3A_106 = tpu.memref_squeeze %dma_wait3A_105 : memref<1x128x128xf32, #tpu.memory_space<vmem>> -> memref<128x128xf32, #tpu.memory_space<vmem>>
    %dma_wait3A_107 = arith.constant 0 : i32
    %dma_wait3A_108 = tpu.memref_slice %arg9[%dma_wait3A_100, %dma_wait3A_101, %dma_wait3A_107] : memref<79x2x128xi32, #tpu.memory_space<vmem>> -> memref<1x1x128xi32, #tpu.memory_space<vmem>>
    %dma_wait3A_109 = tpu.memref_squeeze %dma_wait3A_108 : memref<1x1x128xi32, #tpu.memory_space<vmem>> -> memref<128xi32, #tpu.memory_space<vmem>>
    %dma_wait3A_110 = arith.constant 0 : i32
    %dma_wait3A_111 = arith.constant 0 : i32
    %dma_wait3A_112 = tpu.memref_slice %arg2[%dma_wait3A_110, %dma_wait3A_111] : memref<10000x128xf32, #tpu.memory_space<hbm>> -> memref<10000x128xf32, #tpu.memory_space<hbm>>
    tpu.wait_indirect_dma semaphore(%arg16 : memref<!tpu.dma_semaphore, #tpu.memory_space<semaphore_mem>>) src(%dma_wait3A_112 : memref<10000x128xf32, #tpu.memory_space<hbm>>) dst(%dma_wait3A_106 : memref<128x128xf32, #tpu.memory_space<vmem>>)
    %dma_start3A_113 = arith.constant 1 : i32
    %dma_start3A_114 = arith.constant 77 : i32
    %dma_start3A_115 = arith.constant 1 : i32
    %dma_start3A_116 = arith.constant 0 : i32
    %dma_start3A_117 = arith.constant 0 : i32
    %dma_start3A_118 = tpu.memref_slice %arg10[%dma_start3A_113, %dma_start3A_116, %dma_start3A_117] : memref<4x128x128xf32, #tpu.memory_space<vmem>> -> memref<1x128x128xf32, #tpu.memory_space<vmem>>
    %dma_start3A_119 = tpu.memref_squeeze %dma_start3A_118 : memref<1x128x128xf32, #tpu.memory_space<vmem>> -> memref<128x128xf32, #tpu.memory_space<vmem>>
    %dma_start3A_120 = arith.constant 0 : i32
    %dma_start3A_121 = tpu.memref_slice %arg9[%dma_start3A_114, %dma_start3A_115, %dma_start3A_120] : memref<79x2x128xi32, #tpu.memory_space<vmem>> -> memref<1x1x128xi32, #tpu.memory_space<vmem>>
    %dma_start3A_122 = tpu.memref_squeeze %dma_start3A_121 : memref<1x1x128xi32, #tpu.memory_space<vmem>> -> memref<128xi32, #tpu.memory_space<vmem>>
    %dma_start3A_123 = arith.constant 0 : i32
    %dma_start3A_124 = arith.constant 0 : i32
    %dma_start3A_125 = tpu.memref_slice %arg13[%dma_start3A_123, %dma_start3A_124] : memref<5120x128xf32, #tpu.memory_space<vmem_shared>> -> memref<5120x128xf32, #tpu.memory_space<vmem_shared>>
    tpu.enqueue_indirect_dma source(%dma_start3A_119 : memref<128x128xf32, #tpu.memory_space<vmem>>) target(%dma_start3A_125 : memref<5120x128xf32, #tpu.memory_space<vmem_shared>>) offsets(%dma_start3A_122 : memref<128xi32, #tpu.memory_space<vmem>>) semaphore(%arg20 : memref<!tpu.dma_semaphore, #tpu.memory_space<semaphore_mem>>) {add = true}
    %dma_start3A_126 = arith.constant 77 : i32
    %dma_start3A_127 = arith.constant 1 : i32
    %dma_start3A_128 = arith.constant 0 : i32
    %dma_start3A_129 = tpu.memref_slice %arg9[%dma_start3A_126, %dma_start3A_127, %dma_start3A_128] : memref<79x2x128xi32, #tpu.memory_space<vmem>> -> memref<1x1x128xi32, #tpu.memory_space<vmem>>
    %dma_start3A_130 = tpu.memref_squeeze %dma_start3A_129 : memref<1x1x128xi32, #tpu.memory_space<vmem>> -> memref<128xi32, #tpu.memory_space<vmem>>
    %dma_start3A_131 = arith.constant 0 : i32
    %dma_start3A_132 = tpu.memref_slice %arg14[%dma_start3A_131] : memref<5120xf32, #tpu.memory_space<vmem_shared>> -> memref<5120xf32, #tpu.memory_space<vmem_shared>>
    tpu.enqueue_indirect_dma source(%arg11 : memref<128xf32, #tpu.memory_space<vmem>>) target(%dma_start3A_132 : memref<5120xf32, #tpu.memory_space<vmem_shared>>) offsets(%dma_start3A_130 : memref<128xi32, #tpu.memory_space<vmem>>) semaphore(%arg24 : memref<!tpu.dma_semaphore, #tpu.memory_space<semaphore_mem>>) {add = true}
    %dma_wait3A_133 = arith.constant 0 : i32
    %dma_wait3A_134 = arith.constant 0 : i32
    %dma_wait3A_135 = arith.constant 1 : i32
    %dma_wait3A_136 = arith.constant 0 : i32
    %dma_wait3A_137 = arith.constant 0 : i32
    %dma_wait3A_138 = tpu.memref_slice %arg10[%dma_wait3A_133, %dma_wait3A_136, %dma_wait3A_137] : memref<4x128x128xf32, #tpu.memory_space<vmem>> -> memref<1x128x128xf32, #tpu.memory_space<vmem>>
    %dma_wait3A_139 = tpu.memref_squeeze %dma_wait3A_138 : memref<1x128x128xf32, #tpu.memory_space<vmem>> -> memref<128x128xf32, #tpu.memory_space<vmem>>
    %dma_wait3A_140 = arith.constant 0 : i32
    %dma_wait3A_141 = tpu.memref_slice %arg9[%dma_wait3A_134, %dma_wait3A_135, %dma_wait3A_140] : memref<79x2x128xi32, #tpu.memory_space<vmem>> -> memref<1x1x128xi32, #tpu.memory_space<vmem>>
    %dma_wait3A_142 = tpu.memref_squeeze %dma_wait3A_141 : memref<1x1x128xi32, #tpu.memory_space<vmem>> -> memref<128xi32, #tpu.memory_space<vmem>>
    %dma_wait3A_143 = arith.constant 0 : i32
    %dma_wait3A_144 = arith.constant 0 : i32
    %dma_wait3A_145 = tpu.memref_slice %arg13[%dma_wait3A_143, %dma_wait3A_144] : memref<5120x128xf32, #tpu.memory_space<vmem_shared>> -> memref<5120x128xf32, #tpu.memory_space<vmem_shared>>
    tpu.wait_indirect_dma semaphore(%arg19 : memref<!tpu.dma_semaphore, #tpu.memory_space<semaphore_mem>>) src(%dma_wait3A_139 : memref<128x128xf32, #tpu.memory_space<vmem>>) dst(%dma_wait3A_145 : memref<5120x128xf32, #tpu.memory_space<vmem_shared>>)
    %dma_wait3A_146 = arith.constant 0 : i32
    %dma_wait3A_147 = arith.constant 1 : i32
    %dma_wait3A_148 = arith.constant 0 : i32
    %dma_wait3A_149 = tpu.memref_slice %arg9[%dma_wait3A_146, %dma_wait3A_147, %dma_wait3A_148] : memref<79x2x128xi32, #tpu.memory_space<vmem>> -> memref<1x1x128xi32, #tpu.memory_space<vmem>>
    %dma_wait3A_150 = tpu.memref_squeeze %dma_wait3A_149 : memref<1x1x128xi32, #tpu.memory_space<vmem>> -> memref<128xi32, #tpu.memory_space<vmem>>
    %dma_wait3A_151 = arith.constant 0 : i32
    %dma_wait3A_152 = tpu.memref_slice %arg14[%dma_wait3A_151] : memref<5120xf32, #tpu.memory_space<vmem_shared>> -> memref<5120xf32, #tpu.memory_space<vmem_shared>>
    tpu.wait_indirect_dma semaphore(%arg23 : memref<!tpu.dma_semaphore, #tpu.memory_space<semaphore_mem>>) src(%arg11 : memref<128xf32, #tpu.memory_space<vmem>>) dst(%dma_wait3A_152 : memref<5120xf32, #tpu.memory_space<vmem_shared>>)
    %dma_wait3A_153 = arith.constant 1 : i32
    %dma_wait3A_154 = arith.constant 0 : i32
    %dma_wait3A_155 = arith.constant 1 : i32
    %dma_wait3A_156 = arith.constant 0 : i32
    %dma_wait3A_157 = arith.constant 0 : i32
    %dma_wait3A_158 = tpu.memref_slice %arg10[%dma_wait3A_153, %dma_wait3A_156, %dma_wait3A_157] : memref<4x128x128xf32, #tpu.memory_space<vmem>> -> memref<1x128x128xf32, #tpu.memory_space<vmem>>
    %dma_wait3A_159 = tpu.memref_squeeze %dma_wait3A_158 : memref<1x128x128xf32, #tpu.memory_space<vmem>> -> memref<128x128xf32, #tpu.memory_space<vmem>>
    %dma_wait3A_160 = arith.constant 0 : i32
    %dma_wait3A_161 = tpu.memref_slice %arg9[%dma_wait3A_154, %dma_wait3A_155, %dma_wait3A_160] : memref<79x2x128xi32, #tpu.memory_space<vmem>> -> memref<1x1x128xi32, #tpu.memory_space<vmem>>
    %dma_wait3A_162 = tpu.memref_squeeze %dma_wait3A_161 : memref<1x1x128xi32, #tpu.memory_space<vmem>> -> memref<128xi32, #tpu.memory_space<vmem>>
    %dma_wait3A_163 = arith.constant 0 : i32
    %dma_wait3A_164 = arith.constant 0 : i32
    %dma_wait3A_165 = tpu.memref_slice %arg13[%dma_wait3A_163, %dma_wait3A_164] : memref<5120x128xf32, #tpu.memory_space<vmem_shared>> -> memref<5120x128xf32, #tpu.memory_space<vmem_shared>>
    tpu.wait_indirect_dma semaphore(%arg20 : memref<!tpu.dma_semaphore, #tpu.memory_space<semaphore_mem>>) src(%dma_wait3A_159 : memref<128x128xf32, #tpu.memory_space<vmem>>) dst(%dma_wait3A_165 : memref<5120x128xf32, #tpu.memory_space<vmem_shared>>)
    %dma_wait3A_166 = arith.constant 0 : i32
    %dma_wait3A_167 = arith.constant 1 : i32
    %dma_wait3A_168 = arith.constant 0 : i32
    %dma_wait3A_169 = tpu.memref_slice %arg9[%dma_wait3A_166, %dma_wait3A_167, %dma_wait3A_168] : memref<79x2x128xi32, #tpu.memory_space<vmem>> -> memref<1x1x128xi32, #tpu.memory_space<vmem>>
    %dma_wait3A_170 = tpu.memref_squeeze %dma_wait3A_169 : memref<1x1x128xi32, #tpu.memory_space<vmem>> -> memref<128xi32, #tpu.memory_space<vmem>>
    %dma_wait3A_171 = arith.constant 0 : i32
    %dma_wait3A_172 = tpu.memref_slice %arg14[%dma_wait3A_171] : memref<5120xf32, #tpu.memory_space<vmem_shared>> -> memref<5120xf32, #tpu.memory_space<vmem_shared>>
    tpu.wait_indirect_dma semaphore(%arg24 : memref<!tpu.dma_semaphore, #tpu.memory_space<semaphore_mem>>) src(%arg11 : memref<128xf32, #tpu.memory_space<vmem>>) dst(%dma_wait3A_172 : memref<5120xf32, #tpu.memory_space<vmem_shared>>)
    %lt3A = arith.constant 4 : i32
    %lt3A_173 = arith.cmpi slt, %add3A, %lt3A : i32
    %convert_element_type3A = arith.extui %lt3A_173 : i1 to i32
    %cond3A = arith.constant 0 : i32
    %cond3A_174 = arith.cmpi ne, %convert_element_type3A, %cond3A : i32
    scf.if %cond3A_174 {
      %add3A_179 = arith.constant 2496 : i32
      %add3A_180 = arith.addi %add3A_179, %add3A : i32
      %run_scoped3A = arith.constant 78 : i32
      "tpu.region"() ({
        %run_scoped3A_212 = tpu.sem_alloc : memref<!tpu.dma_semaphore, #tpu.memory_space<semaphore_mem>>
        %dma_start3A_213 = arith.constant 0 : i32
        %dma_start3A_214 = arith.constant 0 : i32
        %dma_start3A_215 = tpu.memref_slice %arg9[%run_scoped3A, %dma_start3A_213, %dma_start3A_214] : memref<79x2x128xi32, #tpu.memory_space<vmem>> -> memref<1x2x128xi32, #tpu.memory_space<vmem>>
        %dma_start3A_216 = tpu.memref_squeeze %dma_start3A_215 : memref<1x2x128xi32, #tpu.memory_space<vmem>> -> memref<2x128xi32, #tpu.memory_space<vmem>>
        %dma_start3A_217 = arith.constant 0 : i32
        %dma_start3A_218 = arith.constant 0 : i32
        %dma_start3A_219 = tpu.memref_slice %arg3[%add3A_180, %dma_start3A_217, %dma_start3A_218] : memref<2500x2x128xi32, #tpu.memory_space<hbm>> -> memref<1x2x128xi32, #tpu.memory_space<hbm>>
        %dma_start3A_220 = tpu.memref_squeeze %dma_start3A_219 : memref<1x2x128xi32, #tpu.memory_space<hbm>> -> memref<2x128xi32, #tpu.memory_space<hbm>>
        %dma_start3A_221 = arith.constant 0 : i32
        %dma_start3A_222 = arith.constant 0 : i32
        %dma_start3A_223 = tpu.memref_slice %arg9[%run_scoped3A, %dma_start3A_221, %dma_start3A_222] : memref<79x2x128xi32, #tpu.memory_space<vmem>> -> memref<1x2x128xi32, #tpu.memory_space<vmem>>
        %dma_start3A_224 = tpu.memref_squeeze %dma_start3A_223 : memref<1x2x128xi32, #tpu.memory_space<vmem>> -> memref<2x128xi32, #tpu.memory_space<vmem>>
        %dma_start3A_225 = arith.constant 0 : i32
        %dma_start3A_226 = arith.constant 0 : i32
        %dma_start3A_227 = tpu.memref_slice %arg3[%add3A_180, %dma_start3A_225, %dma_start3A_226] : memref<2500x2x128xi32, #tpu.memory_space<hbm>> -> memref<1x2x128xi32, #tpu.memory_space<hbm>>
        %dma_start3A_228 = tpu.memref_squeeze %dma_start3A_227 : memref<1x2x128xi32, #tpu.memory_space<hbm>> -> memref<2x128xi32, #tpu.memory_space<hbm>>
        tpu.enqueue_dma source(%dma_start3A_228 : memref<2x128xi32, #tpu.memory_space<hbm>>) target(%dma_start3A_224 : memref<2x128xi32, #tpu.memory_space<vmem>>) target_semaphore(%run_scoped3A_212 : memref<!tpu.dma_semaphore, #tpu.memory_space<semaphore_mem>>)
        %dma_wait3A_229 = arith.constant 0 : i32
        %dma_wait3A_230 = arith.constant 0 : i32
        %dma_wait3A_231 = tpu.memref_slice %arg9[%run_scoped3A, %dma_wait3A_229, %dma_wait3A_230] : memref<79x2x128xi32, #tpu.memory_space<vmem>> -> memref<1x2x128xi32, #tpu.memory_space<vmem>>
        %dma_wait3A_232 = tpu.memref_squeeze %dma_wait3A_231 : memref<1x2x128xi32, #tpu.memory_space<vmem>> -> memref<2x128xi32, #tpu.memory_space<vmem>>
        %dma_wait3A_233 = arith.constant 0 : i32
        %dma_wait3A_234 = arith.constant 0 : i32
        %dma_wait3A_235 = tpu.memref_slice %arg3[%add3A_180, %dma_wait3A_233, %dma_wait3A_234] : memref<2500x2x128xi32, #tpu.memory_space<hbm>> -> memref<1x2x128xi32, #tpu.memory_space<hbm>>
        %dma_wait3A_236 = tpu.memref_squeeze %dma_wait3A_235 : memref<1x2x128xi32, #tpu.memory_space<hbm>> -> memref<2x128xi32, #tpu.memory_space<hbm>>
        %dma_wait3A_237 = arith.constant 0 : i32
        %dma_wait3A_238 = arith.constant 0 : i32
        %dma_wait3A_239 = tpu.memref_slice %arg9[%run_scoped3A, %dma_wait3A_237, %dma_wait3A_238] : memref<79x2x128xi32, #tpu.memory_space<vmem>> -> memref<1x2x128xi32, #tpu.memory_space<vmem>>
        %dma_wait3A_240 = tpu.memref_squeeze %dma_wait3A_239 : memref<1x2x128xi32, #tpu.memory_space<vmem>> -> memref<2x128xi32, #tpu.memory_space<vmem>>
        %dma_wait3A_241 = arith.constant 0 : i32
        %dma_wait3A_242 = arith.constant 0 : i32
        %dma_wait3A_243 = tpu.memref_slice %arg3[%add3A_180, %dma_wait3A_241, %dma_wait3A_242] : memref<2500x2x128xi32, #tpu.memory_space<hbm>> -> memref<1x2x128xi32, #tpu.memory_space<hbm>>
        %dma_wait3A_244 = tpu.memref_squeeze %dma_wait3A_243 : memref<1x2x128xi32, #tpu.memory_space<hbm>> -> memref<2x128xi32, #tpu.memory_space<hbm>>
        tpu.wait_dma2 semaphore(%run_scoped3A_212 : memref<!tpu.dma_semaphore, #tpu.memory_space<semaphore_mem>>) src(%dma_wait3A_244 : memref<2x128xi32, #tpu.memory_space<hbm>>) dst(%dma_wait3A_240 : memref<2x128xi32, #tpu.memory_space<vmem>>)
        tpu.yield
      }) : () -> ()
      %dma_start3A_181 = arith.constant 78 : i32
      %dma_start3A_182 = arith.constant 0 : i32
      %dma_start3A_183 = arith.constant 0 : i32
      %dma_start3A_184 = arith.constant 0 : i32
      %dma_start3A_185 = arith.constant 0 : i32
      %dma_start3A_186 = tpu.memref_slice %arg10[%dma_start3A_183, %dma_start3A_184, %dma_start3A_185] : memref<4x128x128xf32, #tpu.memory_space<vmem>> -> memref<1x128x128xf32, #tpu.memory_space<vmem>>
      %dma_start3A_187 = tpu.memref_squeeze %dma_start3A_186 : memref<1x128x128xf32, #tpu.memory_space<vmem>> -> memref<128x128xf32, #tpu.memory_space<vmem>>
      %dma_start3A_188 = arith.constant 0 : i32
      %dma_start3A_189 = tpu.memref_slice %arg9[%dma_start3A_181, %dma_start3A_182, %dma_start3A_188] : memref<79x2x128xi32, #tpu.memory_space<vmem>> -> memref<1x1x128xi32, #tpu.memory_space<vmem>>
      %dma_start3A_190 = tpu.memref_squeeze %dma_start3A_189 : memref<1x1x128xi32, #tpu.memory_space<vmem>> -> memref<128xi32, #tpu.memory_space<vmem>>
      %dma_start3A_191 = arith.constant 0 : i32
      %dma_start3A_192 = arith.constant 0 : i32
      %dma_start3A_193 = tpu.memref_slice %arg2[%dma_start3A_191, %dma_start3A_192] : memref<10000x128xf32, #tpu.memory_space<hbm>> -> memref<10000x128xf32, #tpu.memory_space<hbm>>
      tpu.enqueue_indirect_dma source(%dma_start3A_193 : memref<10000x128xf32, #tpu.memory_space<hbm>>) target(%dma_start3A_187 : memref<128x128xf32, #tpu.memory_space<vmem>>) offsets(%dma_start3A_190 : memref<128xi32, #tpu.memory_space<vmem>>) semaphore(%arg15 : memref<!tpu.dma_semaphore, #tpu.memory_space<semaphore_mem>>)
      %dma_wait3A_194 = arith.constant 78 : i32
      %dma_wait3A_195 = arith.constant 0 : i32
      %dma_wait3A_196 = arith.constant 0 : i32
      %dma_wait3A_197 = arith.constant 0 : i32
      %dma_wait3A_198 = arith.constant 0 : i32
      %dma_wait3A_199 = tpu.memref_slice %arg10[%dma_wait3A_196, %dma_wait3A_197, %dma_wait3A_198] : memref<4x128x128xf32, #tpu.memory_space<vmem>> -> memref<1x128x128xf32, #tpu.memory_space<vmem>>
      %dma_wait3A_200 = tpu.memref_squeeze %dma_wait3A_199 : memref<1x128x128xf32, #tpu.memory_space<vmem>> -> memref<128x128xf32, #tpu.memory_space<vmem>>
      %dma_wait3A_201 = arith.constant 0 : i32
      %dma_wait3A_202 = tpu.memref_slice %arg9[%dma_wait3A_194, %dma_wait3A_195, %dma_wait3A_201] : memref<79x2x128xi32, #tpu.memory_space<vmem>> -> memref<1x1x128xi32, #tpu.memory_space<vmem>>
      %dma_wait3A_203 = tpu.memref_squeeze %dma_wait3A_202 : memref<1x1x128xi32, #tpu.memory_space<vmem>> -> memref<128xi32, #tpu.memory_space<vmem>>
      %dma_wait3A_204 = arith.constant 0 : i32
      %dma_wait3A_205 = arith.constant 0 : i32
      %dma_wait3A_206 = tpu.memref_slice %arg2[%dma_wait3A_204, %dma_wait3A_205] : memref<10000x128xf32, #tpu.memory_space<hbm>> -> memref<10000x128xf32, #tpu.memory_space<hbm>>
      tpu.wait_indirect_dma semaphore(%arg15 : memref<!tpu.dma_semaphore, #tpu.memory_space<semaphore_mem>>) src(%dma_wait3A_206 : memref<10000x128xf32, #tpu.memory_space<hbm>>) dst(%dma_wait3A_200 : memref<128x128xf32, #tpu.memory_space<vmem>>)
      %run_scoped3A_207 = arith.constant 0 : i32
      %run_scoped3A_208 = arith.constant 78 : i32
      %run_scoped3A_209 = arith.constant 1 : i32
      "tpu.region"() ({
        %run_scoped3A_212 = tpu.sem_alloc : memref<!tpu.dma_semaphore, #tpu.memory_space<semaphore_mem>>
        %dma_start3A_213 = arith.constant 0 : i32
        %dma_start3A_214 = arith.constant 0 : i32
        %dma_start3A_215 = tpu.memref_slice %arg10[%run_scoped3A_207, %dma_start3A_213, %dma_start3A_214] : memref<4x128x128xf32, #tpu.memory_space<vmem>> -> memref<1x128x128xf32, #tpu.memory_space<vmem>>
        %dma_start3A_216 = tpu.memref_squeeze %dma_start3A_215 : memref<1x128x128xf32, #tpu.memory_space<vmem>> -> memref<128x128xf32, #tpu.memory_space<vmem>>
        %dma_start3A_217 = arith.constant 0 : i32
        %dma_start3A_218 = tpu.memref_slice %arg9[%run_scoped3A_208, %run_scoped3A_209, %dma_start3A_217] : memref<79x2x128xi32, #tpu.memory_space<vmem>> -> memref<1x1x128xi32, #tpu.memory_space<vmem>>
        %dma_start3A_219 = tpu.memref_squeeze %dma_start3A_218 : memref<1x1x128xi32, #tpu.memory_space<vmem>> -> memref<128xi32, #tpu.memory_space<vmem>>
        %dma_start3A_220 = arith.constant 0 : i32
        %dma_start3A_221 = arith.constant 0 : i32
        %dma_start3A_222 = tpu.memref_slice %arg13[%dma_start3A_220, %dma_start3A_221] : memref<5120x128xf32, #tpu.memory_space<vmem_shared>> -> memref<5120x128xf32, #tpu.memory_space<vmem_shared>>
        tpu.enqueue_indirect_dma source(%dma_start3A_216 : memref<128x128xf32, #tpu.memory_space<vmem>>) target(%dma_start3A_222 : memref<5120x128xf32, #tpu.memory_space<vmem_shared>>) offsets(%dma_start3A_219 : memref<128xi32, #tpu.memory_space<vmem>>) semaphore(%run_scoped3A_212 : memref<!tpu.dma_semaphore, #tpu.memory_space<semaphore_mem>>) {add = true}
        %dma_wait3A_223 = arith.constant 0 : i32
        %dma_wait3A_224 = arith.constant 0 : i32
        %dma_wait3A_225 = tpu.memref_slice %arg10[%run_scoped3A_207, %dma_wait3A_223, %dma_wait3A_224] : memref<4x128x128xf32, #tpu.memory_space<vmem>> -> memref<1x128x128xf32, #tpu.memory_space<vmem>>
        %dma_wait3A_226 = tpu.memref_squeeze %dma_wait3A_225 : memref<1x128x128xf32, #tpu.memory_space<vmem>> -> memref<128x128xf32, #tpu.memory_space<vmem>>
        %dma_wait3A_227 = arith.constant 0 : i32
        %dma_wait3A_228 = tpu.memref_slice %arg9[%run_scoped3A_208, %run_scoped3A_209, %dma_wait3A_227] : memref<79x2x128xi32, #tpu.memory_space<vmem>> -> memref<1x1x128xi32, #tpu.memory_space<vmem>>
        %dma_wait3A_229 = tpu.memref_squeeze %dma_wait3A_228 : memref<1x1x128xi32, #tpu.memory_space<vmem>> -> memref<128xi32, #tpu.memory_space<vmem>>
        %dma_wait3A_230 = arith.constant 0 : i32
        %dma_wait3A_231 = arith.constant 0 : i32
        %dma_wait3A_232 = tpu.memref_slice %arg13[%dma_wait3A_230, %dma_wait3A_231] : memref<5120x128xf32, #tpu.memory_space<vmem_shared>> -> memref<5120x128xf32, #tpu.memory_space<vmem_shared>>
        tpu.wait_indirect_dma semaphore(%run_scoped3A_212 : memref<!tpu.dma_semaphore, #tpu.memory_space<semaphore_mem>>) src(%dma_wait3A_226 : memref<128x128xf32, #tpu.memory_space<vmem>>) dst(%dma_wait3A_232 : memref<5120x128xf32, #tpu.memory_space<vmem_shared>>)
        tpu.yield
      }) : () -> ()
      %run_scoped3A_210 = arith.constant 78 : i32
      %run_scoped3A_211 = arith.constant 1 : i32
      "tpu.region"() ({
        %run_scoped3A_212 = tpu.sem_alloc : memref<!tpu.dma_semaphore, #tpu.memory_space<semaphore_mem>>
        %dma_start3A_213 = arith.constant 0 : i32
        %dma_start3A_214 = tpu.memref_slice %arg9[%run_scoped3A_210, %run_scoped3A_211, %dma_start3A_213] : memref<79x2x128xi32, #tpu.memory_space<vmem>> -> memref<1x1x128xi32, #tpu.memory_space<vmem>>
        %dma_start3A_215 = tpu.memref_squeeze %dma_start3A_214 : memref<1x1x128xi32, #tpu.memory_space<vmem>> -> memref<128xi32, #tpu.memory_space<vmem>>
        %dma_start3A_216 = arith.constant 0 : i32
        %dma_start3A_217 = tpu.memref_slice %arg14[%dma_start3A_216] : memref<5120xf32, #tpu.memory_space<vmem_shared>> -> memref<5120xf32, #tpu.memory_space<vmem_shared>>
        tpu.enqueue_indirect_dma source(%arg11 : memref<128xf32, #tpu.memory_space<vmem>>) target(%dma_start3A_217 : memref<5120xf32, #tpu.memory_space<vmem_shared>>) offsets(%dma_start3A_215 : memref<128xi32, #tpu.memory_space<vmem>>) semaphore(%run_scoped3A_212 : memref<!tpu.dma_semaphore, #tpu.memory_space<semaphore_mem>>) {add = true}
        %dma_wait3A_218 = arith.constant 0 : i32
        %dma_wait3A_219 = tpu.memref_slice %arg9[%run_scoped3A_210, %run_scoped3A_211, %dma_wait3A_218] : memref<79x2x128xi32, #tpu.memory_space<vmem>> -> memref<1x1x128xi32, #tpu.memory_space<vmem>>
        %dma_wait3A_220 = tpu.memref_squeeze %dma_wait3A_219 : memref<1x1x128xi32, #tpu.memory_space<vmem>> -> memref<128xi32, #tpu.memory_space<vmem>>
        %dma_wait3A_221 = arith.constant 0 : i32
        %dma_wait3A_222 = tpu.memref_slice %arg14[%dma_wait3A_221] : memref<5120xf32, #tpu.memory_space<vmem_shared>> -> memref<5120xf32, #tpu.memory_space<vmem_shared>>
        tpu.wait_indirect_dma semaphore(%run_scoped3A_212 : memref<!tpu.dma_semaphore, #tpu.memory_space<semaphore_mem>>) src(%arg11 : memref<128xf32, #tpu.memory_space<vmem>>) dst(%dma_wait3A_222 : memref<5120xf32, #tpu.memory_space<vmem_shared>>)
        tpu.yield
      }) : () -> ()
    } else {
    }
    %barrier3A_175 = arith.constant 0 : index
    tpu.barrier barrier_id(%barrier3A_175)
    "tpu.region"() ({
      %run_scoped3A = tpu.sem_alloc : memref<!tpu.dma_semaphore, #tpu.memory_space<semaphore_mem>>
      %dma_start3A_179 = arith.constant 0 : i32
      %dma_start3A_180 = tpu.memref_slice %arg7[%arg0, %mul3A_2, %dma_start3A_179] : memref<2x5120x128xf32, #tpu.memory_space<hbm>> -> memref<1x320x128xf32, #tpu.memory_space<hbm>>
      %dma_start3A_181 = tpu.memref_squeeze %dma_start3A_180 : memref<1x320x128xf32, #tpu.memory_space<hbm>> -> memref<320x128xf32, #tpu.memory_space<hbm>>
      %dma_start3A_182 = arith.constant 0 : i32
      %dma_start3A_183 = tpu.memref_slice %arg13[%mul3A_2, %dma_start3A_182] : memref<5120x128xf32, #tpu.memory_space<vmem_shared>> -> memref<320x128xf32, #tpu.memory_space<vmem_shared>>
      tpu.enqueue_dma source(%dma_start3A_183 : memref<320x128xf32, #tpu.memory_space<vmem_shared>>) target(%dma_start3A_181 : memref<320x128xf32, #tpu.memory_space<hbm>>) target_semaphore(%run_scoped3A : memref<!tpu.dma_semaphore, #tpu.memory_space<semaphore_mem>>)
      %dma_wait3A_184 = arith.constant 0 : i32
      %dma_wait3A_185 = tpu.memref_slice %arg7[%arg0, %mul3A_2, %dma_wait3A_184] : memref<2x5120x128xf32, #tpu.memory_space<hbm>> -> memref<1x320x128xf32, #tpu.memory_space<hbm>>
      %dma_wait3A_186 = tpu.memref_squeeze %dma_wait3A_185 : memref<1x320x128xf32, #tpu.memory_space<hbm>> -> memref<320x128xf32, #tpu.memory_space<hbm>>
      %dma_wait3A_187 = arith.constant 0 : i32
      %dma_wait3A_188 = tpu.memref_slice %arg13[%mul3A_2, %dma_wait3A_187] : memref<5120x128xf32, #tpu.memory_space<vmem_shared>> -> memref<320x128xf32, #tpu.memory_space<vmem_shared>>
      tpu.wait_dma2 semaphore(%run_scoped3A : memref<!tpu.dma_semaphore, #tpu.memory_space<semaphore_mem>>) src(%dma_wait3A_188 : memref<320x128xf32, #tpu.memory_space<vmem_shared>>) dst(%dma_wait3A_186 : memref<320x128xf32, #tpu.memory_space<hbm>>)
      tpu.yield
    }) : () -> ()
    "tpu.region"() ({
      %run_scoped3A = tpu.sem_alloc : memref<!tpu.dma_semaphore, #tpu.memory_space<semaphore_mem>>
      %dma_start3A_179 = tpu.memref_slice %arg14[%mul3A_2] : memref<5120xf32, #tpu.memory_space<vmem_shared>> -> memref<320xf32, #tpu.memory_space<vmem_shared>>
      %dma_start3A_180 = tpu.memref_slice %arg14[%mul3A_2] : memref<5120xf32, #tpu.memory_space<vmem_shared>> -> memref<320xf32, #tpu.memory_space<vmem_shared>>
      tpu.enqueue_dma source(%dma_start3A_180 : memref<320xf32, #tpu.memory_space<vmem_shared>>) target(%arg12 : memref<320xf32, #tpu.memory_space<vmem>>) target_semaphore(%run_scoped3A : memref<!tpu.dma_semaphore, #tpu.memory_space<semaphore_mem>>)
      %dma_wait3A_181 = tpu.memref_slice %arg14[%mul3A_2] : memref<5120xf32, #tpu.memory_space<vmem_shared>> -> memref<320xf32, #tpu.memory_space<vmem_shared>>
      %dma_wait3A_182 = tpu.memref_slice %arg14[%mul3A_2] : memref<5120xf32, #tpu.memory_space<vmem_shared>> -> memref<320xf32, #tpu.memory_space<vmem_shared>>
      tpu.wait_dma2 semaphore(%run_scoped3A : memref<!tpu.dma_semaphore, #tpu.memory_space<semaphore_mem>>) src(%dma_wait3A_182 : memref<320xf32, #tpu.memory_space<vmem_shared>>) dst(%arg12 : memref<320xf32, #tpu.memory_space<vmem>>)
      tpu.yield
    }) : () -> ()
    %mul3A_176 = arith.constant 5120 : i32
    %mul3A_177 = arith.muli %arg0, %mul3A_176 : i32
    %add3A_178 = arith.addi %mul3A_177, %mul3A_2 : i32
    "tpu.region"() ({
      %run_scoped3A = tpu.sem_alloc : memref<!tpu.dma_semaphore, #tpu.memory_space<semaphore_mem>>
      %dma_start3A_179 = tpu.memref_slice %arg8[%add3A_178] : memref<10240xf32, #tpu.memory_space<hbm>> -> memref<320xf32, #tpu.memory_space<hbm>>
      %dma_start3A_180 = tpu.memref_slice %arg8[%add3A_178] : memref<10240xf32, #tpu.memory_space<hbm>> -> memref<320xf32, #tpu.memory_space<hbm>>
      tpu.enqueue_dma source(%arg12 : memref<320xf32, #tpu.memory_space<vmem>>) target(%dma_start3A_180 : memref<320xf32, #tpu.memory_space<hbm>>) target_semaphore(%run_scoped3A : memref<!tpu.dma_semaphore, #tpu.memory_space<semaphore_mem>>)
      %dma_wait3A_181 = tpu.memref_slice %arg8[%add3A_178] : memref<10240xf32, #tpu.memory_space<hbm>> -> memref<320xf32, #tpu.memory_space<hbm>>
      %dma_wait3A_182 = tpu.memref_slice %arg8[%add3A_178] : memref<10240xf32, #tpu.memory_space<hbm>> -> memref<320xf32, #tpu.memory_space<hbm>>
      tpu.wait_dma2 semaphore(%run_scoped3A : memref<!tpu.dma_semaphore, #tpu.memory_space<semaphore_mem>>) src(%arg12 : memref<320xf32, #tpu.memory_space<vmem>>) dst(%dma_wait3A_182 : memref<320xf32, #tpu.memory_space<hbm>>)
      tpu.yield
    }) : () -> ()
    return
  }
}

#map = affine_map<(d0, d1) -> (0, 0)>
#map1 = affine_map<(d0, d1) -> (0, 0, 0)>
module attributes {stable_mosaic.version = 14 : i64} {
  func.func @_sc_phase2(%arg0: i32, %arg1: i32, %arg2: memref<5120x128xf32, #tpu.memory_space<hbm>>, %arg3: memref<2500x1x128xi32, #tpu.memory_space<hbm>>, %arg4: memref<2500x1x128xi32, #tpu.memory_space<hbm>>, %arg5: memref<640x128xf32, #tpu.memory_space<hbm>>, %arg6: memref<2x10240x128xf32, #tpu.memory_space<hbm>>, %arg7: memref<79x1x128xi32, #tpu.memory_space<vmem>>, %arg8: memref<2x1x128xi32, #tpu.memory_space<vmem>>, %arg9: memref<2x128x128xf32, #tpu.memory_space<vmem>>, %arg10: memref<10240x128xf32, #tpu.memory_space<vmem_shared>>, %arg11: memref<!tpu.dma_semaphore, #tpu.memory_space<semaphore_mem>>, %arg12: memref<!tpu.dma_semaphore, #tpu.memory_space<semaphore_mem>>, %arg13: memref<!tpu.dma_semaphore, #tpu.memory_space<semaphore_mem>>, %arg14: memref<!tpu.dma_semaphore, #tpu.memory_space<semaphore_mem>>, %arg15: memref<!tpu.dma_semaphore, #tpu.memory_space<semaphore_mem>>, %arg16: memref<!tpu.dma_semaphore, #tpu.memory_space<semaphore_mem>>) attributes {dimension_semantics = [#tpu.dimension_semantics<core_parallel>, #tpu.dimension_semantics<subcore_parallel>], iteration_bounds = array<i64: 2, 16>, scalar_prefetch = 0 : i64, scratch_operands = 10 : i64, tpu.core_type = #tpu.core_type<sc_vector_subcore>, window_params = [{transform_indices = #map}, {transform_indices = #map1}, {transform_indices = #map1}, {transform_indices = #map}, {transform_indices = #map1}]} {
    %mul3A = arith.constant 2 : i32
    %mul3A_0 = arith.muli %arg1, %mul3A : i32
    %add3A = arith.addi %mul3A_0, %arg0 : i32
    %mul3A_1 = arith.constant 640 : i32
    %mul3A_2 = arith.muli %arg1, %mul3A_1 : i32
    %mul3A_3 = arith.constant 78 : i32
    %mul3A_4 = arith.muli %add3A, %mul3A_3 : i32
    "tpu.region"() ({
      %run_scoped3A_37 = tpu.sem_alloc : memref<!tpu.dma_semaphore, #tpu.memory_space<semaphore_mem>>
      %dma_start3A_38 = arith.constant 0 : i32
      %dma_start3A_39 = arith.constant 0 : i32
      %dma_start3A_40 = arith.constant 0 : i32
      %dma_start3A_41 = tpu.memref_slice %arg7[%dma_start3A_38, %dma_start3A_39, %dma_start3A_40] : memref<79x1x128xi32, #tpu.memory_space<vmem>> -> memref<78x1x128xi32, #tpu.memory_space<vmem>>
      %dma_start3A_42 = arith.constant 0 : i32
      %dma_start3A_43 = arith.constant 0 : i32
      %dma_start3A_44 = tpu.memref_slice %arg3[%mul3A_4, %dma_start3A_42, %dma_start3A_43] : memref<2500x1x128xi32, #tpu.memory_space<hbm>> -> memref<78x1x128xi32, #tpu.memory_space<hbm>>
      %dma_start3A_45 = arith.constant 0 : i32
      %dma_start3A_46 = arith.constant 0 : i32
      %dma_start3A_47 = arith.constant 0 : i32
      %dma_start3A_48 = tpu.memref_slice %arg7[%dma_start3A_45, %dma_start3A_46, %dma_start3A_47] : memref<79x1x128xi32, #tpu.memory_space<vmem>> -> memref<78x1x128xi32, #tpu.memory_space<vmem>>
      %dma_start3A_49 = arith.constant 0 : i32
      %dma_start3A_50 = arith.constant 0 : i32
      %dma_start3A_51 = tpu.memref_slice %arg3[%mul3A_4, %dma_start3A_49, %dma_start3A_50] : memref<2500x1x128xi32, #tpu.memory_space<hbm>> -> memref<78x1x128xi32, #tpu.memory_space<hbm>>
      tpu.enqueue_dma source(%dma_start3A_51 : memref<78x1x128xi32, #tpu.memory_space<hbm>>) target(%dma_start3A_48 : memref<78x1x128xi32, #tpu.memory_space<vmem>>) target_semaphore(%run_scoped3A_37 : memref<!tpu.dma_semaphore, #tpu.memory_space<semaphore_mem>>)
      %dma_wait3A_52 = arith.constant 0 : i32
      %dma_wait3A_53 = arith.constant 0 : i32
      %dma_wait3A_54 = arith.constant 0 : i32
      %dma_wait3A_55 = tpu.memref_slice %arg7[%dma_wait3A_52, %dma_wait3A_53, %dma_wait3A_54] : memref<79x1x128xi32, #tpu.memory_space<vmem>> -> memref<78x1x128xi32, #tpu.memory_space<vmem>>
      %dma_wait3A_56 = arith.constant 0 : i32
      %dma_wait3A_57 = arith.constant 0 : i32
      %dma_wait3A_58 = tpu.memref_slice %arg3[%mul3A_4, %dma_wait3A_56, %dma_wait3A_57] : memref<2500x1x128xi32, #tpu.memory_space<hbm>> -> memref<78x1x128xi32, #tpu.memory_space<hbm>>
      %dma_wait3A_59 = arith.constant 0 : i32
      %dma_wait3A_60 = arith.constant 0 : i32
      %dma_wait3A_61 = arith.constant 0 : i32
      %dma_wait3A_62 = tpu.memref_slice %arg7[%dma_wait3A_59, %dma_wait3A_60, %dma_wait3A_61] : memref<79x1x128xi32, #tpu.memory_space<vmem>> -> memref<78x1x128xi32, #tpu.memory_space<vmem>>
      %dma_wait3A_63 = arith.constant 0 : i32
      %dma_wait3A_64 = arith.constant 0 : i32
      %dma_wait3A_65 = tpu.memref_slice %arg3[%mul3A_4, %dma_wait3A_63, %dma_wait3A_64] : memref<2500x1x128xi32, #tpu.memory_space<hbm>> -> memref<78x1x128xi32, #tpu.memory_space<hbm>>
      tpu.wait_dma2 semaphore(%run_scoped3A_37 : memref<!tpu.dma_semaphore, #tpu.memory_space<semaphore_mem>>) src(%dma_wait3A_65 : memref<78x1x128xi32, #tpu.memory_space<hbm>>) dst(%dma_wait3A_62 : memref<78x1x128xi32, #tpu.memory_space<vmem>>)
      tpu.yield
    }) : () -> ()
    "tpu.region"() ({
      %run_scoped3A_37 = tpu.sem_alloc : memref<!tpu.dma_semaphore, #tpu.memory_space<semaphore_mem>>
      %dma_start3A_38 = arith.constant 0 : i32
      %dma_start3A_39 = tpu.memref_slice %arg10[%mul3A_2, %dma_start3A_38] : memref<10240x128xf32, #tpu.memory_space<vmem_shared>> -> memref<640x128xf32, #tpu.memory_space<vmem_shared>>
      %dma_start3A_40 = arith.constant 0 : i32
      %dma_start3A_41 = arith.constant 0 : i32
      %dma_start3A_42 = tpu.memref_slice %arg5[%dma_start3A_40, %dma_start3A_41] : memref<640x128xf32, #tpu.memory_space<hbm>> -> memref<640x128xf32, #tpu.memory_space<hbm>>
      tpu.enqueue_dma source(%dma_start3A_42 : memref<640x128xf32, #tpu.memory_space<hbm>>) target(%dma_start3A_39 : memref<640x128xf32, #tpu.memory_space<vmem_shared>>) target_semaphore(%run_scoped3A_37 : memref<!tpu.dma_semaphore, #tpu.memory_space<semaphore_mem>>)
      %dma_wait3A_43 = arith.constant 0 : i32
      %dma_wait3A_44 = tpu.memref_slice %arg10[%mul3A_2, %dma_wait3A_43] : memref<10240x128xf32, #tpu.memory_space<vmem_shared>> -> memref<640x128xf32, #tpu.memory_space<vmem_shared>>
      %dma_wait3A_45 = arith.constant 0 : i32
      %dma_wait3A_46 = arith.constant 0 : i32
      %dma_wait3A_47 = tpu.memref_slice %arg5[%dma_wait3A_45, %dma_wait3A_46] : memref<640x128xf32, #tpu.memory_space<hbm>> -> memref<640x128xf32, #tpu.memory_space<hbm>>
      tpu.wait_dma2 semaphore(%run_scoped3A_37 : memref<!tpu.dma_semaphore, #tpu.memory_space<semaphore_mem>>) src(%dma_wait3A_47 : memref<640x128xf32, #tpu.memory_space<hbm>>) dst(%dma_wait3A_44 : memref<640x128xf32, #tpu.memory_space<vmem_shared>>)
      tpu.yield
    }) : () -> ()
    %barrier3A = arith.constant 0 : index
    tpu.barrier barrier_id(%barrier3A)
    %run_scoped3A = arith.constant 0 : i32
    "tpu.region"() ({
      %run_scoped3A_37 = tpu.sem_alloc : memref<!tpu.dma_semaphore, #tpu.memory_space<semaphore_mem>>
      %dma_start3A_38 = arith.constant 0 : i32
      %dma_start3A_39 = arith.constant 0 : i32
      %dma_start3A_40 = tpu.memref_slice %arg8[%run_scoped3A, %dma_start3A_38, %dma_start3A_39] : memref<2x1x128xi32, #tpu.memory_space<vmem>> -> memref<1x1x128xi32, #tpu.memory_space<vmem>>
      %dma_start3A_41 = tpu.memref_squeeze %dma_start3A_40 : memref<1x1x128xi32, #tpu.memory_space<vmem>> -> memref<1x128xi32, #tpu.memory_space<vmem>>
      %dma_start3A_42 = arith.constant 0 : i32
      %dma_start3A_43 = arith.constant 0 : i32
      %dma_start3A_44 = tpu.memref_slice %arg4[%mul3A_4, %dma_start3A_42, %dma_start3A_43] : memref<2500x1x128xi32, #tpu.memory_space<hbm>> -> memref<1x1x128xi32, #tpu.memory_space<hbm>>
      %dma_start3A_45 = tpu.memref_squeeze %dma_start3A_44 : memref<1x1x128xi32, #tpu.memory_space<hbm>> -> memref<1x128xi32, #tpu.memory_space<hbm>>
      %dma_start3A_46 = arith.constant 0 : i32
      %dma_start3A_47 = arith.constant 0 : i32
      %dma_start3A_48 = tpu.memref_slice %arg8[%run_scoped3A, %dma_start3A_46, %dma_start3A_47] : memref<2x1x128xi32, #tpu.memory_space<vmem>> -> memref<1x1x128xi32, #tpu.memory_space<vmem>>
      %dma_start3A_49 = tpu.memref_squeeze %dma_start3A_48 : memref<1x1x128xi32, #tpu.memory_space<vmem>> -> memref<1x128xi32, #tpu.memory_space<vmem>>
      %dma_start3A_50 = arith.constant 0 : i32
      %dma_start3A_51 = arith.constant 0 : i32
      %dma_start3A_52 = tpu.memref_slice %arg4[%mul3A_4, %dma_start3A_50, %dma_start3A_51] : memref<2500x1x128xi32, #tpu.memory_space<hbm>> -> memref<1x1x128xi32, #tpu.memory_space<hbm>>
      %dma_start3A_53 = tpu.memref_squeeze %dma_start3A_52 : memref<1x1x128xi32, #tpu.memory_space<hbm>> -> memref<1x128xi32, #tpu.memory_space<hbm>>
      tpu.enqueue_dma source(%dma_start3A_53 : memref<1x128xi32, #tpu.memory_space<hbm>>) target(%dma_start3A_49 : memref<1x128xi32, #tpu.memory_space<vmem>>) target_semaphore(%run_scoped3A_37 : memref<!tpu.dma_semaphore, #tpu.memory_space<semaphore_mem>>)
      %dma_wait3A_54 = arith.constant 0 : i32
      %dma_wait3A_55 = arith.constant 0 : i32
      %dma_wait3A_56 = tpu.memref_slice %arg8[%run_scoped3A, %dma_wait3A_54, %dma_wait3A_55] : memref<2x1x128xi32, #tpu.memory_space<vmem>> -> memref<1x1x128xi32, #tpu.memory_space<vmem>>
      %dma_wait3A_57 = tpu.memref_squeeze %dma_wait3A_56 : memref<1x1x128xi32, #tpu.memory_space<vmem>> -> memref<1x128xi32, #tpu.memory_space<vmem>>
      %dma_wait3A_58 = arith.constant 0 : i32
      %dma_wait3A_59 = arith.constant 0 : i32
      %dma_wait3A_60 = tpu.memref_slice %arg4[%mul3A_4, %dma_wait3A_58, %dma_wait3A_59] : memref<2500x1x128xi32, #tpu.memory_space<hbm>> -> memref<1x1x128xi32, #tpu.memory_space<hbm>>
      %dma_wait3A_61 = tpu.memref_squeeze %dma_wait3A_60 : memref<1x1x128xi32, #tpu.memory_space<hbm>> -> memref<1x128xi32, #tpu.memory_space<hbm>>
      %dma_wait3A_62 = arith.constant 0 : i32
      %dma_wait3A_63 = arith.constant 0 : i32
      %dma_wait3A_64 = tpu.memref_slice %arg8[%run_scoped3A, %dma_wait3A_62, %dma_wait3A_63] : memref<2x1x128xi32, #tpu.memory_space<vmem>> -> memref<1x1x128xi32, #tpu.memory_space<vmem>>
      %dma_wait3A_65 = tpu.memref_squeeze %dma_wait3A_64 : memref<1x1x128xi32, #tpu.memory_space<vmem>> -> memref<1x128xi32, #tpu.memory_space<vmem>>
      %dma_wait3A_66 = arith.constant 0 : i32
      %dma_wait3A_67 = arith.constant 0 : i32
      %dma_wait3A_68 = tpu.memref_slice %arg4[%mul3A_4, %dma_wait3A_66, %dma_wait3A_67] : memref<2500x1x128xi32, #tpu.memory_space<hbm>> -> memref<1x1x128xi32, #tpu.memory_space<hbm>>
      %dma_wait3A_69 = tpu.memref_squeeze %dma_wait3A_68 : memref<1x1x128xi32, #tpu.memory_space<hbm>> -> memref<1x128xi32, #tpu.memory_space<hbm>>
      tpu.wait_dma2 semaphore(%run_scoped3A_37 : memref<!tpu.dma_semaphore, #tpu.memory_space<semaphore_mem>>) src(%dma_wait3A_69 : memref<1x128xi32, #tpu.memory_space<hbm>>) dst(%dma_wait3A_65 : memref<1x128xi32, #tpu.memory_space<vmem>>)
      tpu.yield
    }) : () -> ()
    %dma_start3A = arith.constant 0 : i32
    %dma_start3A_5 = arith.constant 0 : i32
    %dma_start3A_6 = arith.constant 0 : i32
    %dma_start3A_7 = arith.constant 0 : i32
    %dma_start3A_8 = arith.constant 0 : i32
    %dma_start3A_9 = tpu.memref_slice %arg9[%dma_start3A_6, %dma_start3A_7, %dma_start3A_8] : memref<2x128x128xf32, #tpu.memory_space<vmem>> -> memref<1x128x128xf32, #tpu.memory_space<vmem>>
    %dma_start3A_10 = tpu.memref_squeeze %dma_start3A_9 : memref<1x128x128xf32, #tpu.memory_space<vmem>> -> memref<128x128xf32, #tpu.memory_space<vmem>>
    %dma_start3A_11 = arith.constant 0 : i32
    %dma_start3A_12 = tpu.memref_slice %arg7[%dma_start3A, %dma_start3A_5, %dma_start3A_11] : memref<79x1x128xi32, #tpu.memory_space<vmem>> -> memref<1x1x128xi32, #tpu.memory_space<vmem>>
    %dma_start3A_13 = tpu.memref_squeeze %dma_start3A_12 : memref<1x1x128xi32, #tpu.memory_space<vmem>> -> memref<128xi32, #tpu.memory_space<vmem>>
    %dma_start3A_14 = arith.constant 0 : i32
    %dma_start3A_15 = arith.constant 0 : i32
    %dma_start3A_16 = tpu.memref_slice %arg2[%dma_start3A_14, %dma_start3A_15] : memref<5120x128xf32, #tpu.memory_space<hbm>> -> memref<5120x128xf32, #tpu.memory_space<hbm>>
    tpu.enqueue_indirect_dma source(%dma_start3A_16 : memref<5120x128xf32, #tpu.memory_space<hbm>>) target(%dma_start3A_10 : memref<128x128xf32, #tpu.memory_space<vmem>>) offsets(%dma_start3A_13 : memref<128xi32, #tpu.memory_space<vmem>>) semaphore(%arg13 : memref<!tpu.dma_semaphore, #tpu.memory_space<semaphore_mem>>)
    %scan3A = arith.constant 0 : i32
    %scan3A_17 = arith.constant 0 : i32
    %scan3A_18 = arith.constant 39 : i32
    %scan3A_19 = arith.addi %scan3A_17, %scan3A_18 : i32
    %scan3A_20 = arith.constant 1 : i32
    scf.for %scan3A_37 = %scan3A_17 to %scan3A_19 step %scan3A_20  : i32 {
      %mul3A_38 = arith.constant 2 : i32
      %mul3A_39 = arith.muli %mul3A_38, %scan3A_37 : i32
      %add3A_40 = arith.constant 0 : i32
      %add3A_41 = arith.addi %mul3A_39, %add3A_40 : i32
      %gt3A = arith.constant 0 : i32
      %gt3A_42 = arith.cmpi sgt, %scan3A_37, %gt3A : i32
      %convert_element_type3A_43 = arith.extui %gt3A_42 : i1 to i32
      %cond3A_44 = arith.constant 0 : i32
      %cond3A_45 = arith.cmpi ne, %convert_element_type3A_43, %cond3A_44 : i32
      scf.if %cond3A_45 {
        %dma_wait3A_177 = arith.constant 0 : i32
        %dma_wait3A_178 = arith.constant 0 : i32
        %dma_wait3A_179 = arith.constant 0 : i32
        %dma_wait3A_180 = arith.constant 0 : i32
        %dma_wait3A_181 = tpu.memref_slice %arg8[%dma_wait3A_178, %dma_wait3A_179, %dma_wait3A_180] : memref<2x1x128xi32, #tpu.memory_space<vmem>> -> memref<1x1x128xi32, #tpu.memory_space<vmem>>
        %dma_wait3A_182 = tpu.memref_squeeze %dma_wait3A_181 : memref<1x1x128xi32, #tpu.memory_space<vmem>> -> memref<1x128xi32, #tpu.memory_space<vmem>>
        %dma_wait3A_183 = arith.constant 0 : i32
        %dma_wait3A_184 = arith.constant 0 : i32
        %dma_wait3A_185 = tpu.memref_slice %arg4[%dma_wait3A_177, %dma_wait3A_183, %dma_wait3A_184] : memref<2500x1x128xi32, #tpu.memory_space<hbm>> -> memref<1x1x128xi32, #tpu.memory_space<hbm>>
        %dma_wait3A_186 = tpu.memref_squeeze %dma_wait3A_185 : memref<1x1x128xi32, #tpu.memory_space<hbm>> -> memref<1x128xi32, #tpu.memory_space<hbm>>
        %dma_wait3A_187 = arith.constant 0 : i32
        %dma_wait3A_188 = arith.constant 0 : i32
        %dma_wait3A_189 = tpu.memref_slice %arg8[%dma_wait3A_178, %dma_wait3A_187, %dma_wait3A_188] : memref<2x1x128xi32, #tpu.memory_space<vmem>> -> memref<1x1x128xi32, #tpu.memory_space<vmem>>
        %dma_wait3A_190 = tpu.memref_squeeze %dma_wait3A_189 : memref<1x1x128xi32, #tpu.memory_space<vmem>> -> memref<1x128xi32, #tpu.memory_space<vmem>>
        %dma_wait3A_191 = arith.constant 0 : i32
        %dma_wait3A_192 = arith.constant 0 : i32
        %dma_wait3A_193 = tpu.memref_slice %arg4[%dma_wait3A_177, %dma_wait3A_191, %dma_wait3A_192] : memref<2500x1x128xi32, #tpu.memory_space<hbm>> -> memref<1x1x128xi32, #tpu.memory_space<hbm>>
        %dma_wait3A_194 = tpu.memref_squeeze %dma_wait3A_193 : memref<1x1x128xi32, #tpu.memory_space<hbm>> -> memref<1x128xi32, #tpu.memory_space<hbm>>
        tpu.wait_dma2 semaphore(%arg11 : memref<!tpu.dma_semaphore, #tpu.memory_space<semaphore_mem>>) src(%dma_wait3A_194 : memref<1x128xi32, #tpu.memory_space<hbm>>) dst(%dma_wait3A_190 : memref<1x128xi32, #tpu.memory_space<vmem>>)
      } else {
      }
      %dma_wait3A_46 = arith.constant 0 : i32
      %dma_wait3A_47 = arith.constant 0 : i32
      %dma_wait3A_48 = arith.constant 0 : i32
      %dma_wait3A_49 = arith.constant 0 : i32
      %dma_wait3A_50 = arith.constant 0 : i32
      %dma_wait3A_51 = tpu.memref_slice %arg9[%dma_wait3A_48, %dma_wait3A_49, %dma_wait3A_50] : memref<2x128x128xf32, #tpu.memory_space<vmem>> -> memref<1x128x128xf32, #tpu.memory_space<vmem>>
      %dma_wait3A_52 = tpu.memref_squeeze %dma_wait3A_51 : memref<1x128x128xf32, #tpu.memory_space<vmem>> -> memref<128x128xf32, #tpu.memory_space<vmem>>
      %dma_wait3A_53 = arith.constant 0 : i32
      %dma_wait3A_54 = tpu.memref_slice %arg7[%dma_wait3A_46, %dma_wait3A_47, %dma_wait3A_53] : memref<79x1x128xi32, #tpu.memory_space<vmem>> -> memref<1x1x128xi32, #tpu.memory_space<vmem>>
      %dma_wait3A_55 = tpu.memref_squeeze %dma_wait3A_54 : memref<1x1x128xi32, #tpu.memory_space<vmem>> -> memref<128xi32, #tpu.memory_space<vmem>>
      %dma_wait3A_56 = arith.constant 0 : i32
      %dma_wait3A_57 = arith.constant 0 : i32
      %dma_wait3A_58 = tpu.memref_slice %arg2[%dma_wait3A_56, %dma_wait3A_57] : memref<5120x128xf32, #tpu.memory_space<hbm>> -> memref<5120x128xf32, #tpu.memory_space<hbm>>
      tpu.wait_indirect_dma semaphore(%arg13 : memref<!tpu.dma_semaphore, #tpu.memory_space<semaphore_mem>>) src(%dma_wait3A_58 : memref<5120x128xf32, #tpu.memory_space<hbm>>) dst(%dma_wait3A_52 : memref<128x128xf32, #tpu.memory_space<vmem>>)
      %dma_start3A_59 = arith.constant 0 : i32
      %dma_start3A_60 = arith.constant 0 : i32
      %dma_start3A_61 = arith.constant 0 : i32
      %dma_start3A_62 = arith.constant 0 : i32
      %dma_start3A_63 = arith.constant 0 : i32
      %dma_start3A_64 = tpu.memref_slice %arg9[%dma_start3A_59, %dma_start3A_62, %dma_start3A_63] : memref<2x128x128xf32, #tpu.memory_space<vmem>> -> memref<1x128x128xf32, #tpu.memory_space<vmem>>
      %dma_start3A_65 = tpu.memref_squeeze %dma_start3A_64 : memref<1x128x128xf32, #tpu.memory_space<vmem>> -> memref<128x128xf32, #tpu.memory_space<vmem>>
      %dma_start3A_66 = arith.constant 0 : i32
      %dma_start3A_67 = tpu.memref_slice %arg8[%dma_start3A_60, %dma_start3A_61, %dma_start3A_66] : memref<2x1x128xi32, #tpu.memory_space<vmem>> -> memref<1x1x128xi32, #tpu.memory_space<vmem>>
      %dma_start3A_68 = tpu.memref_squeeze %dma_start3A_67 : memref<1x1x128xi32, #tpu.memory_space<vmem>> -> memref<128xi32, #tpu.memory_space<vmem>>
      %dma_start3A_69 = arith.constant 0 : i32
      %dma_start3A_70 = arith.constant 0 : i32
      %dma_start3A_71 = tpu.memref_slice %arg10[%dma_start3A_69, %dma_start3A_70] : memref<10240x128xf32, #tpu.memory_space<vmem_shared>> -> memref<10240x128xf32, #tpu.memory_space<vmem_shared>>
      tpu.enqueue_indirect_dma source(%dma_start3A_65 : memref<128x128xf32, #tpu.memory_space<vmem>>) target(%dma_start3A_71 : memref<10240x128xf32, #tpu.memory_space<vmem_shared>>) offsets(%dma_start3A_68 : memref<128xi32, #tpu.memory_space<vmem>>) semaphore(%arg15 : memref<!tpu.dma_semaphore, #tpu.memory_space<semaphore_mem>>) {add = true}
      %gt3A_72 = arith.constant 0 : i32
      %gt3A_73 = arith.cmpi sgt, %scan3A_37, %gt3A_72 : i32
      %convert_element_type3A_74 = arith.extui %gt3A_73 : i1 to i32
      %cond3A_75 = arith.constant 0 : i32
      %cond3A_76 = arith.cmpi ne, %convert_element_type3A_74, %cond3A_75 : i32
      scf.if %cond3A_76 {
        %dma_wait3A_177 = arith.constant 1 : i32
        %dma_wait3A_178 = arith.constant 1 : i32
        %dma_wait3A_179 = arith.constant 0 : i32
        %dma_wait3A_180 = arith.constant 0 : i32
        %dma_wait3A_181 = arith.constant 0 : i32
        %dma_wait3A_182 = tpu.memref_slice %arg9[%dma_wait3A_177, %dma_wait3A_180, %dma_wait3A_181] : memref<2x128x128xf32, #tpu.memory_space<vmem>> -> memref<1x128x128xf32, #tpu.memory_space<vmem>>
        %dma_wait3A_183 = tpu.memref_squeeze %dma_wait3A_182 : memref<1x128x128xf32, #tpu.memory_space<vmem>> -> memref<128x128xf32, #tpu.memory_space<vmem>>
        %dma_wait3A_184 = arith.constant 0 : i32
        %dma_wait3A_185 = tpu.memref_slice %arg8[%dma_wait3A_178, %dma_wait3A_179, %dma_wait3A_184] : memref<2x1x128xi32, #tpu.memory_space<vmem>> -> memref<1x1x128xi32, #tpu.memory_space<vmem>>
        %dma_wait3A_186 = tpu.memref_squeeze %dma_wait3A_185 : memref<1x1x128xi32, #tpu.memory_space<vmem>> -> memref<128xi32, #tpu.memory_space<vmem>>
        %dma_wait3A_187 = arith.constant 0 : i32
        %dma_wait3A_188 = arith.constant 0 : i32
        %dma_wait3A_189 = tpu.memref_slice %arg10[%dma_wait3A_187, %dma_wait3A_188] : memref<10240x128xf32, #tpu.memory_space<vmem_shared>> -> memref<10240x128xf32, #tpu.memory_space<vmem_shared>>
        tpu.wait_indirect_dma semaphore(%arg16 : memref<!tpu.dma_semaphore, #tpu.memory_space<semaphore_mem>>) src(%dma_wait3A_183 : memref<128x128xf32, #tpu.memory_space<vmem>>) dst(%dma_wait3A_189 : memref<10240x128xf32, #tpu.memory_space<vmem_shared>>)
      } else {
      }
      %add3A_77 = arith.addi %mul3A_4, %add3A_41 : i32
      %add3A_78 = arith.constant 1 : i32
      %add3A_79 = arith.addi %add3A_77, %add3A_78 : i32
      %dma_start3A_80 = arith.constant 1 : i32
      %dma_start3A_81 = arith.constant 0 : i32
      %dma_start3A_82 = arith.constant 0 : i32
      %dma_start3A_83 = tpu.memref_slice %arg8[%dma_start3A_80, %dma_start3A_81, %dma_start3A_82] : memref<2x1x128xi32, #tpu.memory_space<vmem>> -> memref<1x1x128xi32, #tpu.memory_space<vmem>>
      %dma_start3A_84 = tpu.memref_squeeze %dma_start3A_83 : memref<1x1x128xi32, #tpu.memory_space<vmem>> -> memref<1x128xi32, #tpu.memory_space<vmem>>
      %dma_start3A_85 = arith.constant 0 : i32
      %dma_start3A_86 = arith.constant 0 : i32
      %dma_start3A_87 = tpu.memref_slice %arg4[%add3A_79, %dma_start3A_85, %dma_start3A_86] : memref<2500x1x128xi32, #tpu.memory_space<hbm>> -> memref<1x1x128xi32, #tpu.memory_space<hbm>>
      %dma_start3A_88 = tpu.memref_squeeze %dma_start3A_87 : memref<1x1x128xi32, #tpu.memory_space<hbm>> -> memref<1x128xi32, #tpu.memory_space<hbm>>
      %dma_start3A_89 = arith.constant 0 : i32
      %dma_start3A_90 = arith.constant 0 : i32
      %dma_start3A_91 = tpu.memref_slice %arg8[%dma_start3A_80, %dma_start3A_89, %dma_start3A_90] : memref<2x1x128xi32, #tpu.memory_space<vmem>> -> memref<1x1x128xi32, #tpu.memory_space<vmem>>
      %dma_start3A_92 = tpu.memref_squeeze %dma_start3A_91 : memref<1x1x128xi32, #tpu.memory_space<vmem>> -> memref<1x128xi32, #tpu.memory_space<vmem>>
      %dma_start3A_93 = arith.constant 0 : i32
      %dma_start3A_94 = arith.constant 0 : i32
      %dma_start3A_95 = tpu.memref_slice %arg4[%add3A_79, %dma_start3A_93, %dma_start3A_94] : memref<2500x1x128xi32, #tpu.memory_space<hbm>> -> memref<1x1x128xi32, #tpu.memory_space<hbm>>
      %dma_start3A_96 = tpu.memref_squeeze %dma_start3A_95 : memref<1x1x128xi32, #tpu.memory_space<hbm>> -> memref<1x128xi32, #tpu.memory_space<hbm>>
      tpu.enqueue_dma source(%dma_start3A_96 : memref<1x128xi32, #tpu.memory_space<hbm>>) target(%dma_start3A_92 : memref<1x128xi32, #tpu.memory_space<vmem>>) target_semaphore(%arg12 : memref<!tpu.dma_semaphore, #tpu.memory_space<semaphore_mem>>)
      %add3A_97 = arith.constant 1 : i32
      %add3A_98 = arith.addi %add3A_41, %add3A_97 : i32
      %dma_start3A_99 = arith.constant 0 : i32
      %dma_start3A_100 = arith.constant 1 : i32
      %dma_start3A_101 = arith.constant 0 : i32
      %dma_start3A_102 = arith.constant 0 : i32
      %dma_start3A_103 = tpu.memref_slice %arg9[%dma_start3A_100, %dma_start3A_101, %dma_start3A_102] : memref<2x128x128xf32, #tpu.memory_space<vmem>> -> memref<1x128x128xf32, #tpu.memory_space<vmem>>
      %dma_start3A_104 = tpu.memref_squeeze %dma_start3A_103 : memref<1x128x128xf32, #tpu.memory_space<vmem>> -> memref<128x128xf32, #tpu.memory_space<vmem>>
      %dma_start3A_105 = arith.constant 0 : i32
      %dma_start3A_106 = tpu.memref_slice %arg7[%add3A_98, %dma_start3A_99, %dma_start3A_105] : memref<79x1x128xi32, #tpu.memory_space<vmem>> -> memref<1x1x128xi32, #tpu.memory_space<vmem>>
      %dma_start3A_107 = tpu.memref_squeeze %dma_start3A_106 : memref<1x1x128xi32, #tpu.memory_space<vmem>> -> memref<128xi32, #tpu.memory_space<vmem>>
      %dma_start3A_108 = arith.constant 0 : i32
      %dma_start3A_109 = arith.constant 0 : i32
      %dma_start3A_110 = tpu.memref_slice %arg2[%dma_start3A_108, %dma_start3A_109] : memref<5120x128xf32, #tpu.memory_space<hbm>> -> memref<5120x128xf32, #tpu.memory_space<hbm>>
      tpu.enqueue_indirect_dma source(%dma_start3A_110 : memref<5120x128xf32, #tpu.memory_space<hbm>>) target(%dma_start3A_104 : memref<128x128xf32, #tpu.memory_space<vmem>>) offsets(%dma_start3A_107 : memref<128xi32, #tpu.memory_space<vmem>>) semaphore(%arg14 : memref<!tpu.dma_semaphore, #tpu.memory_space<semaphore_mem>>)
      %mul3A_111 = arith.constant 2 : i32
      %mul3A_112 = arith.muli %mul3A_111, %scan3A_37 : i32
      %add3A_113 = arith.constant 1 : i32
      %add3A_114 = arith.addi %mul3A_112, %add3A_113 : i32
      %dma_wait3A_115 = arith.constant 0 : i32
      %dma_wait3A_116 = arith.constant 1 : i32
      %dma_wait3A_117 = arith.constant 0 : i32
      %dma_wait3A_118 = arith.constant 0 : i32
      %dma_wait3A_119 = tpu.memref_slice %arg8[%dma_wait3A_116, %dma_wait3A_117, %dma_wait3A_118] : memref<2x1x128xi32, #tpu.memory_space<vmem>> -> memref<1x1x128xi32, #tpu.memory_space<vmem>>
      %dma_wait3A_120 = tpu.memref_squeeze %dma_wait3A_119 : memref<1x1x128xi32, #tpu.memory_space<vmem>> -> memref<1x128xi32, #tpu.memory_space<vmem>>
      %dma_wait3A_121 = arith.constant 0 : i32
      %dma_wait3A_122 = arith.constant 0 : i32
      %dma_wait3A_123 = tpu.memref_slice %arg4[%dma_wait3A_115, %dma_wait3A_121, %dma_wait3A_122] : memref<2500x1x128xi32, #tpu.memory_space<hbm>> -> memref<1x1x128xi32, #tpu.memory_space<hbm>>
      %dma_wait3A_124 = tpu.memref_squeeze %dma_wait3A_123 : memref<1x1x128xi32, #tpu.memory_space<hbm>> -> memref<1x128xi32, #tpu.memory_space<hbm>>
      %dma_wait3A_125 = arith.constant 0 : i32
      %dma_wait3A_126 = arith.constant 0 : i32
      %dma_wait3A_127 = tpu.memref_slice %arg8[%dma_wait3A_116, %dma_wait3A_125, %dma_wait3A_126] : memref<2x1x128xi32, #tpu.memory_space<vmem>> -> memref<1x1x128xi32, #tpu.memory_space<vmem>>
      %dma_wait3A_128 = tpu.memref_squeeze %dma_wait3A_127 : memref<1x1x128xi32, #tpu.memory_space<vmem>> -> memref<1x128xi32, #tpu.memory_space<vmem>>
      %dma_wait3A_129 = arith.constant 0 : i32
      %dma_wait3A_130 = arith.constant 0 : i32
      %dma_wait3A_131 = tpu.memref_slice %arg4[%dma_wait3A_115, %dma_wait3A_129, %dma_wait3A_130] : memref<2500x1x128xi32, #tpu.memory_space<hbm>> -> memref<1x1x128xi32, #tpu.memory_space<hbm>>
      %dma_wait3A_132 = tpu.memref_squeeze %dma_wait3A_131 : memref<1x1x128xi32, #tpu.memory_space<hbm>> -> memref<1x128xi32, #tpu.memory_space<hbm>>
      tpu.wait_dma2 semaphore(%arg12 : memref<!tpu.dma_semaphore, #tpu.memory_space<semaphore_mem>>) src(%dma_wait3A_132 : memref<1x128xi32, #tpu.memory_space<hbm>>) dst(%dma_wait3A_128 : memref<1x128xi32, #tpu.memory_space<vmem>>)
      %dma_wait3A_133 = arith.constant 0 : i32
      %dma_wait3A_134 = arith.constant 0 : i32
      %dma_wait3A_135 = arith.constant 1 : i32
      %dma_wait3A_136 = arith.constant 0 : i32
      %dma_wait3A_137 = arith.constant 0 : i32
      %dma_wait3A_138 = tpu.memref_slice %arg9[%dma_wait3A_135, %dma_wait3A_136, %dma_wait3A_137] : memref<2x128x128xf32, #tpu.memory_space<vmem>> -> memref<1x128x128xf32, #tpu.memory_space<vmem>>
      %dma_wait3A_139 = tpu.memref_squeeze %dma_wait3A_138 : memref<1x128x128xf32, #tpu.memory_space<vmem>> -> memref<128x128xf32, #tpu.memory_space<vmem>>
      %dma_wait3A_140 = arith.constant 0 : i32
      %dma_wait3A_141 = tpu.memref_slice %arg7[%dma_wait3A_133, %dma_wait3A_134, %dma_wait3A_140] : memref<79x1x128xi32, #tpu.memory_space<vmem>> -> memref<1x1x128xi32, #tpu.memory_space<vmem>>
      %dma_wait3A_142 = tpu.memref_squeeze %dma_wait3A_141 : memref<1x1x128xi32, #tpu.memory_space<vmem>> -> memref<128xi32, #tpu.memory_space<vmem>>
      %dma_wait3A_143 = arith.constant 0 : i32
      %dma_wait3A_144 = arith.constant 0 : i32
      %dma_wait3A_145 = tpu.memref_slice %arg2[%dma_wait3A_143, %dma_wait3A_144] : memref<5120x128xf32, #tpu.memory_space<hbm>> -> memref<5120x128xf32, #tpu.memory_space<hbm>>
      tpu.wait_indirect_dma semaphore(%arg14 : memref<!tpu.dma_semaphore, #tpu.memory_space<semaphore_mem>>) src(%dma_wait3A_145 : memref<5120x128xf32, #tpu.memory_space<hbm>>) dst(%dma_wait3A_139 : memref<128x128xf32, #tpu.memory_space<vmem>>)
      %dma_start3A_146 = arith.constant 1 : i32
      %dma_start3A_147 = arith.constant 1 : i32
      %dma_start3A_148 = arith.constant 0 : i32
      %dma_start3A_149 = arith.constant 0 : i32
      %dma_start3A_150 = arith.constant 0 : i32
      %dma_start3A_151 = tpu.memref_slice %arg9[%dma_start3A_146, %dma_start3A_149, %dma_start3A_150] : memref<2x128x128xf32, #tpu.memory_space<vmem>> -> memref<1x128x128xf32, #tpu.memory_space<vmem>>
      %dma_start3A_152 = tpu.memref_squeeze %dma_start3A_151 : memref<1x128x128xf32, #tpu.memory_space<vmem>> -> memref<128x128xf32, #tpu.memory_space<vmem>>
      %dma_start3A_153 = arith.constant 0 : i32
      %dma_start3A_154 = tpu.memref_slice %arg8[%dma_start3A_147, %dma_start3A_148, %dma_start3A_153] : memref<2x1x128xi32, #tpu.memory_space<vmem>> -> memref<1x1x128xi32, #tpu.memory_space<vmem>>
      %dma_start3A_155 = tpu.memref_squeeze %dma_start3A_154 : memref<1x1x128xi32, #tpu.memory_space<vmem>> -> memref<128xi32, #tpu.memory_space<vmem>>
      %dma_start3A_156 = arith.constant 0 : i32
      %dma_start3A_157 = arith.constant 0 : i32
      %dma_start3A_158 = tpu.memref_slice %arg10[%dma_start3A_156, %dma_start3A_157] : memref<10240x128xf32, #tpu.memory_space<vmem_shared>> -> memref<10240x128xf32, #tpu.memory_space<vmem_shared>>
      tpu.enqueue_indirect_dma source(%dma_start3A_152 : memref<128x128xf32, #tpu.memory_space<vmem>>) target(%dma_start3A_158 : memref<10240x128xf32, #tpu.memory_space<vmem_shared>>) offsets(%dma_start3A_155 : memref<128xi32, #tpu.memory_space<vmem>>) semaphore(%arg16 : memref<!tpu.dma_semaphore, #tpu.memory_space<semaphore_mem>>) {add = true}
      %dma_wait3A_159 = arith.constant 0 : i32
      %dma_wait3A_160 = arith.constant 0 : i32
      %dma_wait3A_161 = arith.constant 0 : i32
      %dma_wait3A_162 = arith.constant 0 : i32
      %dma_wait3A_163 = arith.constant 0 : i32
      %dma_wait3A_164 = tpu.memref_slice %arg9[%dma_wait3A_159, %dma_wait3A_162, %dma_wait3A_163] : memref<2x128x128xf32, #tpu.memory_space<vmem>> -> memref<1x128x128xf32, #tpu.memory_space<vmem>>
      %dma_wait3A_165 = tpu.memref_squeeze %dma_wait3A_164 : memref<1x128x128xf32, #tpu.memory_space<vmem>> -> memref<128x128xf32, #tpu.memory_space<vmem>>
      %dma_wait3A_166 = arith.constant 0 : i32
      %dma_wait3A_167 = tpu.memref_slice %arg8[%dma_wait3A_160, %dma_wait3A_161, %dma_wait3A_166] : memref<2x1x128xi32, #tpu.memory_space<vmem>> -> memref<1x1x128xi32, #tpu.memory_space<vmem>>
      %dma_wait3A_168 = tpu.memref_squeeze %dma_wait3A_167 : memref<1x1x128xi32, #tpu.memory_space<vmem>> -> memref<128xi32, #tpu.memory_space<vmem>>
      %dma_wait3A_169 = arith.constant 0 : i32
      %dma_wait3A_170 = arith.constant 0 : i32
      %dma_wait3A_171 = tpu.memref_slice %arg10[%dma_wait3A_169, %dma_wait3A_170] : memref<10240x128xf32, #tpu.memory_space<vmem_shared>> -> memref<10240x128xf32, #tpu.memory_space<vmem_shared>>
      tpu.wait_indirect_dma semaphore(%arg15 : memref<!tpu.dma_semaphore, #tpu.memory_space<semaphore_mem>>) src(%dma_wait3A_165 : memref<128x128xf32, #tpu.memory_space<vmem>>) dst(%dma_wait3A_171 : memref<10240x128xf32, #tpu.memory_space<vmem_shared>>)
      %lt3A_172 = arith.constant 38 : i32
      %lt3A_173 = arith.cmpi slt, %scan3A_37, %lt3A_172 : i32
      %convert_element_type3A_174 = arith.extui %lt3A_173 : i1 to i32
      %cond3A_175 = arith.constant 0 : i32
      %cond3A_176 = arith.cmpi ne, %convert_element_type3A_174, %cond3A_175 : i32
      scf.if %cond3A_176 {
        %add3A_177 = arith.addi %mul3A_4, %add3A_114 : i32
        %add3A_178 = arith.constant 1 : i32
        %add3A_179 = arith.addi %add3A_177, %add3A_178 : i32
        %dma_start3A_180 = arith.constant 0 : i32
        %dma_start3A_181 = arith.constant 0 : i32
        %dma_start3A_182 = arith.constant 0 : i32
        %dma_start3A_183 = tpu.memref_slice %arg8[%dma_start3A_180, %dma_start3A_181, %dma_start3A_182] : memref<2x1x128xi32, #tpu.memory_space<vmem>> -> memref<1x1x128xi32, #tpu.memory_space<vmem>>
        %dma_start3A_184 = tpu.memref_squeeze %dma_start3A_183 : memref<1x1x128xi32, #tpu.memory_space<vmem>> -> memref<1x128xi32, #tpu.memory_space<vmem>>
        %dma_start3A_185 = arith.constant 0 : i32
        %dma_start3A_186 = arith.constant 0 : i32
        %dma_start3A_187 = tpu.memref_slice %arg4[%add3A_179, %dma_start3A_185, %dma_start3A_186] : memref<2500x1x128xi32, #tpu.memory_space<hbm>> -> memref<1x1x128xi32, #tpu.memory_space<hbm>>
        %dma_start3A_188 = tpu.memref_squeeze %dma_start3A_187 : memref<1x1x128xi32, #tpu.memory_space<hbm>> -> memref<1x128xi32, #tpu.memory_space<hbm>>
        %dma_start3A_189 = arith.constant 0 : i32
        %dma_start3A_190 = arith.constant 0 : i32
        %dma_start3A_191 = tpu.memref_slice %arg8[%dma_start3A_180, %dma_start3A_189, %dma_start3A_190] : memref<2x1x128xi32, #tpu.memory_space<vmem>> -> memref<1x1x128xi32, #tpu.memory_space<vmem>>
        %dma_start3A_192 = tpu.memref_squeeze %dma_start3A_191 : memref<1x1x128xi32, #tpu.memory_space<vmem>> -> memref<1x128xi32, #tpu.memory_space<vmem>>
        %dma_start3A_193 = arith.constant 0 : i32
        %dma_start3A_194 = arith.constant 0 : i32
        %dma_start3A_195 = tpu.memref_slice %arg4[%add3A_179, %dma_start3A_193, %dma_start3A_194] : memref<2500x1x128xi32, #tpu.memory_space<hbm>> -> memref<1x1x128xi32, #tpu.memory_space<hbm>>
        %dma_start3A_196 = tpu.memref_squeeze %dma_start3A_195 : memref<1x1x128xi32, #tpu.memory_space<hbm>> -> memref<1x128xi32, #tpu.memory_space<hbm>>
        tpu.enqueue_dma source(%dma_start3A_196 : memref<1x128xi32, #tpu.memory_space<hbm>>) target(%dma_start3A_192 : memref<1x128xi32, #tpu.memory_space<vmem>>) target_semaphore(%arg11 : memref<!tpu.dma_semaphore, #tpu.memory_space<semaphore_mem>>)
        %add3A_197 = arith.constant 1 : i32
        %add3A_198 = arith.addi %add3A_114, %add3A_197 : i32
        %dma_start3A_199 = arith.constant 0 : i32
        %dma_start3A_200 = arith.constant 0 : i32
        %dma_start3A_201 = arith.constant 0 : i32
        %dma_start3A_202 = arith.constant 0 : i32
        %dma_start3A_203 = tpu.memref_slice %arg9[%dma_start3A_200, %dma_start3A_201, %dma_start3A_202] : memref<2x128x128xf32, #tpu.memory_space<vmem>> -> memref<1x128x128xf32, #tpu.memory_space<vmem>>
        %dma_start3A_204 = tpu.memref_squeeze %dma_start3A_203 : memref<1x128x128xf32, #tpu.memory_space<vmem>> -> memref<128x128xf32, #tpu.memory_space<vmem>>
        %dma_start3A_205 = arith.constant 0 : i32
        %dma_start3A_206 = tpu.memref_slice %arg7[%add3A_198, %dma_start3A_199, %dma_start3A_205] : memref<79x1x128xi32, #tpu.memory_space<vmem>> -> memref<1x1x128xi32, #tpu.memory_space<vmem>>
        %dma_start3A_207 = tpu.memref_squeeze %dma_start3A_206 : memref<1x1x128xi32, #tpu.memory_space<vmem>> -> memref<128xi32, #tpu.memory_space<vmem>>
        %dma_start3A_208 = arith.constant 0 : i32
        %dma_start3A_209 = arith.constant 0 : i32
        %dma_start3A_210 = tpu.memref_slice %arg2[%dma_start3A_208, %dma_start3A_209] : memref<5120x128xf32, #tpu.memory_space<hbm>> -> memref<5120x128xf32, #tpu.memory_space<hbm>>
        tpu.enqueue_indirect_dma source(%dma_start3A_210 : memref<5120x128xf32, #tpu.memory_space<hbm>>) target(%dma_start3A_204 : memref<128x128xf32, #tpu.memory_space<vmem>>) offsets(%dma_start3A_207 : memref<128xi32, #tpu.memory_space<vmem>>) semaphore(%arg13 : memref<!tpu.dma_semaphore, #tpu.memory_space<semaphore_mem>>)
      } else {
      }
    }
    %scan3A_21 = arith.constant 39 : i32
    %dma_wait3A = arith.constant 1 : i32
    %dma_wait3A_22 = arith.constant 1 : i32
    %dma_wait3A_23 = arith.constant 0 : i32
    %dma_wait3A_24 = arith.constant 0 : i32
    %dma_wait3A_25 = arith.constant 0 : i32
    %dma_wait3A_26 = tpu.memref_slice %arg9[%dma_wait3A, %dma_wait3A_24, %dma_wait3A_25] : memref<2x128x128xf32, #tpu.memory_space<vmem>> -> memref<1x128x128xf32, #tpu.memory_space<vmem>>
    %dma_wait3A_27 = tpu.memref_squeeze %dma_wait3A_26 : memref<1x128x128xf32, #tpu.memory_space<vmem>> -> memref<128x128xf32, #tpu.memory_space<vmem>>
    %dma_wait3A_28 = arith.constant 0 : i32
    %dma_wait3A_29 = tpu.memref_slice %arg8[%dma_wait3A_22, %dma_wait3A_23, %dma_wait3A_28] : memref<2x1x128xi32, #tpu.memory_space<vmem>> -> memref<1x1x128xi32, #tpu.memory_space<vmem>>
    %dma_wait3A_30 = tpu.memref_squeeze %dma_wait3A_29 : memref<1x1x128xi32, #tpu.memory_space<vmem>> -> memref<128xi32, #tpu.memory_space<vmem>>
    %dma_wait3A_31 = arith.constant 0 : i32
    %dma_wait3A_32 = arith.constant 0 : i32
    %dma_wait3A_33 = tpu.memref_slice %arg10[%dma_wait3A_31, %dma_wait3A_32] : memref<10240x128xf32, #tpu.memory_space<vmem_shared>> -> memref<10240x128xf32, #tpu.memory_space<vmem_shared>>
    tpu.wait_indirect_dma semaphore(%arg16 : memref<!tpu.dma_semaphore, #tpu.memory_space<semaphore_mem>>) src(%dma_wait3A_27 : memref<128x128xf32, #tpu.memory_space<vmem>>) dst(%dma_wait3A_33 : memref<10240x128xf32, #tpu.memory_space<vmem_shared>>)
    %lt3A = arith.constant 4 : i32
    %lt3A_34 = arith.cmpi slt, %add3A, %lt3A : i32
    %convert_element_type3A = arith.extui %lt3A_34 : i1 to i32
    %cond3A = arith.constant 0 : i32
    %cond3A_35 = arith.cmpi ne, %convert_element_type3A, %cond3A : i32
    scf.if %cond3A_35 {
      %add3A_37 = arith.constant 2496 : i32
      %add3A_38 = arith.addi %add3A_37, %add3A : i32
      %run_scoped3A_39 = arith.constant 78 : i32
      "tpu.region"() ({
        %run_scoped3A_70 = tpu.sem_alloc : memref<!tpu.dma_semaphore, #tpu.memory_space<semaphore_mem>>
        %dma_start3A_71 = arith.constant 0 : i32
        %dma_start3A_72 = arith.constant 0 : i32
        %dma_start3A_73 = tpu.memref_slice %arg7[%run_scoped3A_39, %dma_start3A_71, %dma_start3A_72] : memref<79x1x128xi32, #tpu.memory_space<vmem>> -> memref<1x1x128xi32, #tpu.memory_space<vmem>>
        %dma_start3A_74 = tpu.memref_squeeze %dma_start3A_73 : memref<1x1x128xi32, #tpu.memory_space<vmem>> -> memref<1x128xi32, #tpu.memory_space<vmem>>
        %dma_start3A_75 = arith.constant 0 : i32
        %dma_start3A_76 = arith.constant 0 : i32
        %dma_start3A_77 = tpu.memref_slice %arg3[%add3A_38, %dma_start3A_75, %dma_start3A_76] : memref<2500x1x128xi32, #tpu.memory_space<hbm>> -> memref<1x1x128xi32, #tpu.memory_space<hbm>>
        %dma_start3A_78 = tpu.memref_squeeze %dma_start3A_77 : memref<1x1x128xi32, #tpu.memory_space<hbm>> -> memref<1x128xi32, #tpu.memory_space<hbm>>
        %dma_start3A_79 = arith.constant 0 : i32
        %dma_start3A_80 = arith.constant 0 : i32
        %dma_start3A_81 = tpu.memref_slice %arg7[%run_scoped3A_39, %dma_start3A_79, %dma_start3A_80] : memref<79x1x128xi32, #tpu.memory_space<vmem>> -> memref<1x1x128xi32, #tpu.memory_space<vmem>>
        %dma_start3A_82 = tpu.memref_squeeze %dma_start3A_81 : memref<1x1x128xi32, #tpu.memory_space<vmem>> -> memref<1x128xi32, #tpu.memory_space<vmem>>
        %dma_start3A_83 = arith.constant 0 : i32
        %dma_start3A_84 = arith.constant 0 : i32
        %dma_start3A_85 = tpu.memref_slice %arg3[%add3A_38, %dma_start3A_83, %dma_start3A_84] : memref<2500x1x128xi32, #tpu.memory_space<hbm>> -> memref<1x1x128xi32, #tpu.memory_space<hbm>>
        %dma_start3A_86 = tpu.memref_squeeze %dma_start3A_85 : memref<1x1x128xi32, #tpu.memory_space<hbm>> -> memref<1x128xi32, #tpu.memory_space<hbm>>
        tpu.enqueue_dma source(%dma_start3A_86 : memref<1x128xi32, #tpu.memory_space<hbm>>) target(%dma_start3A_82 : memref<1x128xi32, #tpu.memory_space<vmem>>) target_semaphore(%run_scoped3A_70 : memref<!tpu.dma_semaphore, #tpu.memory_space<semaphore_mem>>)
        %dma_wait3A_87 = arith.constant 0 : i32
        %dma_wait3A_88 = arith.constant 0 : i32
        %dma_wait3A_89 = tpu.memref_slice %arg7[%run_scoped3A_39, %dma_wait3A_87, %dma_wait3A_88] : memref<79x1x128xi32, #tpu.memory_space<vmem>> -> memref<1x1x128xi32, #tpu.memory_space<vmem>>
        %dma_wait3A_90 = tpu.memref_squeeze %dma_wait3A_89 : memref<1x1x128xi32, #tpu.memory_space<vmem>> -> memref<1x128xi32, #tpu.memory_space<vmem>>
        %dma_wait3A_91 = arith.constant 0 : i32
        %dma_wait3A_92 = arith.constant 0 : i32
        %dma_wait3A_93 = tpu.memref_slice %arg3[%add3A_38, %dma_wait3A_91, %dma_wait3A_92] : memref<2500x1x128xi32, #tpu.memory_space<hbm>> -> memref<1x1x128xi32, #tpu.memory_space<hbm>>
        %dma_wait3A_94 = tpu.memref_squeeze %dma_wait3A_93 : memref<1x1x128xi32, #tpu.memory_space<hbm>> -> memref<1x128xi32, #tpu.memory_space<hbm>>
        %dma_wait3A_95 = arith.constant 0 : i32
        %dma_wait3A_96 = arith.constant 0 : i32
        %dma_wait3A_97 = tpu.memref_slice %arg7[%run_scoped3A_39, %dma_wait3A_95, %dma_wait3A_96] : memref<79x1x128xi32, #tpu.memory_space<vmem>> -> memref<1x1x128xi32, #tpu.memory_space<vmem>>
        %dma_wait3A_98 = tpu.memref_squeeze %dma_wait3A_97 : memref<1x1x128xi32, #tpu.memory_space<vmem>> -> memref<1x128xi32, #tpu.memory_space<vmem>>
        %dma_wait3A_99 = arith.constant 0 : i32
        %dma_wait3A_100 = arith.constant 0 : i32
        %dma_wait3A_101 = tpu.memref_slice %arg3[%add3A_38, %dma_wait3A_99, %dma_wait3A_100] : memref<2500x1x128xi32, #tpu.memory_space<hbm>> -> memref<1x1x128xi32, #tpu.memory_space<hbm>>
        %dma_wait3A_102 = tpu.memref_squeeze %dma_wait3A_101 : memref<1x1x128xi32, #tpu.memory_space<hbm>> -> memref<1x128xi32, #tpu.memory_space<hbm>>
        tpu.wait_dma2 semaphore(%run_scoped3A_70 : memref<!tpu.dma_semaphore, #tpu.memory_space<semaphore_mem>>) src(%dma_wait3A_102 : memref<1x128xi32, #tpu.memory_space<hbm>>) dst(%dma_wait3A_98 : memref<1x128xi32, #tpu.memory_space<vmem>>)
        tpu.yield
      }) : () -> ()
      %run_scoped3A_40 = arith.constant 0 : i32
      "tpu.region"() ({
        %run_scoped3A_70 = tpu.sem_alloc : memref<!tpu.dma_semaphore, #tpu.memory_space<semaphore_mem>>
        %dma_start3A_71 = arith.constant 0 : i32
        %dma_start3A_72 = arith.constant 0 : i32
        %dma_start3A_73 = tpu.memref_slice %arg8[%run_scoped3A_40, %dma_start3A_71, %dma_start3A_72] : memref<2x1x128xi32, #tpu.memory_space<vmem>> -> memref<1x1x128xi32, #tpu.memory_space<vmem>>
        %dma_start3A_74 = tpu.memref_squeeze %dma_start3A_73 : memref<1x1x128xi32, #tpu.memory_space<vmem>> -> memref<1x128xi32, #tpu.memory_space<vmem>>
        %dma_start3A_75 = arith.constant 0 : i32
        %dma_start3A_76 = arith.constant 0 : i32
        %dma_start3A_77 = tpu.memref_slice %arg4[%add3A_38, %dma_start3A_75, %dma_start3A_76] : memref<2500x1x128xi32, #tpu.memory_space<hbm>> -> memref<1x1x128xi32, #tpu.memory_space<hbm>>
        %dma_start3A_78 = tpu.memref_squeeze %dma_start3A_77 : memref<1x1x128xi32, #tpu.memory_space<hbm>> -> memref<1x128xi32, #tpu.memory_space<hbm>>
        %dma_start3A_79 = arith.constant 0 : i32
        %dma_start3A_80 = arith.constant 0 : i32
        %dma_start3A_81 = tpu.memref_slice %arg8[%run_scoped3A_40, %dma_start3A_79, %dma_start3A_80] : memref<2x1x128xi32, #tpu.memory_space<vmem>> -> memref<1x1x128xi32, #tpu.memory_space<vmem>>
        %dma_start3A_82 = tpu.memref_squeeze %dma_start3A_81 : memref<1x1x128xi32, #tpu.memory_space<vmem>> -> memref<1x128xi32, #tpu.memory_space<vmem>>
        %dma_start3A_83 = arith.constant 0 : i32
        %dma_start3A_84 = arith.constant 0 : i32
        %dma_start3A_85 = tpu.memref_slice %arg4[%add3A_38, %dma_start3A_83, %dma_start3A_84] : memref<2500x1x128xi32, #tpu.memory_space<hbm>> -> memref<1x1x128xi32, #tpu.memory_space<hbm>>
        %dma_start3A_86 = tpu.memref_squeeze %dma_start3A_85 : memref<1x1x128xi32, #tpu.memory_space<hbm>> -> memref<1x128xi32, #tpu.memory_space<hbm>>
        tpu.enqueue_dma source(%dma_start3A_86 : memref<1x128xi32, #tpu.memory_space<hbm>>) target(%dma_start3A_82 : memref<1x128xi32, #tpu.memory_space<vmem>>) target_semaphore(%run_scoped3A_70 : memref<!tpu.dma_semaphore, #tpu.memory_space<semaphore_mem>>)
        %dma_wait3A_87 = arith.constant 0 : i32
        %dma_wait3A_88 = arith.constant 0 : i32
        %dma_wait3A_89 = tpu.memref_slice %arg8[%run_scoped3A_40, %dma_wait3A_87, %dma_wait3A_88] : memref<2x1x128xi32, #tpu.memory_space<vmem>> -> memref<1x1x128xi32, #tpu.memory_space<vmem>>
        %dma_wait3A_90 = tpu.memref_squeeze %dma_wait3A_89 : memref<1x1x128xi32, #tpu.memory_space<vmem>> -> memref<1x128xi32, #tpu.memory_space<vmem>>
        %dma_wait3A_91 = arith.constant 0 : i32
        %dma_wait3A_92 = arith.constant 0 : i32
        %dma_wait3A_93 = tpu.memref_slice %arg4[%add3A_38, %dma_wait3A_91, %dma_wait3A_92] : memref<2500x1x128xi32, #tpu.memory_space<hbm>> -> memref<1x1x128xi32, #tpu.memory_space<hbm>>
        %dma_wait3A_94 = tpu.memref_squeeze %dma_wait3A_93 : memref<1x1x128xi32, #tpu.memory_space<hbm>> -> memref<1x128xi32, #tpu.memory_space<hbm>>
        %dma_wait3A_95 = arith.constant 0 : i32
        %dma_wait3A_96 = arith.constant 0 : i32
        %dma_wait3A_97 = tpu.memref_slice %arg8[%run_scoped3A_40, %dma_wait3A_95, %dma_wait3A_96] : memref<2x1x128xi32, #tpu.memory_space<vmem>> -> memref<1x1x128xi32, #tpu.memory_space<vmem>>
        %dma_wait3A_98 = tpu.memref_squeeze %dma_wait3A_97 : memref<1x1x128xi32, #tpu.memory_space<vmem>> -> memref<1x128xi32, #tpu.memory_space<vmem>>
        %dma_wait3A_99 = arith.constant 0 : i32
        %dma_wait3A_100 = arith.constant 0 : i32
        %dma_wait3A_101 = tpu.memref_slice %arg4[%add3A_38, %dma_wait3A_99, %dma_wait3A_100] : memref<2500x1x128xi32, #tpu.memory_space<hbm>> -> memref<1x1x128xi32, #tpu.memory_space<hbm>>
        %dma_wait3A_102 = tpu.memref_squeeze %dma_wait3A_101 : memref<1x1x128xi32, #tpu.memory_space<hbm>> -> memref<1x128xi32, #tpu.memory_space<hbm>>
        tpu.wait_dma2 semaphore(%run_scoped3A_70 : memref<!tpu.dma_semaphore, #tpu.memory_space<semaphore_mem>>) src(%dma_wait3A_102 : memref<1x128xi32, #tpu.memory_space<hbm>>) dst(%dma_wait3A_98 : memref<1x128xi32, #tpu.memory_space<vmem>>)
        tpu.yield
      }) : () -> ()
      %dma_start3A_41 = arith.constant 78 : i32
      %dma_start3A_42 = arith.constant 0 : i32
      %dma_start3A_43 = arith.constant 0 : i32
      %dma_start3A_44 = arith.constant 0 : i32
      %dma_start3A_45 = arith.constant 0 : i32
      %dma_start3A_46 = tpu.memref_slice %arg9[%dma_start3A_43, %dma_start3A_44, %dma_start3A_45] : memref<2x128x128xf32, #tpu.memory_space<vmem>> -> memref<1x128x128xf32, #tpu.memory_space<vmem>>
      %dma_start3A_47 = tpu.memref_squeeze %dma_start3A_46 : memref<1x128x128xf32, #tpu.memory_space<vmem>> -> memref<128x128xf32, #tpu.memory_space<vmem>>
      %dma_start3A_48 = arith.constant 0 : i32
      %dma_start3A_49 = tpu.memref_slice %arg7[%dma_start3A_41, %dma_start3A_42, %dma_start3A_48] : memref<79x1x128xi32, #tpu.memory_space<vmem>> -> memref<1x1x128xi32, #tpu.memory_space<vmem>>
      %dma_start3A_50 = tpu.memref_squeeze %dma_start3A_49 : memref<1x1x128xi32, #tpu.memory_space<vmem>> -> memref<128xi32, #tpu.memory_space<vmem>>
      %dma_start3A_51 = arith.constant 0 : i32
      %dma_start3A_52 = arith.constant 0 : i32
      %dma_start3A_53 = tpu.memref_slice %arg2[%dma_start3A_51, %dma_start3A_52] : memref<5120x128xf32, #tpu.memory_space<hbm>> -> memref<5120x128xf32, #tpu.memory_space<hbm>>
      tpu.enqueue_indirect_dma source(%dma_start3A_53 : memref<5120x128xf32, #tpu.memory_space<hbm>>) target(%dma_start3A_47 : memref<128x128xf32, #tpu.memory_space<vmem>>) offsets(%dma_start3A_50 : memref<128xi32, #tpu.memory_space<vmem>>) semaphore(%arg13 : memref<!tpu.dma_semaphore, #tpu.memory_space<semaphore_mem>>)
      %dma_wait3A_54 = arith.constant 78 : i32
      %dma_wait3A_55 = arith.constant 0 : i32
      %dma_wait3A_56 = arith.constant 0 : i32
      %dma_wait3A_57 = arith.constant 0 : i32
      %dma_wait3A_58 = arith.constant 0 : i32
      %dma_wait3A_59 = tpu.memref_slice %arg9[%dma_wait3A_56, %dma_wait3A_57, %dma_wait3A_58] : memref<2x128x128xf32, #tpu.memory_space<vmem>> -> memref<1x128x128xf32, #tpu.memory_space<vmem>>
      %dma_wait3A_60 = tpu.memref_squeeze %dma_wait3A_59 : memref<1x128x128xf32, #tpu.memory_space<vmem>> -> memref<128x128xf32, #tpu.memory_space<vmem>>
      %dma_wait3A_61 = arith.constant 0 : i32
      %dma_wait3A_62 = tpu.memref_slice %arg7[%dma_wait3A_54, %dma_wait3A_55, %dma_wait3A_61] : memref<79x1x128xi32, #tpu.memory_space<vmem>> -> memref<1x1x128xi32, #tpu.memory_space<vmem>>
      %dma_wait3A_63 = tpu.memref_squeeze %dma_wait3A_62 : memref<1x1x128xi32, #tpu.memory_space<vmem>> -> memref<128xi32, #tpu.memory_space<vmem>>
      %dma_wait3A_64 = arith.constant 0 : i32
      %dma_wait3A_65 = arith.constant 0 : i32
      %dma_wait3A_66 = tpu.memref_slice %arg2[%dma_wait3A_64, %dma_wait3A_65] : memref<5120x128xf32, #tpu.memory_space<hbm>> -> memref<5120x128xf32, #tpu.memory_space<hbm>>
      tpu.wait_indirect_dma semaphore(%arg13 : memref<!tpu.dma_semaphore, #tpu.memory_space<semaphore_mem>>) src(%dma_wait3A_66 : memref<5120x128xf32, #tpu.memory_space<hbm>>) dst(%dma_wait3A_60 : memref<128x128xf32, #tpu.memory_space<vmem>>)
      %run_scoped3A_67 = arith.constant 0 : i32
      %run_scoped3A_68 = arith.constant 0 : i32
      %run_scoped3A_69 = arith.constant 0 : i32
      "tpu.region"() ({
        %run_scoped3A_70 = tpu.sem_alloc : memref<!tpu.dma_semaphore, #tpu.memory_space<semaphore_mem>>
        %dma_start3A_71 = arith.constant 0 : i32
        %dma_start3A_72 = arith.constant 0 : i32
        %dma_start3A_73 = tpu.memref_slice %arg9[%run_scoped3A_67, %dma_start3A_71, %dma_start3A_72] : memref<2x128x128xf32, #tpu.memory_space<vmem>> -> memref<1x128x128xf32, #tpu.memory_space<vmem>>
        %dma_start3A_74 = tpu.memref_squeeze %dma_start3A_73 : memref<1x128x128xf32, #tpu.memory_space<vmem>> -> memref<128x128xf32, #tpu.memory_space<vmem>>
        %dma_start3A_75 = arith.constant 0 : i32
        %dma_start3A_76 = tpu.memref_slice %arg8[%run_scoped3A_68, %run_scoped3A_69, %dma_start3A_75] : memref<2x1x128xi32, #tpu.memory_space<vmem>> -> memref<1x1x128xi32, #tpu.memory_space<vmem>>
        %dma_start3A_77 = tpu.memref_squeeze %dma_start3A_76 : memref<1x1x128xi32, #tpu.memory_space<vmem>> -> memref<128xi32, #tpu.memory_space<vmem>>
        %dma_start3A_78 = arith.constant 0 : i32
        %dma_start3A_79 = arith.constant 0 : i32
        %dma_start3A_80 = tpu.memref_slice %arg10[%dma_start3A_78, %dma_start3A_79] : memref<10240x128xf32, #tpu.memory_space<vmem_shared>> -> memref<10240x128xf32, #tpu.memory_space<vmem_shared>>
        tpu.enqueue_indirect_dma source(%dma_start3A_74 : memref<128x128xf32, #tpu.memory_space<vmem>>) target(%dma_start3A_80 : memref<10240x128xf32, #tpu.memory_space<vmem_shared>>) offsets(%dma_start3A_77 : memref<128xi32, #tpu.memory_space<vmem>>) semaphore(%run_scoped3A_70 : memref<!tpu.dma_semaphore, #tpu.memory_space<semaphore_mem>>) {add = true}
        %dma_wait3A_81 = arith.constant 0 : i32
        %dma_wait3A_82 = arith.constant 0 : i32
        %dma_wait3A_83 = tpu.memref_slice %arg9[%run_scoped3A_67, %dma_wait3A_81, %dma_wait3A_82] : memref<2x128x128xf32, #tpu.memory_space<vmem>> -> memref<1x128x128xf32, #tpu.memory_space<vmem>>
        %dma_wait3A_84 = tpu.memref_squeeze %dma_wait3A_83 : memref<1x128x128xf32, #tpu.memory_space<vmem>> -> memref<128x128xf32, #tpu.memory_space<vmem>>
        %dma_wait3A_85 = arith.constant 0 : i32
        %dma_wait3A_86 = tpu.memref_slice %arg8[%run_scoped3A_68, %run_scoped3A_69, %dma_wait3A_85] : memref<2x1x128xi32, #tpu.memory_space<vmem>> -> memref<1x1x128xi32, #tpu.memory_space<vmem>>
        %dma_wait3A_87 = tpu.memref_squeeze %dma_wait3A_86 : memref<1x1x128xi32, #tpu.memory_space<vmem>> -> memref<128xi32, #tpu.memory_space<vmem>>
        %dma_wait3A_88 = arith.constant 0 : i32
        %dma_wait3A_89 = arith.constant 0 : i32
        %dma_wait3A_90 = tpu.memref_slice %arg10[%dma_wait3A_88, %dma_wait3A_89] : memref<10240x128xf32, #tpu.memory_space<vmem_shared>> -> memref<10240x128xf32, #tpu.memory_space<vmem_shared>>
        tpu.wait_indirect_dma semaphore(%run_scoped3A_70 : memref<!tpu.dma_semaphore, #tpu.memory_space<semaphore_mem>>) src(%dma_wait3A_84 : memref<128x128xf32, #tpu.memory_space<vmem>>) dst(%dma_wait3A_90 : memref<10240x128xf32, #tpu.memory_space<vmem_shared>>)
        tpu.yield
      }) : () -> ()
    } else {
    }
    %barrier3A_36 = arith.constant 0 : index
    tpu.barrier barrier_id(%barrier3A_36)
    "tpu.region"() ({
      %run_scoped3A_37 = tpu.sem_alloc : memref<!tpu.dma_semaphore, #tpu.memory_space<semaphore_mem>>
      %dma_start3A_38 = arith.constant 0 : i32
      %dma_start3A_39 = tpu.memref_slice %arg6[%arg0, %mul3A_2, %dma_start3A_38] : memref<2x10240x128xf32, #tpu.memory_space<hbm>> -> memref<1x640x128xf32, #tpu.memory_space<hbm>>
      %dma_start3A_40 = tpu.memref_squeeze %dma_start3A_39 : memref<1x640x128xf32, #tpu.memory_space<hbm>> -> memref<640x128xf32, #tpu.memory_space<hbm>>
      %dma_start3A_41 = arith.constant 0 : i32
      %dma_start3A_42 = tpu.memref_slice %arg10[%mul3A_2, %dma_start3A_41] : memref<10240x128xf32, #tpu.memory_space<vmem_shared>> -> memref<640x128xf32, #tpu.memory_space<vmem_shared>>
      tpu.enqueue_dma source(%dma_start3A_42 : memref<640x128xf32, #tpu.memory_space<vmem_shared>>) target(%dma_start3A_40 : memref<640x128xf32, #tpu.memory_space<hbm>>) target_semaphore(%run_scoped3A_37 : memref<!tpu.dma_semaphore, #tpu.memory_space<semaphore_mem>>)
      %dma_wait3A_43 = arith.constant 0 : i32
      %dma_wait3A_44 = tpu.memref_slice %arg6[%arg0, %mul3A_2, %dma_wait3A_43] : memref<2x10240x128xf32, #tpu.memory_space<hbm>> -> memref<1x640x128xf32, #tpu.memory_space<hbm>>
      %dma_wait3A_45 = tpu.memref_squeeze %dma_wait3A_44 : memref<1x640x128xf32, #tpu.memory_space<hbm>> -> memref<640x128xf32, #tpu.memory_space<hbm>>
      %dma_wait3A_46 = arith.constant 0 : i32
      %dma_wait3A_47 = tpu.memref_slice %arg10[%mul3A_2, %dma_wait3A_46] : memref<10240x128xf32, #tpu.memory_space<vmem_shared>> -> memref<640x128xf32, #tpu.memory_space<vmem_shared>>
      tpu.wait_dma2 semaphore(%run_scoped3A_37 : memref<!tpu.dma_semaphore, #tpu.memory_space<semaphore_mem>>) src(%dma_wait3A_47 : memref<640x128xf32, #tpu.memory_space<vmem_shared>>) dst(%dma_wait3A_45 : memref<640x128xf32, #tpu.memory_space<hbm>>)
      tpu.yield
    }) : () -> ()
    return
  }
}

module attributes {stable_mosaic.version = 14 : i64} {
  func.func @_tc1_body(%arg0: memref<2x5120x128xf32, #tpu.memory_space<vmem>>, %arg1: memref<2x5120x1xf32, #tpu.memory_space<vmem>>, %arg2: memref<5120x1xf32, #tpu.memory_space<vmem>>, %arg3: memref<5120x128xf32, #tpu.memory_space<vmem>>, %arg4: memref<5120x128xf32, #tpu.memory_space<vmem>>) attributes {dimension_semantics = [], scalar_prefetch = 0 : i64, scratch_operands = 0 : i64, tpu.core_type = #tpu.core_type<tc>} {
    %get3A = arith.constant 0 : index
    %get3A_0 = arith.constant 0 : index
    %get3A_1 = arith.constant 0 : index
    %get3A_2 = vector.load %arg0[%get3A, %get3A_0, %get3A_1] : memref<2x5120x128xf32, #tpu.memory_space<vmem>>, vector<1x5120x128xf32>
    %get3A_3 = vector.shape_cast %get3A_2 : vector<1x5120x128xf32> to vector<5120x128xf32>
    %get3A_4 = arith.constant 1 : index
    %get3A_5 = arith.constant 0 : index
    %get3A_6 = arith.constant 0 : index
    %get3A_7 = vector.load %arg0[%get3A_4, %get3A_5, %get3A_6] : memref<2x5120x128xf32, #tpu.memory_space<vmem>>, vector<1x5120x128xf32>
    %get3A_8 = vector.shape_cast %get3A_7 : vector<1x5120x128xf32> to vector<5120x128xf32>
    %add3A = arith.addf %get3A_3, %get3A_8 : vector<5120x128xf32>
    %get3A_9 = arith.constant 0 : index
    %get3A_10 = arith.constant 0 : index
    %get3A_11 = arith.constant 0 : index
    %get3A_12 = vector.load %arg1[%get3A_9, %get3A_10, %get3A_11] : memref<2x5120x1xf32, #tpu.memory_space<vmem>>, vector<1x5120x1xf32>
    %get3A_13 = vector.shape_cast %get3A_12 : vector<1x5120x1xf32> to vector<5120x1xf32>
    %get3A_14 = arith.constant 1 : index
    %get3A_15 = arith.constant 0 : index
    %get3A_16 = arith.constant 0 : index
    %get3A_17 = vector.load %arg1[%get3A_14, %get3A_15, %get3A_16] : memref<2x5120x1xf32, #tpu.memory_space<vmem>>, vector<1x5120x1xf32>
    %get3A_18 = vector.shape_cast %get3A_17 : vector<1x5120x1xf32> to vector<5120x1xf32>
    %add3A_19 = arith.addf %get3A_13, %get3A_18 : vector<5120x1xf32>
    %max3A = arith.constant 1.000000e+00 : f32
    %max3A_20 = vector.broadcast %max3A : f32 to vector<5120x1xf32>
    %max3A_21 = arith.maximumf %add3A_19, %max3A_20 : vector<5120x1xf32>
    %div3A = vector.broadcast %max3A_21 : vector<5120x1xf32> to vector<5120x128xf32>
    %div3A_22 = arith.divf %add3A, %div3A : vector<5120x128xf32>
    %swap3A = arith.constant 0 : index
    %swap3A_23 = arith.constant 0 : index
    %swap3A_24 = vector.load %arg3[%swap3A, %swap3A_23] : memref<5120x128xf32, #tpu.memory_space<vmem>>, vector<5120x128xf32>
    tpu.vector_store %arg3[%swap3A, %swap3A_23], %div3A_22 {strides = array<i32>} : memref<5120x128xf32, #tpu.memory_space<vmem>>, vector<5120x128xf32>,
    %get3A_25 = arith.constant 0 : index
    %get3A_26 = arith.constant 0 : index
    %get3A_27 = vector.load %arg2[%get3A_25, %get3A_26] : memref<5120x1xf32, #tpu.memory_space<vmem>>, vector<5120x1xf32>
    %mul3A = vector.broadcast %get3A_27 : vector<5120x1xf32> to vector<5120x128xf32>
    %mul3A_28 = arith.mulf %div3A_22, %mul3A : vector<5120x128xf32>
    %swap3A_29 = arith.constant 0 : index
    %swap3A_30 = arith.constant 0 : index
    %swap3A_31 = vector.load %arg4[%swap3A_29, %swap3A_30] : memref<5120x128xf32, #tpu.memory_space<vmem>>, vector<5120x128xf32>
    tpu.vector_store %arg4[%swap3A_29, %swap3A_30], %mul3A_28 {strides = array<i32>} : memref<5120x128xf32, #tpu.memory_space<vmem>>, vector<5120x128xf32>,
    return
  }
}

module attributes {stable_mosaic.version = 14 : i64} {
  func.func @_tc2_body(%arg0: i32, %arg1: memref<2x1000x128xf32, #tpu.memory_space<vmem>>, %arg2: memref<1000x1xf32, #tpu.memory_space<vmem>>, %arg3: memref<1000x128xf32, #tpu.memory_space<vmem>>, %arg4: memref<128x128xf32, #tpu.memory_space<vmem>>, %arg5: memref<1x2xf32, #tpu.memory_space<vmem>>, %arg6: memref<1000x128xf32, #tpu.memory_space<vmem>>) attributes {dimension_semantics = [#tpu.dimension_semantics<arbitrary>], iteration_bounds = array<i64: 10>, scalar_prefetch = 0 : i64, scratch_operands = 0 : i64, tpu.core_type = #tpu.core_type<tc>, window_params = [{transform_indices = @transform_0, window_bounds = array<i64: 2, 1000, 128>}, {transform_indices = @transform_1, window_bounds = array<i64: 1000, 1>}, {transform_indices = @transform_2, window_bounds = array<i64: 1000, 128>}, {pipeline_mode = #tpu.pipeline_mode<synchronous>, transform_indices = @transform_3, window_bounds = array<i64: 128, 128>}, {pipeline_mode = #tpu.pipeline_mode<synchronous>, transform_indices = @transform_4, window_bounds = array<i64: 1, 2>}, {transform_indices = @transform_5, window_bounds = array<i64: 1000, 128>}]} {
    %get3A = arith.constant 0 : index
    %get3A_0 = arith.constant 0 : index
    %get3A_1 = vector.load %arg5[%get3A, %get3A_0] : memref<1x2xf32, #tpu.memory_space<vmem>>, vector<1x1xf32>
    %get3A_2 = arith.constant 0 : index
    %get3A_3 = arith.constant 1 : index
    %get3A_4 = vector.load %arg5[%get3A_2, %get3A_3] : memref<1x2xf32, #tpu.memory_space<vmem>>, vector<1x1xf32>
    %get3A_5 = arith.constant 0 : index
    %get3A_6 = arith.constant 0 : index
    %get3A_7 = arith.constant 0 : index
    %get3A_8 = vector.load %arg1[%get3A_5, %get3A_6, %get3A_7] : memref<2x1000x128xf32, #tpu.memory_space<vmem>>, vector<1x1000x128xf32>
    %get3A_9 = vector.shape_cast %get3A_8 : vector<1x1000x128xf32> to vector<1000x128xf32>
    %get3A_10 = arith.constant 1 : index
    %get3A_11 = arith.constant 0 : index
    %get3A_12 = arith.constant 0 : index
    %get3A_13 = vector.load %arg1[%get3A_10, %get3A_11, %get3A_12] : memref<2x1000x128xf32, #tpu.memory_space<vmem>>, vector<1x1000x128xf32>
    %get3A_14 = vector.shape_cast %get3A_13 : vector<1x1000x128xf32> to vector<1000x128xf32>
    %add3A = arith.addf %get3A_9, %get3A_14 : vector<1000x128xf32>
    %sub3A = arith.constant 1.000000e+00 : f32
    %sub3A_15 = vector.broadcast %sub3A : f32 to vector<1x1xf32>
    %sub3A_16 = arith.subf %sub3A_15, %get3A_1 : vector<1x1xf32>
    %get3A_17 = arith.constant 0 : index
    %get3A_18 = arith.constant 0 : index
    %get3A_19 = vector.load %arg2[%get3A_17, %get3A_18] : memref<1000x1xf32, #tpu.memory_space<vmem>>, vector<1000x1xf32>
    %mul3A = vector.broadcast %sub3A_16 : vector<1x1xf32> to vector<1000x1xf32>
    %mul3A_20 = arith.mulf %mul3A, %get3A_19 : vector<1000x1xf32>
    %mul3A_21 = vector.broadcast %mul3A_20 : vector<1000x1xf32> to vector<1000x128xf32>
    %mul3A_22 = arith.mulf %mul3A_21, %add3A : vector<1000x128xf32>
    %get3A_23 = arith.constant 0 : index
    %get3A_24 = arith.constant 0 : index
    %get3A_25 = vector.load %arg3[%get3A_23, %get3A_24] : memref<1000x128xf32, #tpu.memory_space<vmem>>, vector<1000x128xf32>
    %mul3A_26 = vector.broadcast %get3A_1 : vector<1x1xf32> to vector<1000x128xf32>
    %mul3A_27 = arith.mulf %mul3A_26, %get3A_25 : vector<1000x128xf32>
    %add3A_28 = arith.addf %mul3A_22, %mul3A_27 : vector<1000x128xf32>
    %get3A_29 = arith.constant 0 : index
    %get3A_30 = arith.constant 0 : index
    %get3A_31 = vector.load %arg4[%get3A_29, %get3A_30] : memref<128x128xf32, #tpu.memory_space<vmem>>, vector<128x128xf32>
    %dot_general3A = arith.constant dense<0.000000e+00> : vector<1000x128xf32>
    %dot_general3A_32 = tpu.matmul %add3A_28, %get3A_31, %dot_general3A {dimension_numbers = #tpu.dot_dimension_numbers<[1], [1], [0], [0], [0, 0, 1, 0], [], []>, precision = #tpu.contract_precision<fp32>, transpose_lhs_hint = false} : vector<1000x128xf32>, vector<128x128xf32>, vector<1000x128xf32> -> vector<1000x128xf32>
    %sub3A_33 = arith.constant 1.000000e+00 : f32
    %sub3A_34 = vector.broadcast %sub3A_33 : f32 to vector<1x1xf32>
    %sub3A_35 = arith.subf %sub3A_34, %get3A_4 : vector<1x1xf32>
    %mul3A_36 = vector.broadcast %sub3A_35 : vector<1x1xf32> to vector<1000x128xf32>
    %mul3A_37 = arith.mulf %mul3A_36, %add3A_28 : vector<1000x128xf32>
    %mul3A_38 = vector.broadcast %get3A_4 : vector<1x1xf32> to vector<1000x128xf32>
    %mul3A_39 = arith.mulf %mul3A_38, %dot_general3A_32 : vector<1000x128xf32>
    %add3A_40 = arith.addf %mul3A_37, %mul3A_39 : vector<1000x128xf32>
    %swap3A = arith.constant 0 : index
    %swap3A_41 = arith.constant 0 : index
    %swap3A_42 = vector.load %arg6[%swap3A, %swap3A_41] : memref<1000x128xf32, #tpu.memory_space<vmem>>, vector<1000x128xf32>
    tpu.vector_store %arg6[%swap3A, %swap3A_41], %add3A_40 {strides = array<i32>} : memref<1000x128xf32, #tpu.memory_space<vmem>>, vector<1000x128xf32>,
    return
  }
  func.func @transform_0(%arg0: i32) -> (i32, i32, i32) {
    %c0_i32 = arith.constant 0 : i32
    %c0_i32_0 = arith.constant 0 : i32
    %c0_i32_1 = arith.constant 0 : i32
    return %c0_i32, %arg0, %c0_i32_0 : i32, i32, i32
  }
  func.func @transform_1(%arg0: i32) -> (i32, i32) {
    %c0_i32 = arith.constant 0 : i32
    %c0_i32_0 = arith.constant 0 : i32
    return %arg0, %c0_i32 : i32, i32
  }
  func.func @transform_2(%arg0: i32) -> (i32, i32) {
    %c0_i32 = arith.constant 0 : i32
    %c0_i32_0 = arith.constant 0 : i32
    return %arg0, %c0_i32 : i32, i32
  }
  func.func @transform_3(%arg0: i32) -> (i32, i32) {
    %c0_i32 = arith.constant 0 : i32
    %c0_i32_0 = arith.constant 0 : i32
    %c0_i32_1 = arith.constant 0 : i32
    return %c0_i32, %c0_i32_0 : i32, i32
  }
  func.func @transform_4(%arg0: i32) -> (i32, i32) {
    %c0_i32 = arith.constant 0 : i32
    %c0_i32_0 = arith.constant 0 : i32
    %c0_i32_1 = arith.constant 0 : i32
    return %c0_i32, %c0_i32_0 : i32, i32
  }
  func.func @transform_5(%arg0: i32) -> (i32, i32) {
    %c0_i32 = arith.constant 0 : i32
    %c0_i32_0 = arith.constant 0 : i32
    return %arg0, %c0_i32 : i32, i32
  }
}

</mosaic_0001>

<sc_bundles>
// kernel: kernel.6.cloned.1.call-start
scs
__scs_entry_jumppad:
0x0: {  	(pc) =	sbr.rel $0x88, $3  }
0x1: {  	(tag) =	ssettag $0x0;
	lr =	simm.s32 $0x1  }
0x2: {  	[smem:$0x3F98] =	sst lr;
	_ =	strace $0xD0000000  }
0x3: {  	_ = 	snop  }
0x4: {  	_ = 	snop  }
0x5: {  	_ = 	snop  }
0x6: {  	_ = 	snop  }
0x7: {  	_ = 	snop  }
__scs_overlays_trampoline_lowered:
0x8: {  	[smem:$0x3FA7] =	sst s0  }
0x9: {  	[smem:$0x3FA8] =	sst s1  }
0xa: {  	[smem:$0x3FA9] =	sst s2  }
0xb: {  	[smem:$0x3FAA] =	sst s3  }
0xc: {  	[smem:$0x3FAB] =	sst s4  }
0xd: {  	[smem:$0x3FAC] =	sst s5  }
0xe: {  	[smem:$0x3FAD] =	sst s6  }
0xf: {  	[smem:$0x3FAE] =	sst s7  }
0x10: {  	[smem:$0x3FAF] =	sst s8  }
0x11: {  	[smem:$0x3FB0] =	sst s9;
	s0 =	simm.s32 @!p0 $0x0  }
0x12: {  	s1 =	sld [smem:$0x3F96];
	s0 =	simm.s32 @p0 $0x1  }
0x13: {  	[smem:$0x3FB1] =	sst s0;
	s0 =	simm.s32 @!p1 $0x0  }
0x14: {  	s2 =	sld [smem:$0x3F95];
	s0 =	simm.s32 @p1 $0x1  }
0x15: {  	[smem:$0x3FB2] =	sst s0;
	s0 =	simm.s32 @!p2 $0x0  }
0x16: {  	s3 =	sld [smem:$0x3FDB];
	s0 =	simm.s32 @p2 $0x1  }
0x17: {  	s4 =	simm.s32 $0x1BF5;
	[smem:$0x3FB4] =	sst s0  }
0x18: {  	s0 =	sld [smem:$0x3F97];
	_ =	swait.ge [sflag:s4], $0x0  }
0x19: {  	s7 =	sld [smem:$0x3F98]  }
0x1a: {  	s8 =	sadd.s32 $0xFFFFE003, lr  }
0x1b: {  	s9 =	sadd.s32 $0xFFFFFEF7, lr;
	s5 =	simm.s32 $0xFFFFFFFF;
	p2 =	slt.u32 s8, $0xFFFFF086  }
0x1c: {  	p1 =	slt.u32 s9, $0xF7A;
	s5 =	simm.s32 @!p2 $0x0  }
0x1d: {  	s5 =	simm.s32 @p1 $0x1;
	p0 =	seq.s32 s7, s2  }
0x1e: {  	s7 =	smul.u32 @!p0 $0xF7A, s2;
	p2 =	seq.s32 @!p0 s5, $0x0  }
0x1f: {  	s9 =	smul.u32 $0xF7A, s1;
	s8 =	simm.s32 @!p0 $0x1BF5;
	p2 =	por !p2, p0  }
0x20: {  	[sflag:s8] =	ssyncset.s32 @!p0 $0xFFFFF086;
	s6 =	sadd.s32 @!p0 s3, s7;
	s7 =	simm.s32 @!p0 $0x108  }
0x21: {  	s3 =	sadd.s32 s3, s9;
	s6 =	sadd.s32 @!p0 $0x88, s6;
	s7 =	simm.s32 @p2 $0x1082  }
0x22: {  	[simem:s7], [sflag:s8] =	dma.local @!p0 [hbm:s6], $0xF7A  }
0x23: {  	s9 =	sor.u32 $0xD0000000, s2;
	s6 =	simm.s32 $0x108;
	_ =	swait.ge @!p0 [sflag:s8], $0x0  }
0x24: {  	s3 =	sadd.s32 $0x88, s3;
	s6 =	simm.s32 @!p1 $0x1082;
	[sflag:s4] =	ssyncset.s32 $0xFFFFF086  }
0x25: {  	[simem:s6], [sflag:s4] =	dma.local [hbm:s3], $0xF7A  }
0x26: {  	[smem:$0x3F98] =	sst s1;
	(tag) =	ssettag s2;
	_ =	strace s9  }
0x27: {  	s1 =	sld [smem:$0x3FA8]  }
0x28: {  	s2 =	sld [smem:$0x3FA9]  }
0x29: {  	s4 =	sld [smem:$0x3FAB]  }
0x2a: {  	p0 =	seq.s32 s5, $0x0;
	s5 =	sld [smem:$0x3FAC]  }
0x2b: {  	s6 =	sld [smem:$0x3FAD]  }
0x2c: {  	s7 =	sld [smem:$0x3FAE]  }
0x2d: {  	s3 =	simm.s32 $0x108;
	s8 =	sld [smem:$0x3FAF]  }
0x2e: {  	s3 =	simm.s32 @!p0 $0x1082;
	s9 =	sld [smem:$0x3FB0]  }
0x2f: {  	lr =	sadd.s32 s0, s3;
	s0 =	sld [smem:$0x3FA7]  }
0x30: {  	s3 =	sld [smem:$0x3FAA]  }
0x31: {  	[smem:$0x3FB3] =	sst s10  }
0x32: {  	s10 =	sld [smem:$0x3FB1];
	_ =	sdelay $0x3  }
0x33: {  	p0 =	seq.s32 s10, $0x1;
	s10 =	sld [smem:$0x3FB3];
	_ =	sdelay $0x3  }
0x34: {  	[smem:$0x3FB3] =	sst s10  }
0x35: {  	s10 =	sld [smem:$0x3FB2];
	_ =	sdelay $0x3  }
0x36: {  	p1 =	seq.s32 s10, $0x1;
	s10 =	sld [smem:$0x3FB3];
	_ =	sdelay $0x3  }
0x37: {  	[smem:$0x3FB3] =	sst s10  }
0x38: {  	s10 =	sld [smem:$0x3FB4]  }
0x39: {  	_ = 	snop;
	(pc) =	sbr.ind lr, $3  }
0x3a: {  	_ = 	snop  }
0x3b: {  	_ = 	snop  }
0x3c: {  	p2 =	seq.s32 s10, $0x1;
	s10 =	sld [smem:$0x3FB3]  }
0x3d: {  	_ =	shalt  }
0x3e: {  	_ =	shalt  }
0x3f: {  	_ =	shalt  }
0x40: {  	_ =	shalt  }
0x41: {  	_ =	shalt  }
0x42: {  	_ =	shalt  }
0x43: {  	_ =	shalt  }
0x44: {  	_ =	shalt  }
0x45: {  	_ =	shalt  }
0x46: {  	_ =	shalt  }
0x47: {  	_ =	shalt  }
0x48: {  	_ =	shalt  }
0x49: {  	_ =	shalt  }
0x4a: {  	_ =	shalt  }
0x4b: {  	_ =	shalt  }
0x4c: {  	_ =	shalt  }
0x4d: {  	_ =	shalt  }
0x4e: {  	_ =	shalt  }
0x4f: {  	_ =	shalt  }
0x50: {  	_ =	shalt  }
0x51: {  	_ =	shalt  }
0x52: {  	_ =	shalt  }
0x53: {  	_ =	shalt  }
0x54: {  	_ =	shalt  }
0x55: {  	_ =	shalt  }
0x56: {  	_ =	shalt  }
0x57: {  	_ =	shalt  }
0x58: {  	_ =	shalt  }
0x59: {  	_ =	shalt  }
0x5a: {  	_ =	shalt  }
0x5b: {  	_ =	shalt  }
0x5c: {  	_ =	shalt  }
0x5d: {  	_ =	shalt  }
0x5e: {  	_ =	shalt  }
0x5f: {  	_ =	shalt  }
0x60: {  	_ =	shalt  }
0x61: {  	_ =	shalt  }
0x62: {  	_ =	shalt  }
0x63: {  	_ =	shalt  }
0x64: {  	_ =	shalt  }
0x65: {  	_ =	shalt  }
0x66: {  	_ =	shalt  }
0x67: {  	_ =	shalt  }
0x68: {  	_ =	shalt  }
0x69: {  	_ =	shalt  }
0x6a: {  	_ =	shalt  }
0x6b: {  	_ =	shalt  }
0x6c: {  	_ =	shalt  }
0x6d: {  	_ =	shalt  }
0x6e: {  	_ =	shalt  }
0x6f: {  	_ =	shalt  }
0x70: {  	_ =	shalt  }
0x71: {  	_ =	shalt  }
0x72: {  	_ =	shalt  }
0x73: {  	_ =	shalt  }
0x74: {  	_ =	shalt  }
0x75: {  	_ =	shalt  }
0x76: {  	_ =	shalt  }
0x77: {  	_ =	shalt  }
0x78: {  	_ =	shalt  }
0x79: {  	_ =	shalt  }
0x7a: {  	_ =	shalt  }
0x7b: {  	_ =	shalt  }
0x7c: {  	_ =	shalt  }
0x7d: {  	_ =	shalt  }
0x7e: {  	_ =	shalt  }
0x7f: {  	_ =	shalt  }
0x80: {  	_ =	shalt  }
0x81: {  	_ =	shalt  }
0x82: {  	_ =	shalt  }
0x83: {  	_ =	shalt  }
0x84: {  	_ =	shalt  }
0x85: {  	_ =	shalt  }
0x86: {  	_ =	shalt  }
0x87: {  	_ =	shalt  }
.Lfunc_end0:
.L_simem_size_0:
called_computation_lowered:
.L_overlay_start_0:
0x88: {  	s2 =	sld [smem:$0x3FD9]  }
0x89: {  	s3 =	sld [smem:$0x3FFE];
	_ =	sdelay $0x1  }
0x8a: {  	s1 =	srdreg.scid  }
0x8b: {  	s0 =	sand.u32 $0x1, s1  }
0x8c: {  	s14 =	sshll.u32 s0, $0xA;
	s2 =	sadd.s32 s3, s2  }
0x8d: {  	s2 =	sadd.s32 s2, s14  }
0x8e: {  	[smem:$0x3FBF] =	sst s2  }
0x8f: {  	_ = 	snop  }
0x90: {  	s2 =	sld [smem:$0x3FD0];
	_ =	sdelay $0x2  }
0x91: {  	s4 =	simm.s32 $0xA;
	s5 =	simm.s32 $0x10;
	s15 =	sld [smem:$0x3FC9]  }
0x92: {  	[smem:s5], [sflag:s4] =	dma.local [hbm:s2], $0x1  }
0x93: {  	_ =	swait.eq [sflag:s4], $0x1  }
0x94: {  	[sflag:s4] =	ssyncset.done $0x0  }
0x95: {  	s16 =	sld [smem:$0x10];
	[sflag:s4] =	ssyncadd.s32 $0xFFFFFFFF  }
0x96: {  	s17 =	sld [smem:$0x11];
	(tm) =	ssettm $0x1  }
0x97: {  	s18 =	sld [smem:$0x3FFB];
	_ =	sdelay $0x3  }
0x98: {  	_ =	strace s18  }
0x99: {  	s5 =	sld [smem:$0x3FFC];
	_ =	sdelay $0x3  }
0x9a: {  	_ =	strace s5  }
0x9b: {  	s5 =	sld [smem:$0x3FFD];
	_ =	sdelay $0x3  }
0x9c: {  	_ =	strace s5  }
0x9d: {  	_ =	strace $0x8FFFFFFF  }
0x9e: {  	s19 =	sld [smem:$0x3FDB];
	_ =	sdelay $0x1  }
0x9f: {  	s6 =	simm.s32 $_scs_section_size  }
0xa0: {  	s7 =	simm.s32 $_size__tile_overlayer_lowered;
	s8 =	simm.s32 $_tile_overlayer_lowered  }
0xa1: {  	s22 =	simm.s32 $0x1BFF;
	s21 =	sshll.u32 s8, $0x1;
	s5 =	sadd.s32 s6, s19  }
0xa2: {  	s9 =	simm.s32 $0x0;
	s20 =	sshll.u32 s7, $0x1;
	s7 =	sadd.s32 s21, s5  }
0xa3: {  	[timem:s9], [sflag:s22] =	dma.local [hbm:s7], s20  }
0xa4: {  	_ =	swait.ge [sflag:s22], s20  }
0xa5: {  	s6 =	ssub.s32 $0x0, s20;
	[sflag:s22] =	ssyncset.done $0x0  }
0xa6: {  	[sflag:s22] =	ssyncadd.s32 s6;
	_ =	sdelay $0x1  }
0xa7: {  	s23 =	simm.s32 $0x1B8B  }
0xa8: {  	_ =	swait.ge [sflag:s23], $0x1  }
0xa9: {  	[sflag:s23] =	ssyncset.done $0x0  }
0xaa: {  	s25 =	simm.s32 $0x1B8E;
	s24 =	sld [smem:$0x3FFE];
	[sflag:s23] =	ssyncadd.s32 $0xFFFFFFFF  }
0xab: {  	s26 =	simm.s32 $execute0_lowered;
	[smem:$0x3FD2] =	sst s25  }
0xac: {  	s7 =	sshll.u32 s26, $0x1;
	_ =	strace $0x80000046;
	[dreg:$0x1] =	wrdreg $0xFFFFFFFF  }
0xad: {  	s28 =	simm.s32 $_size_execute0_lowered;
	s5 =	sadd.s32 s5, s7;
	[dreg:$0x0] =	wrdreg $0x0  }
0xae: {  	s7 =	sshll.u32 s28, $0x1;
	[dreg:$0x2] =	wrdreg s5  }
0xaf: {  	[dreg:$0x3] =	wrdreg s7  }
0xb0: {  	[dreg:$0x4] =	wrdreg $0xC0  }
0xb1: {  	_ =	task [dreg:s9], $0x5FFFF  }
0xb2: {  	[dreg:$0x1] =	wrdreg $0xFFFFFFFF  }
0xb3: {  	[dreg:$0x0] =	wrdreg $0x60  }
0xb4: {  	[dreg:$0x2] =	wrdreg s15  }
0xb5: {  	[dreg:$0x3] =	wrdreg s17  }
0xb6: {  	[dreg:$0x4] =	wrdreg s24  }
0xb7: {  	[dreg:$0x5] =	wrdreg s16  }
0xb8: {  	[dreg:$0x6] =	wrdreg $0x151000  }
0xb9: {  	[dreg:$0x7] =	wrdreg $0x1F1000  }
0xba: {  	[dreg:$0x8] =	wrdreg $0x9  }
0xbb: {  	_ =	task.clear_ibuf [dreg:s9], $0x9FFFF;
	_ =	strace $0x90000046  }
0xbc: {  	s29 =	simm.s32 $0x9;
	_ =	strace $0x80000048  }
0xbd: {  	_ =	swait.ge [sflag:s29], $0x1  }
0xbe: {  	[sflag:s29] =	ssyncadd.s32 $0xFFFFFFFF  }
0xbf: {  	_ =	strace $0x90000048  }
0xc0: {  	_ =	sfence  }
0xc1: {  	s30 =	sld [smem:$0x0];
	_ =	sdelay $0x2  }
0xc2: {  	s31 =	sshll.u32 s1, $0xD;
	s1 =	sshrl.u32 s1, $0x2  }
0xc3: {  	s3 =	sand.u32 $0x4000, s31;
	s1 =	sadd.s32 s1, s30  }
0xc4: {  	s0 =	sor.u32 s3, s0;
	s1 =	sshll.u32 s1, $0x11  }
0xc5: {  	s0 =	sor.u32 s1, s0  }
0xc6: {  	s0 =	sadd.s32 $0x8F2B, s0  }
0xc7: {  	[sflag:s0] =	ssyncadd.remote.s32 $0x1  }
0xc8: {  	_ =	sfence.sel $0xFFFF  }
0xc9: {  	[dreg:$0x0] =	wrdreg $0xFFFFFFFF;
	(pc) =	sbr.abs _section_cstart, $3  }
0xca: {  	[dreg:$0x1] =	wrdreg $0xFFFFFFFF  }
0xcb: {  	_ =	task.clear_ibuf [dreg:s9], $0x2FFFF;
	_ =	strace $0x9FFFFFFF  }
0xcc: {  	(tm) =	ssettm $0x7FFFFFFF  }
0xcd: {  	_ =	shalt  }
tec
execute0_lowered:
.L_overlay_start_1:
0x0: {  	(tag) =	ssettag $0x1  }
0x1: {  	s0 =	rddreg [dreg:$0x0]  }
0x2: {  	s1 =	rddreg [dreg:$0x1]  }
0x3: {  	s2 =	rddreg [dreg:$0x2]  }
0x4: {  	s6 =	rddreg [dreg:$0x3]  }
0x5: {  	s3 =	rddreg [dreg:$0x4];
	s22 =	stileid.u32  }
0x6: {  	s5 =	srdreg.scid;
	s4 =	rddreg [dreg:$0x5]  }
0x7: {  	s15 =	simm.s32 $0xD;
	s29 =	simm.s32 $0x10F00;
	s30 =	simm.s32 $0x2  }
0x8: {  	s28 =	simm.s32 $0x0;
	s7 =	smul.u32 $0x140, s22;
	s8 =	sand.u32 $0x1, s5  }
0x9: {  	s5 =	simm.s32 $0x0;
	s10 =	smul.u32 $0xA000, s22;
	s12 =	sadd.s32 $0x16400, s2  }
0xa: {  	s18 =	sadd.s32 $0x19000, s2;
	s19 =	sshll.u32 s22, $0x1;
	s13 =	smul.u32 $0x28000, s22  }
0xb: {  	s26 =	sshll.u32 s22, $0x6;
	p0 =	sgt.u32 s22, $0x1;
	s22 =	simm.s32 $0x6  }
0xc: {  	s9 =	smul.u32 $0xA0000, s8;
	[smem:$0x7FF] =	sst s5;
	s20 =	ssub.s32 $0x2, s8  }
0xd: {  	s16 =	sor.u32 $0x1C0D, s26;
	_ =	strace $0x80000047;
	[dreg:$0x7] =	wrdreg s12  }
0xe: {  	s26 =	simm.s32 $0x1;
	s11 =	sshrl.u32 s7, $0x3;
	[dreg:$0x8] =	wrdreg s18  }
0xf: {  	s21 =	sshrl.u32 s20, $0x1;
	s23 =	sshrl.u32 s13, $0x2;
	s13 =	simm.s32 $0xC  }
0x10: {  	s11 =	sadd.s32 s11, s2;
	s9 =	sadd.s32 s10, s9;
	s10 =	sor.u32 s8, s19  }
0x11: {  	s8 =	smul.u32 $0x1400, s8;
	s12 =	sadd.s32 s23, s3;
	s19 =	simm.s32 $0x14F00  }
0x12: {  	s23 =	simm.s32 $0x8F00;
	s9 =	sshrl.u32 s9, $0x3;
	s14 =	smul.u32 $0x9C0, s10  }
0x13: {  	s10 =	sshll.u32 s10, $0x5;
	s11 =	sadd.s32 $0x18C00, s11;
	s17 =	sshrl.u32 s12, $0x3  }
0x14: {  	s12 =	simm.s32 $0x8;
	s2 =	sadd.s32 s9, s2;
	s9 =	ssub.s32 s20, s21  }
0x15: {  	[dreg:$0xa] =	wrdreg s11;
	s8 =	sadd.s32 s7, s8;
	s20 =	simm.s32 $0x80  }
0x16: {  	s21 =	simm.s32 $0x4F00;
	s11 =	simm.s32 $0xB;
	s24 =	sadd.s32 s1, s14  }
0x17: {  	s1 =	sadd.s32 s10, s1;
	s10 =	sadd.s32 s7, s4;
	s25 =	sshrl.u32 s8, $0x3  }
0x18: {  	s2 =	sadd.s32 $0x19200, s2;
	s31 =	smax.u32 s9, $0x1;
	s14 =	simm.s32 $0x14F80  }
.Ltmp0:
0x19: {  	s7 =	simm.s32 $0x4;
	[dreg:$0x9] =	wrdreg s24;
	(pc) =	sbr.rel .LBB2_1-.Ltmp0, $4  }
0x1a: {  	s9 =	simm.s32 $0x7;
	s1 =	sadd.s32 $0x13800, s1;
	[dreg:$0xc] =	wrdreg s2  }
0x1b: {  	[dreg:$0xe] =	wrdreg s31;
	s2 =	simm.s32 $0x5;
	s24 =	simm.s32 $0x3  }
0x1c: {  	[dreg:$0xb] =	wrdreg s1;
	s1 =	sadd.s32 s6, s25;
	s25 =	simm.s32 $0xCF00  }
0x1d: {  	s6 =	simm.s32 $0xA;
	[dreg:$0xd] =	wrdreg s1;
	s1 =	simm.s32 $0x9  }
.LBB2_4:
0x1e: {  	_ =	swait.ge [sflag:s26], $0x4000  }
0x1f: {  	[sflag:s26] =	ssyncset.done $0x0  }
0x20: {  	s8 =	simm.s32 $0x4C80;
	[sflag:s26] =	ssyncadd.s32 $0xFFFFC000  }
0x21: {  	[spmem:s3] =	stream.indirect.scatter.add.f32 [tilespmem:s21], [sflag:$0x5], $0x80, s8, s20, $0xb8;
	[tilespmem:$0x1F240] =	vst v63  }
0x22: {  	_ = 	snop  }
0x23: {  	[spmem:s4] =	stream.indirect.scatter.add.f32 [tilespmem:s19], [sflag:$0x9], $0x1, s8, s20, $0xb8;
	[tilespmem:$0x1F240] =	vst v63  }
0x24: {  	_ =	swait.ge [sflag:s12], $0x4000  }
0x25: {  	[sflag:s12] =	ssyncset.done $0x0  }
0x26: {  	[sflag:s12] =	ssyncadd.s32 $0xFFFFC000  }
0x27: {  	_ =	swait.ge [sflag:s13], $0x80  }
0x28: {  	[sflag:s13] =	ssyncset.done $0x0  }
0x29: {  	[sflag:s13] =	ssyncadd.s32 $0xFFFFFF80  }
0x2a: {  	_ =	swait.ge [sflag:s30], $0x4000  }
0x2b: {  	[sflag:s30] =	ssyncset.done $0x0  }
0x2c: {  	s31 =	simm.s32 $0x4D80;
	[sflag:s30] =	ssyncadd.s32 $0xFFFFC000  }
0x2d: {  	[spmem:s3] =	stream.indirect.scatter.add.f32 [tilespmem:s23], [sflag:$0x6], $0x80, s31, s20, $0xb8;
	[tilespmem:$0x1F240] =	vst v63  }
0x2e: {  	_ = 	snop  }
0x2f: {  	[spmem:s4] =	stream.indirect.scatter.add.f32 [tilespmem:s19], [sflag:$0xA], $0x1, s31, s20, $0xb8;
	[tilespmem:$0x1F240] =	vst v63  }
0x30: {  	_ =	swait.ge [sflag:s2], $0x4000  }
0x31: {  	[sflag:s2] =	ssyncset.done $0x0  }
0x32: {  	[sflag:s2] =	ssyncadd.s32 $0xFFFFC000  }
0x33: {  	_ =	swait.ge [sflag:s1], $0x80  }
0x34: {  	[sflag:s1] =	ssyncset.done $0x0  }
0x35: {  	[sflag:s1] =	ssyncadd.s32 $0xFFFFFF80  }
0x36: {  	_ =	swait.ge [sflag:s22], $0x4000  }
0x37: {  	[sflag:s22] =	ssyncset.done $0x0  }
0x38: {  	[sflag:s22] =	ssyncadd.s32 $0xFFFFC000  }
0x39: {  	_ =	swait.ge [sflag:s6], $0x80  }
0x3a: {  	s14 =	simm.s32 @!p0 $0x4E00;
	[sflag:s6] =	ssyncset.done $0x0  }
0x3b: {  	s8 =	simm.s32 @!p0 $0x0;
	s18 =	rddreg [dreg:$0xb];
	[sflag:s6] =	ssyncadd.s32 $0xFFFFFF80  }
0x3c: {  	[tilespmem:s14], [sflag:$0xD] =	stream.linear.gather @!p0 [hbm4b:s18+s8], $0x100, $0x38;
	[tilespmem:$0x1F240] =	vst v63  }
0x3d: {  	s8 =	simm.s32 @!p0 $0xD  }
0x3e: {  	_ =	swait.ge @!p0 [sflag:s8], $0x100  }
0x3f: {  	s31 =	simm.s32 @!p0 $0x80;
	[sflag:s8] =	ssyncset.done @!p0 $0x0  }
0x40: {  	s18 =	smov.u32 s10;
	s10 =	simm.s32 @!p0 $0x4F00;
	[sflag:s8] =	ssyncadd.s32 @!p0 $0xFFFFFF00  }
0x41: {  	[tilespmem:s10], [sflag:$0x1] =	stream.indirect.gather @!p0 [hbm4b:s0+s31], $0x80, s14, s31, $0xb8;
	[tilespmem:$0x1F240] =	vst v63  }
0x42: {  	s14 =	simm.s32 @!p0 $0x1  }
0x43: {  	_ =	swait.ge @!p0 [sflag:s14], $0x4000  }
0x44: {  	[sflag:s14] =	ssyncset.done @!p0 $0x0  }
0x45: {  	[sflag:s14] =	ssyncadd.s32 @!p0 $0xFFFFC000;
	s14 =	simm.s32 @!p0 $0x4E80  }
0x46: {  	[spmem:s3] =	stream.indirect.scatter.add.f32 @!p0 [tilespmem:s10], [sflag:$0xD], $0x80, s14, s31, $0xb8;
	[tilespmem:$0x1F240] =	vst v63  }
0x47: {  	_ =	swait.ge @!p0 [sflag:s8], $0x4000  }
0x48: {  	[sflag:s8] =	ssyncset.done @!p0 $0x0  }
0x49: {  	s10 =	simm.s32 @!p0 $0x14F00;
	[sflag:s8] =	ssyncadd.s32 @!p0 $0xFFFFC000  }
0x4a: {  	[spmem:s4] =	stream.indirect.scatter.add.f32 @!p0 [tilespmem:s10], [sflag:$0xD], $0x1, s14, s31, $0xb8;
	[tilespmem:$0x1F240] =	vst v63  }
0x4b: {  	_ =	swait.ge @!p0 [sflag:s8], $0x80  }
0x4c: {  	[sflag:s8] =	ssyncset.done @!p0 $0x0  }
0x4d: {  	[sflag:s8] =	ssyncadd.s32 @!p0 $0xFFFFFF80  }
0x4e: {  	[bflag:$0x0] =	sbarrier.arrive $0xFFFF  }
0x4f: {  	s14 =	rddreg [dreg:$0xc]  }
0x50: {  	[hbm:s14], [sflag:s16] =	dma.local [spmem:s17], $0x1400  }
0x51: {  	_ =	swait.ge [sflag:s15], $0x1400  }
0x52: {  	[sflag:s15] =	ssyncset.done $0x0  }
0x53: {  	s14 =	simm.s32 $0x14F80;
	[sflag:s15] =	ssyncadd.s32 $0xFFFFEC00  }
0x54: {  	[tilespmem:s14], [sflag:$0xD] =	stream.linear.gather [spmem:s18], $0x140, $0x38;
	[tilespmem:$0x1F240] =	vst v63  }
0x55: {  	_ =	swait.ge [sflag:s15], $0x140  }
0x56: {  	[sflag:s15] =	ssyncset.done $0x0  }
0x57: {  	s10 =	smov.u32 s18;
	s18 =	rddreg [dreg:$0xd];
	[sflag:s15] =	ssyncadd.s32 $0xFFFFFEC0  }
0x58: {  	[hbm4b:s18+s5] =	stream.linear.scatter [tilespmem:s14], [sflag:$0xD], $0x140, $0x38;
	[tilespmem:$0x1F240] =	vst v63  }
0x59: {  	_ =	swait.ge [sflag:s15], $0x140  }
0x5a: {  	s28 =	sadd.s32 $0x1, s28;
	s31 =	rddreg [dreg:$0xe]  }
0x5b: {  	p1 =	sne.s32 s28, s31  }
.Ltmp1:
0x5c: {  	_ = 	snop;
	(pc) =	sbr.rel @!p1 .LBB2_5-.Ltmp1, $3  }
0x5d: {  	_ =	sdelay $0x1  }
0x5e: {  	[sflag:s15] =	ssyncset.done $0x0  }
0x5f: {  	[sflag:s15] =	ssyncadd.s32 $0xFFFFFEC0  }
.LBB2_1:
0x60: {  	s8 =	rddreg [dreg:$0x9]  }
0x61: {  	[tilespmem:s5], [sflag:$0xD] =	stream.linear.gather [hbm4b:s8+s5], $0x4E00, $0x38;
	[tilespmem:$0x1F240] =	vst v63  }
0x62: {  	_ =	swait.ge [sflag:s15], $0x4E00  }
0x63: {  	[sflag:s15] =	ssyncset.done $0x0  }
0x64: {  	s31 =	rddreg [dreg:$0x7];
	[sflag:s15] =	ssyncadd.s32 $0xFFFFB200  }
0x65: {  	[spmem:s17], [sflag:s16] =	dma.local [hbm:s31], $0x1400  }
0x66: {  	_ =	swait.ge [sflag:s15], $0x1400  }
0x67: {  	[sflag:s15] =	ssyncset.done $0x0  }
0x68: {  	s18 =	rddreg [dreg:$0xa];
	[sflag:s15] =	ssyncadd.s32 $0xFFFFEC00  }
0x69: {  	[tilespmem:s14], [sflag:$0xD] =	stream.linear.gather [hbm4b:s18+s5], $0x140, $0x38;
	[tilespmem:$0x1F240] =	vst v63  }
0x6a: {  	_ =	swait.ge [sflag:s15], $0x140  }
0x6b: {  	[sflag:s15] =	ssyncset.done $0x0  }
0x6c: {  	[sflag:s15] =	ssyncadd.s32 $0xFFFFFEC0  }
0x6d: {  	[spmem:s10] =	stream.linear.scatter [tilespmem:s14], [sflag:$0xD], $0x140, $0x38;
	[tilespmem:$0x1F240] =	vst v63  }
0x6e: {  	_ =	swait.ge [sflag:s15], $0x140  }
0x6f: {  	[sflag:s15] =	ssyncset.done $0x0  }
0x70: {  	s31 =	rddreg [dreg:$0x8];
	[sflag:s15] =	ssyncadd.s32 $0xFFFFFEC0  }
0x71: {  	[tilespmem:s19], [sflag:$0xD] =	stream.linear.gather [hbm4b:s31+s5], $0x80, $0x38;
	[tilespmem:$0x1F240] =	vst v63  }
0x72: {  	_ =	swait.ge [sflag:s15], $0x80  }
0x73: {  	[sflag:s15] =	ssyncset.done $0x0  }
0x74: {  	[sflag:s15] =	ssyncadd.s32 $0xFFFFFF80  }
0x75: {  	[bflag:$0x0] =	sbarrier.arrive $0xFFFF  }
0x76: {  	[tilespmem:s21], [sflag:$0x1] =	stream.indirect.gather [hbm4b:s0+s20], $0x80, s5, s20, $0xb8;
	[tilespmem:$0x1F240] =	vst v63  }
0x77: {  	s14 =	simm.s32 $0x100  }
0x78: {  	[tilespmem:s23], [sflag:$0x2] =	stream.indirect.gather [hbm4b:s0+s20], $0x80, s14, s20, $0xb8;
	[tilespmem:$0x1F240] =	vst v63  }
0x79: {  	s18 =	simm.s32 $0x200  }
0x7a: {  	[tilespmem:s25], [sflag:$0x3] =	stream.indirect.gather [hbm4b:s0+s20], $0x80, s18, s20, $0xb8;
	[tilespmem:$0x1F240] =	vst v63  }
0x7b: {  	_ =	swait.ge [sflag:s26], $0x4000  }
0x7c: {  	[sflag:s26] =	ssyncset.done $0x0  }
0x7d: {  	[sflag:s26] =	ssyncadd.s32 $0xFFFFC000  }
0x7e: {  	[spmem:s3] =	stream.indirect.scatter.add.f32 [tilespmem:s21], [sflag:$0x5], $0x80, s20, s20, $0xb8;
	[tilespmem:$0x1F240] =	vst v63  }
0x7f: {  	_ = 	snop  }
0x80: {  	[spmem:s4] =	stream.indirect.scatter.add.f32 [tilespmem:s19], [sflag:$0x9], $0x1, s20, s20, $0xb8;
	[tilespmem:$0x1F240] =	vst v63  }
0x81: {  	s31 =	simm.s32 $0x300  }
0x82: {  	[tilespmem:s29], [sflag:$0x4] =	stream.indirect.gather [hbm4b:s0+s20], $0x80, s31, s20, $0xb8;
	[tilespmem:$0x1F240] =	vst v63  }
0x83: {  	_ =	swait.ge [sflag:s30], $0x4000  }
0x84: {  	[sflag:s30] =	ssyncset.done $0x0  }
0x85: {  	s14 =	simm.s32 $0x180;
	[sflag:s30] =	ssyncadd.s32 $0xFFFFC000  }
0x86: {  	[spmem:s3] =	stream.indirect.scatter.add.f32 [tilespmem:s23], [sflag:$0x6], $0x80, s14, s20, $0xb8;
	[tilespmem:$0x1F240] =	vst v63  }
0x87: {  	_ = 	snop  }
0x88: {  	[spmem:s4] =	stream.indirect.scatter.add.f32 [tilespmem:s19], [sflag:$0xA], $0x1, s14, s20, $0xb8;
	[tilespmem:$0x1F240] =	vst v63  }
0x89: {  	_ =	swait.ge [sflag:s2], $0x4000  }
0x8a: {  	[sflag:s2] =	ssyncset.done $0x0  }
0x8b: {  	[sflag:s2] =	ssyncadd.s32 $0xFFFFC000  }
0x8c: {  	_ =	swait.ge [sflag:s1], $0x80  }
0x8d: {  	[sflag:s1] =	ssyncset.done $0x0  }
0x8e: {  	s18 =	simm.s32 $0x400;
	[sflag:s1] =	ssyncadd.s32 $0xFFFFFF80  }
0x8f: {  	[tilespmem:s21], [sflag:$0x1] =	stream.indirect.gather [hbm4b:s0+s20], $0x80, s18, s20, $0xb8;
	[tilespmem:$0x1F240] =	vst v63  }
0x90: {  	_ =	swait.ge [sflag:s24], $0x4000  }
0x91: {  	[sflag:s24] =	ssyncset.done $0x0  }
0x92: {  	s31 =	simm.s32 $0x280;
	[sflag:s24] =	ssyncadd.s32 $0xFFFFC000  }
0x93: {  	[spmem:s3] =	stream.indirect.scatter.add.f32 [tilespmem:s25], [sflag:$0x7], $0x80, s31, s20, $0xb8;
	[tilespmem:$0x1F240] =	vst v63  }
0x94: {  	_ = 	snop  }
0x95: {  	[spmem:s4] =	stream.indirect.scatter.add.f32 [tilespmem:s19], [sflag:$0xB], $0x1, s31, s20, $0xb8;
	[tilespmem:$0x1F240] =	vst v63  }
0x96: {  	_ =	swait.ge [sflag:s22], $0x4000  }
0x97: {  	[sflag:s22] =	ssyncset.done $0x0  }
0x98: {  	[sflag:s22] =	ssyncadd.s32 $0xFFFFC000  }
0x99: {  	_ =	swait.ge [sflag:s6], $0x80  }
0x9a: {  	[sflag:s6] =	ssyncset.done $0x0  }
0x9b: {  	s14 =	simm.s32 $0x500;
	[sflag:s6] =	ssyncadd.s32 $0xFFFFFF80  }
0x9c: {  	[tilespmem:s23], [sflag:$0x2] =	stream.indirect.gather [hbm4b:s0+s20], $0x80, s14, s20, $0xb8;
	[tilespmem:$0x1F240] =	vst v63  }
0x9d: {  	_ =	swait.ge [sflag:s7], $0x4000  }
0x9e: {  	[sflag:s7] =	ssyncset.done $0x0  }
0x9f: {  	s18 =	simm.s32 $0x380;
	[sflag:s7] =	ssyncadd.s32 $0xFFFFC000  }
0xa0: {  	[spmem:s3] =	stream.indirect.scatter.add.f32 [tilespmem:s29], [sflag:$0x8], $0x80, s18, s20, $0xb8;
	[tilespmem:$0x1F240] =	vst v63  }
0xa1: {  	_ = 	snop  }
0xa2: {  	[spmem:s4] =	stream.indirect.scatter.add.f32 [tilespmem:s19], [sflag:$0xC], $0x1, s18, s20, $0xb8;
	[tilespmem:$0x1F240] =	vst v63  }
0xa3: {  	_ =	swait.ge [sflag:s9], $0x4000  }
0xa4: {  	[sflag:s9] =	ssyncset.done $0x0  }
0xa5: {  	[sflag:s9] =	ssyncadd.s32 $0xFFFFC000  }
0xa6: {  	_ =	swait.ge [sflag:s11], $0x80  }
0xa7: {  	[sflag:s11] =	ssyncset.done $0x0  }
0xa8: {  	s8 =	simm.s32 $0x0;
	s31 =	simm.s32 $0x600;
	[sflag:s11] =	ssyncadd.s32 $0xFFFFFF80  }
0xa9: {  	[tilespmem:s25], [sflag:$0x3] =	stream.indirect.gather [hbm4b:s0+s20], $0x80, s31, s20, $0xb8;
	[tilespmem:$0x1F240] =	vst v63  }
.LBB2_2:
0xaa: {  	_ =	swait.ge [sflag:s26], $0x4000  }
0xab: {  	s14 =	sshra.s32 s8, $0x2;
	[sflag:s26] =	ssyncset.done $0x0  }
0xac: {  	s31 =	sadd.s32 $0x480, s14;
	[sflag:s26] =	ssyncadd.s32 $0xFFFFC000  }
0xad: {  	[spmem:s3] =	stream.indirect.scatter.add.f32 [tilespmem:s21], [sflag:$0x5], $0x80, s31, s20, $0xb8;
	[tilespmem:$0x1F240] =	vst v63  }
0xae: {  	_ = 	snop  }
0xaf: {  	[spmem:s4] =	stream.indirect.scatter.add.f32 [tilespmem:s19], [sflag:$0x9], $0x1, s31, s20, $0xb8;
	[tilespmem:$0x1F240] =	vst v63  }
0xb0: {  	_ =	swait.ge [sflag:s12], $0x4000  }
0xb1: {  	[sflag:s12] =	ssyncset.done $0x0  }
0xb2: {  	[sflag:s12] =	ssyncadd.s32 $0xFFFFC000  }
0xb3: {  	_ =	swait.ge [sflag:s13], $0x80  }
0xb4: {  	[sflag:s13] =	ssyncset.done $0x0  }
0xb5: {  	s18 =	sadd.s32 $0x700, s14;
	[sflag:s13] =	ssyncadd.s32 $0xFFFFFF80  }
0xb6: {  	[tilespmem:s29], [sflag:$0x4] =	stream.indirect.gather [hbm4b:s0+s20], $0x80, s18, s20, $0xb8;
	[tilespmem:$0x1F240] =	vst v63  }
0xb7: {  	_ =	swait.ge [sflag:s30], $0x4000  }
0xb8: {  	[sflag:s30] =	ssyncset.done $0x0  }
0xb9: {  	s18 =	sadd.s32 $0x580, s14;
	[sflag:s30] =	ssyncadd.s32 $0xFFFFC000  }
0xba: {  	[spmem:s3] =	stream.indirect.scatter.add.f32 [tilespmem:s23], [sflag:$0x6], $0x80, s18, s20, $0xb8;
	[tilespmem:$0x1F240] =	vst v63  }
0xbb: {  	_ = 	snop  }
0xbc: {  	[spmem:s4] =	stream.indirect.scatter.add.f32 [tilespmem:s19], [sflag:$0xA], $0x1, s18, s20, $0xb8;
	[tilespmem:$0x1F240] =	vst v63  }
0xbd: {  	_ =	swait.ge [sflag:s2], $0x4000  }
0xbe: {  	[sflag:s2] =	ssyncset.done $0x0  }
0xbf: {  	[sflag:s2] =	ssyncadd.s32 $0xFFFFC000  }
0xc0: {  	_ =	swait.ge [sflag:s1], $0x80  }
0xc1: {  	[sflag:s1] =	ssyncset.done $0x0  }
0xc2: {  	s18 =	sadd.s32 $0x800, s14;
	[sflag:s1] =	ssyncadd.s32 $0xFFFFFF80  }
0xc3: {  	[tilespmem:s21], [sflag:$0x1] =	stream.indirect.gather [hbm4b:s0+s20], $0x80, s18, s20, $0xb8;
	[tilespmem:$0x1F240] =	vst v63  }
0xc4: {  	_ =	swait.ge [sflag:s24], $0x4000  }
0xc5: {  	[sflag:s24] =	ssyncset.done $0x0  }
0xc6: {  	s18 =	sadd.s32 $0x680, s14;
	[sflag:s24] =	ssyncadd.s32 $0xFFFFC000  }
0xc7: {  	[spmem:s3] =	stream.indirect.scatter.add.f32 [tilespmem:s25], [sflag:$0x7], $0x80, s18, s20, $0xb8;
	[tilespmem:$0x1F240] =	vst v63  }
0xc8: {  	_ = 	snop  }
0xc9: {  	[spmem:s4] =	stream.indirect.scatter.add.f32 [tilespmem:s19], [sflag:$0xB], $0x1, s18, s20, $0xb8;
	[tilespmem:$0x1F240] =	vst v63  }
0xca: {  	_ =	swait.ge [sflag:s22], $0x4000  }
0xcb: {  	[sflag:s22] =	ssyncset.done $0x0  }
0xcc: {  	[sflag:s22] =	ssyncadd.s32 $0xFFFFC000  }
0xcd: {  	_ =	swait.ge [sflag:s6], $0x80  }
0xce: {  	[sflag:s6] =	ssyncset.done $0x0  }
0xcf: {  	s18 =	sadd.s32 $0x900, s14;
	[sflag:s6] =	ssyncadd.s32 $0xFFFFFF80  }
0xd0: {  	[tilespmem:s23], [sflag:$0x2] =	stream.indirect.gather [hbm4b:s0+s20], $0x80, s18, s20, $0xb8;
	[tilespmem:$0x1F240] =	vst v63  }
0xd1: {  	_ =	swait.ge [sflag:s7], $0x4000  }
0xd2: {  	[sflag:s7] =	ssyncset.done $0x0  }
0xd3: {  	s18 =	sadd.s32 $0x780, s14;
	[sflag:s7] =	ssyncadd.s32 $0xFFFFC000  }
0xd4: {  	[spmem:s3] =	stream.indirect.scatter.add.f32 [tilespmem:s29], [sflag:$0x8], $0x80, s18, s20, $0xb8;
	[tilespmem:$0x1F240] =	vst v63  }
0xd5: {  	_ = 	snop  }
0xd6: {  	[spmem:s4] =	stream.indirect.scatter.add.f32 [tilespmem:s19], [sflag:$0xC], $0x1, s18, s20, $0xb8;
	[tilespmem:$0x1F240] =	vst v63  }
0xd7: {  	p1 =	seq.s32 s8, $0x11000;
	_ =	swait.ge [sflag:s9], $0x4000  }
.Ltmp2:
0xd8: {  	[sflag:s9] =	ssyncset.done $0x0;
	(pc) =	sbr.rel @p1 .LBB2_4-.Ltmp2, $4  }
0xd9: {  	[sflag:s9] =	ssyncadd.s32 $0xFFFFC000  }
0xda: {  	_ =	swait.ge [sflag:s11], $0x80  }
0xdb: {  	[sflag:s11] =	ssyncset.done $0x0  }
0xdc: {  	[sflag:s11] =	ssyncadd.s32 $0xFFFFFF80  }
.Ltmp3:
0xdd: {  	(pc) =	sbr.rel .LBB2_2-.Ltmp3, $3  }
0xde: {  	_ =	sdelay $0x1  }
0xdf: {  	s14 =	sadd.s32 $0xA00, s14;
	s8 =	sadd.s32 $0x1000, s8  }
0xe0: {  	[tilespmem:s25], [sflag:$0x3] =	stream.indirect.gather [hbm4b:s0+s20], $0x80, s14, s20, $0xb8;
	[tilespmem:$0x1F240] =	vst v63  }
.LBB2_5:
0xe1: {  	_ =	sfence.sel $0x180000  }
0xe2: {  	[bflag:$0x0] =	sbarrier.arrive $0xFFFF  }
0xe3: {  	_ =	strace $0x90000047  }
0xe4: {  	s0 =	stileid.u32;
	[bflag:$0x2] =	sbarrier.arrive $0xFFFF  }
0xe5: {  	p0 =	sne.s32 s0, $0x0;
	s0 =	rddreg [dreg:$0x6]  }
0xe6: {  	s0 =	sadd.s32 @!p0 $0x100000, s0  }
0xe7: {  	[sflag:s0] =	ssyncadd.tile.s32 @!p0 $0x1;
	_ =	shalt  }
.Lfunc_end2:
_tile_overlayer_lowered:
.L_overlay_start_2:
0xe8: {  	(tag) =	ssettag $0x2  }
0xe9: {  	s0 =	rddreg [dreg:$0x0];
	s2 =	stileid.u32  }
0xea: {  	s1 =	rddreg [dreg:$0x1];
	p0 =	sne.s32 s2, $0x0  }
0xeb: {  	s3 =	rddreg [dreg:$0x2];
	[bflag:$0x3] =	sbarrier.arrive $0xFFFF;
	s2 =	simm.s32 @!p0 $0x1C0D  }
0xec: {  	[timem:s3], [sflag:s2] =	dma.local @!p0 [hbm:s0], s1  }
0xed: {  	s0 =	simm.s32 @!p0 $0xD  }
0xee: {  	_ =	swait.ge @!p0 [sflag:s0], s1  }
0xef: {  	s1 =	ssub.s32 @!p0 $0x0, s1;
	[sflag:s0] =	ssyncset.done @!p0 $0x0  }
0xf0: {  	[sflag:s0] =	ssyncadd.s32 @!p0 s1  }
0xf1: {  	[bflag:$0x3] =	sbarrier.arrive $0xFFFF  }
0xf2: {  	_ =	shalt  }

// kernel: kernel.9.cloned.1.call-start
scs
__scs_entry_jumppad:
0x0: {  	(pc) =	sbr.rel $0x88, $3  }
0x1: {  	(tag) =	ssettag $0x0;
	lr =	simm.s32 $0x1  }
0x2: {  	[smem:$0x3F98] =	sst lr;
	_ =	strace $0xD0000000  }
0x3: {  	_ = 	snop  }
0x4: {  	_ = 	snop  }
0x5: {  	_ = 	snop  }
0x6: {  	_ = 	snop  }
0x7: {  	_ = 	snop  }
__scs_overlays_trampoline_lowered:
0x8: {  	[smem:$0x3FA7] =	sst s0  }
0x9: {  	[smem:$0x3FA8] =	sst s1  }
0xa: {  	[smem:$0x3FA9] =	sst s2  }
0xb: {  	[smem:$0x3FAA] =	sst s3  }
0xc: {  	[smem:$0x3FAB] =	sst s4  }
0xd: {  	[smem:$0x3FAC] =	sst s5  }
0xe: {  	[smem:$0x3FAD] =	sst s6  }
0xf: {  	[smem:$0x3FAE] =	sst s7  }
0x10: {  	[smem:$0x3FAF] =	sst s8  }
0x11: {  	[smem:$0x3FB0] =	sst s9;
	s0 =	simm.s32 @!p0 $0x0  }
0x12: {  	s1 =	sld [smem:$0x3F96];
	s0 =	simm.s32 @p0 $0x1  }
0x13: {  	[smem:$0x3FB1] =	sst s0;
	s0 =	simm.s32 @!p1 $0x0  }
0x14: {  	s2 =	sld [smem:$0x3F95];
	s0 =	simm.s32 @p1 $0x1  }
0x15: {  	[smem:$0x3FB2] =	sst s0;
	s0 =	simm.s32 @!p2 $0x0  }
0x16: {  	s3 =	sld [smem:$0x3FDB];
	s0 =	simm.s32 @p2 $0x1  }
0x17: {  	s4 =	simm.s32 $0x1BF5;
	[smem:$0x3FB4] =	sst s0  }
0x18: {  	s0 =	sld [smem:$0x3F97];
	_ =	swait.ge [sflag:s4], $0x0  }
0x19: {  	s7 =	sld [smem:$0x3F98]  }
0x1a: {  	s8 =	sadd.s32 $0xFFFFE003, lr  }
0x1b: {  	s9 =	sadd.s32 $0xFFFFFEF7, lr;
	s5 =	simm.s32 $0xFFFFFFFF;
	p2 =	slt.u32 s8, $0xFFFFF086  }
0x1c: {  	p1 =	slt.u32 s9, $0xF7A;
	s5 =	simm.s32 @!p2 $0x0  }
0x1d: {  	s5 =	simm.s32 @p1 $0x1;
	p0 =	seq.s32 s7, s2  }
0x1e: {  	s7 =	smul.u32 @!p0 $0xF7A, s2;
	p2 =	seq.s32 @!p0 s5, $0x0  }
0x1f: {  	s9 =	smul.u32 $0xF7A, s1;
	s8 =	simm.s32 @!p0 $0x1BF5;
	p2 =	por !p2, p0  }
0x20: {  	[sflag:s8] =	ssyncset.s32 @!p0 $0xFFFFF086;
	s6 =	sadd.s32 @!p0 s3, s7;
	s7 =	simm.s32 @!p0 $0x108  }
0x21: {  	s3 =	sadd.s32 s3, s9;
	s6 =	sadd.s32 @!p0 $0x88, s6;
	s7 =	simm.s32 @p2 $0x1082  }
0x22: {  	[simem:s7], [sflag:s8] =	dma.local @!p0 [hbm:s6], $0xF7A  }
0x23: {  	s9 =	sor.u32 $0xD0000000, s2;
	s6 =	simm.s32 $0x108;
	_ =	swait.ge @!p0 [sflag:s8], $0x0  }
0x24: {  	s3 =	sadd.s32 $0x88, s3;
	s6 =	simm.s32 @!p1 $0x1082;
	[sflag:s4] =	ssyncset.s32 $0xFFFFF086  }
0x25: {  	[simem:s6], [sflag:s4] =	dma.local [hbm:s3], $0xF7A  }
0x26: {  	[smem:$0x3F98] =	sst s1;
	(tag) =	ssettag s2;
	_ =	strace s9  }
0x27: {  	s1 =	sld [smem:$0x3FA8]  }
0x28: {  	s2 =	sld [smem:$0x3FA9]  }
0x29: {  	s4 =	sld [smem:$0x3FAB]  }
0x2a: {  	p0 =	seq.s32 s5, $0x0;
	s5 =	sld [smem:$0x3FAC]  }
0x2b: {  	s6 =	sld [smem:$0x3FAD]  }
0x2c: {  	s7 =	sld [smem:$0x3FAE]  }
0x2d: {  	s3 =	simm.s32 $0x108;
	s8 =	sld [smem:$0x3FAF]  }
0x2e: {  	s3 =	simm.s32 @!p0 $0x1082;
	s9 =	sld [smem:$0x3FB0]  }
0x2f: {  	lr =	sadd.s32 s0, s3;
	s0 =	sld [smem:$0x3FA7]  }
0x30: {  	s3 =	sld [smem:$0x3FAA]  }
0x31: {  	[smem:$0x3FB3] =	sst s10  }
0x32: {  	s10 =	sld [smem:$0x3FB1];
	_ =	sdelay $0x3  }
0x33: {  	p0 =	seq.s32 s10, $0x1;
	s10 =	sld [smem:$0x3FB3];
	_ =	sdelay $0x3  }
0x34: {  	[smem:$0x3FB3] =	sst s10  }
0x35: {  	s10 =	sld [smem:$0x3FB2];
	_ =	sdelay $0x3  }
0x36: {  	p1 =	seq.s32 s10, $0x1;
	s10 =	sld [smem:$0x3FB3];
	_ =	sdelay $0x3  }
0x37: {  	[smem:$0x3FB3] =	sst s10  }
0x38: {  	s10 =	sld [smem:$0x3FB4]  }
0x39: {  	_ = 	snop;
	(pc) =	sbr.ind lr, $3  }
0x3a: {  	_ = 	snop  }
0x3b: {  	_ = 	snop  }
0x3c: {  	p2 =	seq.s32 s10, $0x1;
	s10 =	sld [smem:$0x3FB3]  }
0x3d: {  	_ =	shalt  }
0x3e: {  	_ =	shalt  }
0x3f: {  	_ =	shalt  }
0x40: {  	_ =	shalt  }
0x41: {  	_ =	shalt  }
0x42: {  	_ =	shalt  }
0x43: {  	_ =	shalt  }
0x44: {  	_ =	shalt  }
0x45: {  	_ =	shalt  }
0x46: {  	_ =	shalt  }
0x47: {  	_ =	shalt  }
0x48: {  	_ =	shalt  }
0x49: {  	_ =	shalt  }
0x4a: {  	_ =	shalt  }
0x4b: {  	_ =	shalt  }
0x4c: {  	_ =	shalt  }
0x4d: {  	_ =	shalt  }
0x4e: {  	_ =	shalt  }
0x4f: {  	_ =	shalt  }
0x50: {  	_ =	shalt  }
0x51: {  	_ =	shalt  }
0x52: {  	_ =	shalt  }
0x53: {  	_ =	shalt  }
0x54: {  	_ =	shalt  }
0x55: {  	_ =	shalt  }
0x56: {  	_ =	shalt  }
0x57: {  	_ =	shalt  }
0x58: {  	_ =	shalt  }
0x59: {  	_ =	shalt  }
0x5a: {  	_ =	shalt  }
0x5b: {  	_ =	shalt  }
0x5c: {  	_ =	shalt  }
0x5d: {  	_ =	shalt  }
0x5e: {  	_ =	shalt  }
0x5f: {  	_ =	shalt  }
0x60: {  	_ =	shalt  }
0x61: {  	_ =	shalt  }
0x62: {  	_ =	shalt  }
0x63: {  	_ =	shalt  }
0x64: {  	_ =	shalt  }
0x65: {  	_ =	shalt  }
0x66: {  	_ =	shalt  }
0x67: {  	_ =	shalt  }
0x68: {  	_ =	shalt  }
0x69: {  	_ =	shalt  }
0x6a: {  	_ =	shalt  }
0x6b: {  	_ =	shalt  }
0x6c: {  	_ =	shalt  }
0x6d: {  	_ =	shalt  }
0x6e: {  	_ =	shalt  }
0x6f: {  	_ =	shalt  }
0x70: {  	_ =	shalt  }
0x71: {  	_ =	shalt  }
0x72: {  	_ =	shalt  }
0x73: {  	_ =	shalt  }
0x74: {  	_ =	shalt  }
0x75: {  	_ =	shalt  }
0x76: {  	_ =	shalt  }
0x77: {  	_ =	shalt  }
0x78: {  	_ =	shalt  }
0x79: {  	_ =	shalt  }
0x7a: {  	_ =	shalt  }
0x7b: {  	_ =	shalt  }
0x7c: {  	_ =	shalt  }
0x7d: {  	_ =	shalt  }
0x7e: {  	_ =	shalt  }
0x7f: {  	_ =	shalt  }
0x80: {  	_ =	shalt  }
0x81: {  	_ =	shalt  }
0x82: {  	_ =	shalt  }
0x83: {  	_ =	shalt  }
0x84: {  	_ =	shalt  }
0x85: {  	_ =	shalt  }
0x86: {  	_ =	shalt  }
0x87: {  	_ =	shalt  }
.Lfunc_end0:
.L_simem_size_0:
called_computation.1_lowered:
.L_overlay_start_0:
0x88: {  	s2 =	sld [smem:$0x3FD9]  }
0x89: {  	s3 =	sld [smem:$0x3FFE];
	_ =	sdelay $0x1  }
0x8a: {  	s1 =	srdreg.scid  }
0x8b: {  	s0 =	sand.u32 $0x1, s1  }
0x8c: {  	s14 =	sshll.u32 s0, $0xA;
	s2 =	sadd.s32 s3, s2  }
0x8d: {  	s2 =	sadd.s32 s2, s14  }
0x8e: {  	[smem:$0x3FBF] =	sst s2  }
0x8f: {  	_ = 	snop  }
0x90: {  	s2 =	sld [smem:$0x3FD0];
	_ =	sdelay $0x2  }
0x91: {  	s15 =	simm.s32 $0xA;
	s4 =	simm.s32 $0x10  }
0x92: {  	[smem:s4], [sflag:s15] =	dma.local [hbm:s2], $0x1  }
0x93: {  	_ =	swait.eq [sflag:s15], $0x1  }
0x94: {  	[sflag:s15] =	ssyncset.done $0x0  }
0x95: {  	[sflag:s15] =	ssyncadd.s32 $0xFFFFFFFF  }
0x96: {  	s16 =	sld [smem:$0x10];
	(tm) =	ssettm $0x1  }
0x97: {  	s17 =	sld [smem:$0x3FFB];
	_ =	sdelay $0x3  }
0x98: {  	_ =	strace s17  }
0x99: {  	s3 =	sld [smem:$0x3FFC];
	_ =	sdelay $0x3  }
0x9a: {  	_ =	strace s3  }
0x9b: {  	s3 =	sld [smem:$0x3FFD];
	_ =	sdelay $0x3  }
0x9c: {  	_ =	strace s3  }
0x9d: {  	_ =	strace $0x8FFFFFFF  }
0x9e: {  	s18 =	sld [smem:$0x3FDB];
	_ =	sdelay $0x1  }
0x9f: {  	s19 =	simm.s32 $_scs_section_size  }
0xa0: {  	s5 =	simm.s32 $_size__tile_overlayer_lowered;
	s6 =	simm.s32 $_tile_overlayer_lowered  }
0xa1: {  	s22 =	simm.s32 $0x1BFF;
	s21 =	sshll.u32 s6, $0x1;
	s3 =	sadd.s32 s19, s18  }
0xa2: {  	s7 =	simm.s32 $0x0;
	s20 =	sshll.u32 s5, $0x1;
	s5 =	sadd.s32 s21, s3  }
0xa3: {  	[timem:s7], [sflag:s22] =	dma.local [hbm:s5], s20  }
0xa4: {  	_ =	swait.ge [sflag:s22], s20  }
0xa5: {  	s4 =	ssub.s32 $0x0, s20;
	[sflag:s22] =	ssyncset.done $0x0  }
0xa6: {  	[sflag:s22] =	ssyncadd.s32 s4;
	_ =	sdelay $0x1  }
0xa7: {  	s23 =	simm.s32 $0x1B8B  }
0xa8: {  	_ =	swait.ge [sflag:s23], $0x1  }
0xa9: {  	[sflag:s23] =	ssyncset.done $0x0  }
0xaa: {  	s25 =	simm.s32 $0x1B8E;
	s24 =	sld [smem:$0x3FFE];
	[sflag:s23] =	ssyncadd.s32 $0xFFFFFFFF  }
0xab: {  	s26 =	simm.s32 $execute0_lowered;
	[smem:$0x3FD2] =	sst s25  }
0xac: {  	s5 =	sshll.u32 s26, $0x1;
	_ =	strace $0x80000049;
	[dreg:$0x1] =	wrdreg $0xFFFFFFFF  }
0xad: {  	s28 =	simm.s32 $_size_execute0_lowered;
	s3 =	sadd.s32 s3, s5;
	[dreg:$0x0] =	wrdreg $0x0  }
0xae: {  	s5 =	sshll.u32 s28, $0x1;
	[dreg:$0x2] =	wrdreg s3  }
0xaf: {  	[dreg:$0x3] =	wrdreg s5  }
0xb0: {  	[dreg:$0x4] =	wrdreg $0xC0  }
0xb1: {  	_ =	task [dreg:s7], $0x5FFFF  }
0xb2: {  	[dreg:$0x1] =	wrdreg $0xFFFFFFFF  }
0xb3: {  	[dreg:$0x0] =	wrdreg $0x60  }
0xb4: {  	[dreg:$0x2] =	wrdreg s16  }
0xb5: {  	[dreg:$0x3] =	wrdreg s24  }
0xb6: {  	[dreg:$0x4] =	wrdreg $0xA8800  }
0xb7: {  	[dreg:$0x5] =	wrdreg $0x9  }
0xb8: {  	_ =	task.clear_ibuf [dreg:s7], $0x6FFFF;
	_ =	strace $0x90000049  }
0xb9: {  	s29 =	simm.s32 $0x9;
	_ =	strace $0x8000004B  }
0xba: {  	_ =	swait.ge [sflag:s29], $0x1  }
0xbb: {  	[sflag:s29] =	ssyncadd.s32 $0xFFFFFFFF  }
0xbc: {  	_ =	strace $0x9000004B  }
0xbd: {  	_ =	sfence  }
0xbe: {  	s30 =	sld [smem:$0x0];
	_ =	sdelay $0x2  }
0xbf: {  	s31 =	sshll.u32 s1, $0xD;
	s1 =	sshrl.u32 s1, $0x2  }
0xc0: {  	s3 =	sand.u32 $0x4000, s31;
	s1 =	sadd.s32 s1, s30  }
0xc1: {  	s0 =	sor.u32 s3, s0;
	s1 =	sshll.u32 s1, $0x11  }
0xc2: {  	s0 =	sor.u32 s1, s0  }
0xc3: {  	s0 =	sadd.s32 $0x8F2B, s0  }
0xc4: {  	[sflag:s0] =	ssyncadd.remote.s32 $0x1  }
0xc5: {  	_ =	sfence.sel $0xFFFF  }
0xc6: {  	[dreg:$0x0] =	wrdreg $0xFFFFFFFF;
	(pc) =	sbr.abs _section_cstart, $3  }
0xc7: {  	[dreg:$0x1] =	wrdreg $0xFFFFFFFF  }
0xc8: {  	_ =	task.clear_ibuf [dreg:s7], $0x2FFFF;
	_ =	strace $0x9FFFFFFF  }
0xc9: {  	(tm) =	ssettm $0x7FFFFFFF  }
tec
execute0_lowered:
.L_overlay_start_1:
0x0: {  	(tag) =	ssettag $0x1  }
0x1: {  	s1 =	rddreg [dreg:$0x0]  }
0x2: {  	s0 =	rddreg [dreg:$0x1]  }
0x3: {  	s2 =	rddreg [dreg:$0x2];
	s3 =	srdreg.scid  }
0x4: {  	s4 =	simm.s32 $0x0;
	s26 =	stileid.u32;
	s18 =	simm.s32 $0x2780  }
0x5: {  	s29 =	simm.s32 $0x1;
	s30 =	simm.s32 $0x6;
	s31 =	simm.s32 $0x0  }
0x6: {  	s3 =	sand.u32 $0x1, s3;
	[smem:$0x7FF] =	sst s4;
	s6 =	smul.u32 $0x14000, s26  }
0x7: {  	s8 =	sadd.s32 $0xC600, s0;
	s13 =	sadd.s32 $0x2800, s0;
	s10 =	smul.u32 $0x50000, s26  }
0x8: {  	s19 =	sadd.s32 $0x16400, s0;
	s7 =	sshll.u32 s26, $0x1;
	s15 =	smul.u32 $0x9C0, s26  }
0x9: {  	s28 =	sshll.u32 s26, $0x6;
	p0 =	sgt.u32 s26, $0x1;
	s26 =	simm.s32 $0x5  }
0xa: {  	s5 =	smul.u32 $0x140000, s3;
	_ =	strace $0x8000004A;
	[dreg:$0x4] =	wrdreg s19  }
0xb: {  	s9 =	ssub.s32 $0x2, s3;
	s7 =	sor.u32 s3, s7;
	s24 =	smul.u32 $0x4E0, s3  }
0xc: {  	s16 =	sor.u32 $0x1C07, s28;
	s19 =	simm.s32 $0x80;
	s20 =	sshrl.u32 s9, $0x1  }
0xd: {  	s11 =	smul.u32 $0x4E0, s7;
	s21 =	sshrl.u32 s10, $0x2;
	s7 =	sshll.u32 s7, $0x4  }
0xe: {  	s25 =	sadd.s32 s15, s13;
	s15 =	simm.s32 $0x7;
	s6 =	sadd.s32 s6, s5  }
0xf: {  	s12 =	ssub.s32 s9, s20;
	s14 =	sadd.s32 s21, s2;
	s23 =	sor.u32 $0x9C00, s7  }
0x10: {  	s20 =	simm.s32 $0x2880;
	s21 =	simm.s32 $0x3;
	s6 =	sshrl.u32 s6, $0x3  }
0x11: {  	s22 =	sadd.s32 s8, s11;
	s7 =	sadd.s32 s13, s11;
	s8 =	sadd.s32 s8, s23  }
.Ltmp0:
0x12: {  	s9 =	sadd.s32 s13, s23;
	s11 =	smax.u32 s12, $0x1;
	(pc) =	sbr.rel .LBB2_1-.Ltmp0, $4  }
0x13: {  	s17 =	sshrl.u32 s14, $0x3;
	s23 =	simm.s32 $0x6880;
	s0 =	sadd.s32 s6, s0  }
0x14: {  	[dreg:$0x5] =	wrdreg s22;
	s12 =	sadd.s32 $0x10, s7;
	s13 =	sadd.s32 $0x20, s7  }
0x15: {  	s22 =	simm.s32 $0x2800;
	s10 =	sadd.s32 $0x18C00, s0;
	s0 =	sadd.s32 s24, s25  }
0x16: {  	s24 =	simm.s32 $0x2;
	s25 =	simm.s32 $0x4;
	s0 =	sadd.s32 $0x40, s0  }
.LBB2_4:
0x17: {  	_ =	swait.ge [sflag:s30], $0x4000  }
0x18: {  	s3 =	simm.s32 @!p0 $0x0;
	[sflag:s30] =	ssyncset.done $0x0  }
0x19: {  	s5 =	simm.s32 @!p0 $0x2700;
	s14 =	simm.s32 @!p0 $0x7;
	[sflag:s30] =	ssyncadd.s32 $0xFFFFC000  }
0x1a: {  	[tilespmem:s5], [sflag:$0x7] =	stream.linear.gather @!p0 [hbm4b:s8+s3], $0x80, $0x38;
	[tilespmem:$0x1E880] =	vst v63  }
0x1b: {  	_ =	swait.ge @!p0 [sflag:s14], $0x80  }
0x1c: {  	[sflag:s14] =	ssyncset.done @!p0 $0x0  }
0x1d: {  	s28 =	simm.s32 @!p0 $0x2780;
	[sflag:s14] =	ssyncadd.s32 @!p0 $0xFFFFFF80  }
0x1e: {  	[tilespmem:s28], [sflag:$0x7] =	stream.linear.gather @!p0 [hbm4b:s9+s3], $0x80, $0x38;
	[tilespmem:$0x1E880] =	vst v63  }
0x1f: {  	_ =	swait.ge @!p0 [sflag:s14], $0x80  }
0x20: {  	[sflag:s14] =	ssyncset.done @!p0 $0x0  }
0x21: {  	s6 =	simm.s32 @!p0 $0x2880;
	s3 =	simm.s32 @!p0 $0x80;
	[sflag:s14] =	ssyncadd.s32 @!p0 $0xFFFFFF80  }
0x22: {  	[tilespmem:s6], [sflag:$0x3] =	stream.indirect.gather @!p0 [hbm4b:s1+s3], $0x80, s5, s3, $0xb8;
	[tilespmem:$0x1E880] =	vst v63  }
0x23: {  	s5 =	simm.s32 @!p0 $0x3  }
0x24: {  	_ =	swait.ge @!p0 [sflag:s5], $0x4000  }
0x25: {  	[sflag:s5] =	ssyncset.done @!p0 $0x0  }
0x26: {  	[sflag:s5] =	ssyncadd.s32 @!p0 $0xFFFFC000  }
0x27: {  	[spmem:s2] =	stream.indirect.scatter.add.f32 @!p0 [tilespmem:s6], [sflag:$0x7], $0x80, s28, s3, $0xb8;
	[tilespmem:$0x1E880] =	vst v63  }
0x28: {  	_ =	swait.ge @!p0 [sflag:s14], $0x4000  }
0x29: {  	s31 =	sadd.s32 $0x1, s31;
	[sflag:s14] =	ssyncset.done @!p0 $0x0  }
0x2a: {  	p1 =	sne.s32 s31, s11;
	[sflag:s14] =	ssyncadd.s32 @!p0 $0xFFFFC000  }
.Ltmp1:
0x2b: {  	[bflag:$0x0] =	sbarrier.arrive $0xFFFF;
	(pc) =	sbr.rel @!p1 .LBB2_5-.Ltmp1, $4  }
0x2c: {  	[hbm:s10], [sflag:s16] =	dma.local [spmem:s17], $0x2800  }
0x2d: {  	_ =	swait.ge [sflag:s15], $0x2800  }
0x2e: {  	[sflag:s15] =	ssyncset.done $0x0  }
0x2f: {  	[sflag:s15] =	ssyncadd.s32 $0xFFFFD800  }
.LBB2_1:
0x30: {  	s3 =	rddreg [dreg:$0x5]  }
0x31: {  	[tilespmem:s4], [sflag:$0x7] =	stream.linear.gather [hbm4b:s3+s4], $0x2700, $0x38;
	[tilespmem:$0x1E880] =	vst v63  }
0x32: {  	_ =	swait.ge [sflag:s15], $0x2700  }
0x33: {  	[sflag:s15] =	ssyncset.done $0x0  }
0x34: {  	s14 =	rddreg [dreg:$0x4];
	[sflag:s15] =	ssyncadd.s32 $0xFFFFD900  }
0x35: {  	[spmem:s17], [sflag:s16] =	dma.local [hbm:s14], $0x2800  }
0x36: {  	_ =	swait.ge [sflag:s15], $0x2800  }
0x37: {  	[sflag:s15] =	ssyncset.done $0x0  }
0x38: {  	[sflag:s15] =	ssyncadd.s32 $0xFFFFD800  }
0x39: {  	[bflag:$0x0] =	sbarrier.arrive $0xFFFF  }
0x3a: {  	[tilespmem:s18], [sflag:$0x7] =	stream.linear.gather [hbm4b:s7+s4], $0x80, $0x38;
	[tilespmem:$0x1E880] =	vst v63  }
0x3b: {  	_ =	swait.ge [sflag:s15], $0x80  }
0x3c: {  	[sflag:s15] =	ssyncset.done $0x0  }
0x3d: {  	[sflag:s15] =	ssyncadd.s32 $0xFFFFFF80  }
0x3e: {  	[tilespmem:s20], [sflag:$0x3] =	stream.indirect.gather [hbm4b:s1+s19], $0x80, s4, s19, $0xb8;
	[tilespmem:$0x1E880] =	vst v63  }
0x3f: {  	_ =	swait.ge [sflag:s21], $0x4000  }
0x40: {  	[sflag:s21] =	ssyncset.done $0x0  }
0x41: {  	[sflag:s21] =	ssyncadd.s32 $0xFFFFC000  }
0x42: {  	[spmem:s2] =	stream.indirect.scatter.add.f32 [tilespmem:s20], [sflag:$0x5], $0x80, s18, s19, $0xb8;
	[tilespmem:$0x1E880] =	vst v63  }
0x43: {  	_ = 	snop  }
0x44: {  	[tilespmem:s22], [sflag:$0x2] =	stream.linear.gather [hbm4b:s12+s4], $0x80, $0x38;
	[tilespmem:$0x1E880] =	vst v63  }
0x45: {  	_ = 	snop  }
0x46: {  	[tilespmem:s23], [sflag:$0x4] =	stream.indirect.gather [hbm4b:s1+s19], $0x80, s19, s19, $0xb8;
	[tilespmem:$0x1E880] =	vst v63  }
0x47: {  	_ =	swait.ge [sflag:s24], $0x80  }
0x48: {  	[sflag:s24] =	ssyncset.done $0x0  }
0x49: {  	[sflag:s24] =	ssyncadd.s32 $0xFFFFFF80  }
0x4a: {  	_ =	swait.ge [sflag:s25], $0x4000  }
0x4b: {  	[sflag:s25] =	ssyncset.done $0x0  }
0x4c: {  	[sflag:s25] =	ssyncadd.s32 $0xFFFFC000  }
0x4d: {  	[spmem:s2] =	stream.indirect.scatter.add.f32 [tilespmem:s23], [sflag:$0x6], $0x80, s22, s19, $0xb8;
	[tilespmem:$0x1E880] =	vst v63  }
0x4e: {  	_ =	swait.ge [sflag:s26], $0x4000  }
0x4f: {  	[sflag:s26] =	ssyncset.done $0x0  }
0x50: {  	[sflag:s26] =	ssyncadd.s32 $0xFFFFC000  }
0x51: {  	[tilespmem:s18], [sflag:$0x1] =	stream.linear.gather [hbm4b:s13+s4], $0x80, $0x38;
	[tilespmem:$0x1E880] =	vst v63  }
0x52: {  	s28 =	simm.s32 $0x100;
	s3 =	simm.s32 $0x0;
	s14 =	smov.u32 s0  }
0x53: {  	[tilespmem:s20], [sflag:$0x3] =	stream.indirect.gather [hbm4b:s1+s19], $0x80, s28, s19, $0xb8;
	[tilespmem:$0x1E880] =	vst v63  }
.LBB2_2:
0x54: {  	_ =	swait.ge [sflag:s29], $0x80  }
0x55: {  	[sflag:s29] =	ssyncset.done $0x0  }
0x56: {  	[sflag:s29] =	ssyncadd.s32 $0xFFFFFF80  }
0x57: {  	_ =	swait.ge [sflag:s21], $0x4000  }
0x58: {  	[sflag:s21] =	ssyncset.done $0x0  }
0x59: {  	[sflag:s21] =	ssyncadd.s32 $0xFFFFC000  }
0x5a: {  	[spmem:s2] =	stream.indirect.scatter.add.f32 [tilespmem:s20], [sflag:$0x5], $0x80, s18, s19, $0xb8;
	[tilespmem:$0x1E880] =	vst v63  }
0x5b: {  	_ =	swait.ge [sflag:s30], $0x4000  }
0x5c: {  	[sflag:s30] =	ssyncset.done $0x0  }
0x5d: {  	s28 =	sadd.s32 $0xFFFFFFF0, s14;
	[sflag:s30] =	ssyncadd.s32 $0xFFFFC000  }
0x5e: {  	[tilespmem:s22], [sflag:$0x2] =	stream.linear.gather [hbm4b:s28+s4], $0x80, $0x38;
	[tilespmem:$0x1E880] =	vst v63  }
0x5f: {  	s28 =	sshra.s32 s3, $0x2  }
0x60: {  	s5 =	sadd.s32 $0x180, s28  }
0x61: {  	[tilespmem:s23], [sflag:$0x4] =	stream.indirect.gather [hbm4b:s1+s19], $0x80, s5, s19, $0xb8;
	[tilespmem:$0x1E880] =	vst v63  }
0x62: {  	_ =	swait.ge [sflag:s24], $0x80  }
0x63: {  	[sflag:s24] =	ssyncset.done $0x0  }
0x64: {  	[sflag:s24] =	ssyncadd.s32 $0xFFFFFF80  }
0x65: {  	_ =	swait.ge [sflag:s25], $0x4000  }
0x66: {  	p1 =	seq.s32 s3, $0x9400;
	[sflag:s25] =	ssyncset.done $0x0  }
.Ltmp2:
0x67: {  	[sflag:s25] =	ssyncadd.s32 $0xFFFFC000;
	(pc) =	sbr.rel @p1 .LBB2_4-.Ltmp2, $4  }
0x68: {  	[spmem:s2] =	stream.indirect.scatter.add.f32 [tilespmem:s23], [sflag:$0x6], $0x80, s22, s19, $0xb8;
	[tilespmem:$0x1E880] =	vst v63  }
0x69: {  	_ =	swait.ge [sflag:s26], $0x4000  }
0x6a: {  	[sflag:s26] =	ssyncset.done $0x0  }
0x6b: {  	[sflag:s26] =	ssyncadd.s32 $0xFFFFC000  }
.Ltmp3:
0x6c: {  	(pc) =	sbr.rel .LBB2_2-.Ltmp3, $4  }
0x6d: {  	_ = 	snop  }
0x6e: {  	[tilespmem:s18], [sflag:$0x1] =	stream.linear.gather [hbm4b:s14+s4], $0x80, $0x38;
	[tilespmem:$0x1E880] =	vst v63  }
0x6f: {  	s5 =	sadd.s32 $0x200, s28;
	s3 =	sadd.s32 $0x400, s3;
	s14 =	sadd.s32 $0x20, s14  }
0x70: {  	[tilespmem:s20], [sflag:$0x3] =	stream.indirect.gather [hbm4b:s1+s19], $0x80, s5, s19, $0xb8;
	[tilespmem:$0x1E880] =	vst v63  }
.LBB2_5:
0x71: {  	_ =	sfence.sel $0x180000  }
0x72: {  	[bflag:$0x0] =	sbarrier.arrive $0xFFFF  }
0x73: {  	_ =	strace $0x9000004A  }
0x74: {  	s0 =	stileid.u32;
	[bflag:$0x2] =	sbarrier.arrive $0xFFFF  }
0x75: {  	p0 =	sne.s32 s0, $0x0;
	s0 =	rddreg [dreg:$0x3]  }
0x76: {  	s0 =	sadd.s32 @!p0 $0x100000, s0  }
0x77: {  	[sflag:s0] =	ssyncadd.tile.s32 @!p0 $0x1;
	_ =	shalt  }
.Lfunc_end2:
_tile_overlayer_lowered:
.L_overlay_start_2:
0x78: {  	(tag) =	ssettag $0x2  }
0x79: {  	s0 =	rddreg [dreg:$0x0];
	s2 =	stileid.u32  }
0x7a: {  	s1 =	rddreg [dreg:$0x1];
	p0 =	sne.s32 s2, $0x0  }
0x7b: {  	s3 =	rddreg [dreg:$0x2];
	[bflag:$0x3] =	sbarrier.arrive $0xFFFF;
	s2 =	simm.s32 @!p0 $0x1C07  }
0x7c: {  	[timem:s3], [sflag:s2] =	dma.local @!p0 [hbm:s0], s1  }
0x7d: {  	s0 =	simm.s32 @!p0 $0x7  }
0x7e: {  	_ =	swait.ge @!p0 [sflag:s0], s1  }
0x7f: {  	s1 =	ssub.s32 @!p0 $0x0, s1;
	[sflag:s0] =	ssyncset.done @!p0 $0x0  }
0x80: {  	[sflag:s0] =	ssyncadd.s32 @!p0 s1  }
0x81: {  	[bflag:$0x3] =	sbarrier.arrive $0xFFFF  }
0x82: {  	_ =	shalt  }

</sc_bundles>
